<compile_context>
chip_gen: v7x
topology: tpu7x:2x2x1
jax: 0.10.2.dev20260603
libtpu: 0.0.44.dev20260713+nightly
codegen_flags: <defaults>
</compile_context>

<pallas_src>
import functools

import jax
import jax.numpy as jnp
from jax import lax
from jax.experimental import pallas as pl
from jax.experimental.pallas import tpu as pltpu
from jax.experimental.pallas import tpu_sc as plsc

_NC = 2
_NS = 16
_NW = _NC * _NS

_CW = 128


def _pool_sc(q_idx4, c_idx4, q_table, c_table, *, B, L, D):
    rows_per_w = B // _NW
    nk = rows_per_w // _CW

    mesh = plsc.VectorSubcoreMesh(core_axis_name="c", subcore_axis_name="s")

    n_slots = nk + 2

    @functools.partial(
        pl.kernel,
        mesh=mesh,
        out_type=(
            jax.ShapeDtypeStruct((B, D), jnp.float32),
            jax.ShapeDtypeStruct((B, D), jnp.float32),
        ),
        scratch_types=[
            pltpu.VMEM((L, nk, _CW), jnp.int32),
            pltpu.VMEM((L, nk, _CW), jnp.int32),
            pltpu.VMEM((n_slots * _CW, D), jnp.float32),
            [pltpu.SemaphoreType.DMA] * n_slots,
            [pltpu.SemaphoreType.DMA] * nk,
            [pltpu.SemaphoreType.DMA] * nk,
        ],
    )
    def pool(q_idx_hbm, c_idx_hbm, q_tab_hbm, c_tab_hbm,
             q_out_hbm, c_out_hbm, idxq_v, idxc_v, acc_v,
             gsem, osem, cosem):
        wid = lax.axis_index("s") * _NC + lax.axis_index("c")
        base = wid * rows_per_w

        def win(s):
            return acc_v.at[pl.ds(s * _CW, _CW)]

        def drain_window(tab_hbm, s):
            def drain(j, carry):
                pltpu.make_async_copy(
                    tab_hbm.at[pl.ds(0, _CW)], win(s), gsem[s]).wait()
                return carry

            lax.fori_loop(1, L, drain, 0)

        def fire_win(idx_v, tab_hbm, k, s, init):
            init.wait()

            def passes(j, carry):
                pltpu.async_copy(
                    tab_hbm.at[idx_v.at[j, k]], win(s), gsem[s], add=True)
                return carry

            lax.fori_loop(1, L, passes, 0)

        c_slot = [(nk + w) % n_slots for w in range(nk)]

        pltpu.sync_copy(q_idx_hbm.at[wid, 0], idxq_v.at[0])
        q_inits = [
            pltpu.async_copy(q_tab_hbm.at[idxq_v.at[0, k]], win(k), gsem[k])
            for k in range(nk)
        ]
        pltpu.sync_copy(q_idx_hbm.at[wid, pl.ds(1, L - 1)],
                        idxq_v.at[pl.ds(1, L - 1)])
        for k in range(nk):
            fire_win(idxq_v, q_tab_hbm, k, k, q_inits[k])

        pltpu.sync_copy(c_idx_hbm.at[wid], idxc_v)
        for w in range(2):
            s = c_slot[w]
            init = pltpu.async_copy(
                c_tab_hbm.at[idxc_v.at[0, w]], win(s), gsem[s])
            fire_win(idxc_v, c_tab_hbm, w, s, init)

        for k in range(nk):
            drain_window(q_tab_hbm, k)
            pltpu.async_copy(
                win(k), q_out_hbm.at[pl.ds(base + k * _CW, _CW)], osem[k])

        for w in range(2, nk):
            s = c_slot[w]
            pltpu.make_async_copy(
                win(s), q_out_hbm.at[pl.ds(base + s * _CW, _CW)], osem[s],
            ).wait()
            init = pltpu.async_copy(
                c_tab_hbm.at[idxc_v.at[0, w]], win(s), gsem[s])
            fire_win(idxc_v, c_tab_hbm, w, s, init)

        for w in range(nk):
            s = c_slot[w]
            drain_window(c_tab_hbm, s)
            pltpu.async_copy(
                win(s), c_out_hbm.at[pl.ds(base + w * _CW, _CW)], cosem[w])

        for k in range(nk):
            if k not in [c_slot[w] for w in range(2, nk)]:
                pltpu.make_async_copy(
                    win(k), q_out_hbm.at[pl.ds(base + k * _CW, _CW)],
                    osem[k],
                ).wait()
        for w in range(nk):
            pltpu.make_async_copy(
                win(c_slot[w]), c_out_hbm.at[pl.ds(base + w * _CW, _CW)],
                cosem[w],
            ).wait()

    return pool(q_idx4, c_idx4, q_table, c_table)


def _mlp_tc(q_pooled, c_pooled, q_ws, q_bs, c_ws, c_bs, *, B, D):
    blk = 8192
    grid = (B // blk,)

    n_layers = len(q_ws)
    out_d = q_ws[-1].shape[0]

    def body(qp_ref, cp_ref, *refs):
        q_wrefs = refs[0:n_layers]
        q_brefs = refs[n_layers:2 * n_layers]
        c_wrefs = refs[2 * n_layers:3 * n_layers]
        c_brefs = refs[3 * n_layers:4 * n_layers]
        q_out_ref, c_out_ref = refs[4 * n_layers:]

        def tower(x, wrefs, brefs):
            for w_ref, b_ref in zip(wrefs[:-1], brefs[:-1]):
                y = lax.dot_general(
                    x, w_ref[...], (((1,), (1,)), ((), ())),
                    preferred_element_type=jnp.float32,
                )
                x = jnp.maximum(y + b_ref[...], 0.0)
            y = lax.dot_general(
                wrefs[-1][...], x, (((1,), (1,)), ((), ())),
                preferred_element_type=jnp.float32,
            )
            return jnp.maximum(y + brefs[-1][...], 0.0)

        q_out_ref[...] = tower(qp_ref[...], q_wrefs, q_brefs)
        c_out_ref[...] = tower(cp_ref[...], c_wrefs, c_brefs)

    x_spec = pl.BlockSpec((blk, D), lambda i: (i, 0))
    full = lambda a: pl.BlockSpec(a.shape, lambda i: (0,) * a.ndim)
    in_specs = (
        [x_spec, x_spec]
        + [full(w) for w in q_ws] + [full(b) for b in q_bs]
        + [full(w) for w in c_ws] + [full(b) for b in c_bs]
    )
    out_specs = (
        pl.BlockSpec((out_d, blk), lambda i: (0, i)),
        pl.BlockSpec((out_d, blk), lambda i: (0, i)),
    )
    q_t, c_t = pl.pallas_call(
        body,
        grid=grid,
        in_specs=in_specs,
        out_specs=out_specs,
        out_shape=(
            jax.ShapeDtypeStruct((out_d, B), jnp.float32),
            jax.ShapeDtypeStruct((out_d, B), jnp.float32),
        ),
    )(q_pooled, c_pooled, *q_ws, *q_bs, *c_ws, *c_bs)
    return q_t.T, c_t.T


def kernel(query_indices, candidate_indices, q_table, c_table,
           q_w0, q_b0, q_w1, q_b1, q_w2, q_b2,
           c_w0, c_b0, c_w1, c_b1, c_w2, c_b2):
    B, L = query_indices.shape
    V, D = q_table.shape
    rows_per_w = B // _NW
    nk = rows_per_w // _CW

    def prep(idx):
        idx = idx.astype(jnp.int32)
        return idx.reshape(_NW, nk, _CW, L).transpose(0, 3, 1, 2)

    q_pooled, c_pooled = _pool_sc(
        prep(query_indices), prep(candidate_indices), q_table, c_table,
        B=B, L=L, D=D,
    )

    q_bs = [q_b0.reshape(1, -1), q_b1.reshape(1, -1), q_b2.reshape(-1, 1)]
    c_bs = [c_b0.reshape(1, -1), c_b1.reshape(1, -1), c_b2.reshape(-1, 1)]
    return _mlp_tc(
        q_pooled, c_pooled,
        [q_w0, q_w1, q_w2], q_bs, [c_w0, c_w1, c_w2], c_bs,
        B=B, D=D,
    )

# --- scband reference (transcript-rebuilt; emitter-appended) ---
"""Pipeline reference for scband-two-tower-13176959664654 (READ-ONLY COPY).

The authoritative reference and input builder live on the scoring server;
editing this copy changes nothing except your own understanding.
"""

import jax, jax.numpy as jnp
import numpy as np

B = 16384
L = 20
V = 100000
D = 128
LAYER_SIZES = [128, 64, 32]


def _make_mlp_params(key, in_size, layer_sizes):
    params = []
    sizes = [in_size] + list(layer_sizes)
    for i in range(len(layer_sizes)):
        key, k1, k2 = jax.random.split(key, 3)
        scale = 1.0 / np.sqrt(sizes[i])
        W = jax.random.uniform(k1, (sizes[i + 1], sizes[i]), jnp.float32, -scale, scale)
        b = jax.random.uniform(k2, (sizes[i + 1],), jnp.float32, -scale, scale)
        params.append((W, b))
    return params


def setup_inputs(seed: int = 0) -> dict:
    key = jax.random.key(seed)
    ks = jax.random.split(key, 6)
    query_indices = jax.random.randint(ks[0], (B, L), 0, V, dtype=jnp.int64 if jax.config.jax_enable_x64 else jnp.int32)
    candidate_indices = jax.random.randint(ks[1], (B, L), 0, V, dtype=jnp.int64 if jax.config.jax_enable_x64 else jnp.int32)
    q_table = jax.random.normal(ks[2], (V, D), jnp.float32) * 0.01
    c_table = jax.random.normal(ks[3], (V, D), jnp.float32) * 0.01
    q_mlp = _make_mlp_params(ks[4], D, LAYER_SIZES)
    c_mlp = _make_mlp_params(ks[5], D, LAYER_SIZES)
    inp = {
        'query_indices': query_indices,
        'candidate_indices': candidate_indices,
        'q_table': q_table,
        'c_table': c_table,
    }
    for i, (W, b) in enumerate(q_mlp):
        inp[f'q_w{i}'] = W
        inp[f'q_b{i}'] = b
    for i, (W, b) in enumerate(c_mlp):
        inp[f'c_w{i}'] = W
        inp[f'c_b{i}'] = b
    return inp


def _mlp(x, params):
    # torchrec MLP: Perceptron = Linear + activation (relu) on every layer
    for W, b in params:
        x = jax.nn.relu(x @ W.T + b)
    return x


def reference(query_indices, candidate_indices, q_table, c_table,
              q_w0, q_b0, q_w1, q_b1, q_w2, q_b2,
              c_w0, c_b0, c_w1, c_b1, c_w2, c_b2):
    # EmbeddingBagCollection with sum pooling (EmbeddingBag default mode='sum')
    q_pooled = jnp.take(q_table, query_indices, axis=0).sum(axis=1)      # [B, D]
    c_pooled = jnp.take(c_table, candidate_indices, axis=0).sum(axis=1)  # [B, D]
    query_embedding = _mlp(q_pooled, [(q_w0, q_b0), (q_w1, q_b1), (q_w2, q_b2)])
    candidate_embedding = _mlp(c_pooled, [(c_w0, c_b0), (c_w1, c_b1), (c_w2, c_b2)])
    return (query_embedding, candidate_embedding)

if __name__ == "__main__":
    import jax
    _d = setup_inputs()
    print(jax.jit(kernel)(*tuple(_d.values())))

</pallas_src>

<mosaic_0001>
#map = affine_map<(d0, d1) -> (0, 0, 0, 0)>
#map1 = affine_map<(d0, d1) -> (0, 0)>
module attributes {stable_mosaic.version = 14 : i64} {
  func.func @pool(%arg0: i32, %arg1: i32, %arg2: memref<32x20x4x128xi32, #tpu.memory_space<hbm>>, %arg3: memref<32x20x4x128xi32, #tpu.memory_space<hbm>>, %arg4: memref<100000x128xf32, #tpu.memory_space<hbm>>, %arg5: memref<100000x128xf32, #tpu.memory_space<hbm>>, %arg6: memref<16384x128xf32, #tpu.memory_space<hbm>>, %arg7: memref<16384x128xf32, #tpu.memory_space<hbm>>, %arg8: memref<20x4x128xi32, #tpu.memory_space<vmem>>, %arg9: memref<20x4x128xi32, #tpu.memory_space<vmem>>, %arg10: memref<768x128xf32, #tpu.memory_space<vmem>>, %arg11: memref<!tpu.dma_semaphore, #tpu.memory_space<semaphore_mem>>, %arg12: memref<!tpu.dma_semaphore, #tpu.memory_space<semaphore_mem>>, %arg13: memref<!tpu.dma_semaphore, #tpu.memory_space<semaphore_mem>>, %arg14: memref<!tpu.dma_semaphore, #tpu.memory_space<semaphore_mem>>, %arg15: memref<!tpu.dma_semaphore, #tpu.memory_space<semaphore_mem>>, %arg16: memref<!tpu.dma_semaphore, #tpu.memory_space<semaphore_mem>>, %arg17: memref<!tpu.dma_semaphore, #tpu.memory_space<semaphore_mem>>, %arg18: memref<!tpu.dma_semaphore, #tpu.memory_space<semaphore_mem>>, %arg19: memref<!tpu.dma_semaphore, #tpu.memory_space<semaphore_mem>>, %arg20: memref<!tpu.dma_semaphore, #tpu.memory_space<semaphore_mem>>, %arg21: memref<!tpu.dma_semaphore, #tpu.memory_space<semaphore_mem>>, %arg22: memref<!tpu.dma_semaphore, #tpu.memory_space<semaphore_mem>>, %arg23: memref<!tpu.dma_semaphore, #tpu.memory_space<semaphore_mem>>, %arg24: memref<!tpu.dma_semaphore, #tpu.memory_space<semaphore_mem>>) attributes {dimension_semantics = [#tpu.dimension_semantics<core_parallel>, #tpu.dimension_semantics<subcore_parallel>], iteration_bounds = array<i64: 2, 16>, scalar_prefetch = 0 : i64, scratch_operands = 17 : i64, tpu.core_type = #tpu.core_type<sc_vector_subcore>, window_params = [{transform_indices = #map}, {transform_indices = #map}, {transform_indices = #map1}, {transform_indices = #map1}, {transform_indices = #map1}, {transform_indices = #map1}]} {
    %mul3A = arith.constant 2 : i32
    %mul3A_0 = arith.muli %arg1, %mul3A : i32
    %add3A = arith.addi %mul3A_0, %arg0 : i32
    %mul3A_1 = arith.constant 512 : i32
    %mul3A_2 = arith.muli %add3A, %mul3A_1 : i32
    %run_scoped3A = arith.constant 0 : i32
    %run_scoped3A_3 = arith.constant 0 : i32
    "tpu.region"() ({
      %run_scoped3A_465 = tpu.sem_alloc : memref<!tpu.dma_semaphore, #tpu.memory_space<semaphore_mem>>
      %dma_start3A_466 = arith.constant 0 : i32
      %dma_start3A_467 = arith.constant 0 : i32
      %dma_start3A_468 = tpu.memref_slice %arg8[%run_scoped3A_3, %dma_start3A_466, %dma_start3A_467] : memref<20x4x128xi32, #tpu.memory_space<vmem>> -> memref<1x4x128xi32, #tpu.memory_space<vmem>>
      %dma_start3A_469 = tpu.memref_squeeze %dma_start3A_468 : memref<1x4x128xi32, #tpu.memory_space<vmem>> -> memref<4x128xi32, #tpu.memory_space<vmem>>
      %dma_start3A_470 = arith.constant 0 : i32
      %dma_start3A_471 = arith.constant 0 : i32
      %dma_start3A_472 = tpu.memref_slice %arg2[%add3A, %run_scoped3A, %dma_start3A_470, %dma_start3A_471] : memref<32x20x4x128xi32, #tpu.memory_space<hbm>> -> memref<1x1x4x128xi32, #tpu.memory_space<hbm>>
      %dma_start3A_473 = tpu.memref_squeeze %dma_start3A_472 : memref<1x1x4x128xi32, #tpu.memory_space<hbm>> -> memref<4x128xi32, #tpu.memory_space<hbm>>
      %dma_start3A_474 = arith.constant 0 : i32
      %dma_start3A_475 = arith.constant 0 : i32
      %dma_start3A_476 = tpu.memref_slice %arg8[%run_scoped3A_3, %dma_start3A_474, %dma_start3A_475] : memref<20x4x128xi32, #tpu.memory_space<vmem>> -> memref<1x4x128xi32, #tpu.memory_space<vmem>>
      %dma_start3A_477 = tpu.memref_squeeze %dma_start3A_476 : memref<1x4x128xi32, #tpu.memory_space<vmem>> -> memref<4x128xi32, #tpu.memory_space<vmem>>
      %dma_start3A_478 = arith.constant 0 : i32
      %dma_start3A_479 = arith.constant 0 : i32
      %dma_start3A_480 = tpu.memref_slice %arg2[%add3A, %run_scoped3A, %dma_start3A_478, %dma_start3A_479] : memref<32x20x4x128xi32, #tpu.memory_space<hbm>> -> memref<1x1x4x128xi32, #tpu.memory_space<hbm>>
      %dma_start3A_481 = tpu.memref_squeeze %dma_start3A_480 : memref<1x1x4x128xi32, #tpu.memory_space<hbm>> -> memref<4x128xi32, #tpu.memory_space<hbm>>
      tpu.enqueue_dma source(%dma_start3A_481 : memref<4x128xi32, #tpu.memory_space<hbm>>) target(%dma_start3A_477 : memref<4x128xi32, #tpu.memory_space<vmem>>) target_semaphore(%run_scoped3A_465 : memref<!tpu.dma_semaphore, #tpu.memory_space<semaphore_mem>>)
      %dma_wait3A_482 = arith.constant 0 : i32
      %dma_wait3A_483 = arith.constant 0 : i32
      %dma_wait3A_484 = tpu.memref_slice %arg8[%run_scoped3A_3, %dma_wait3A_482, %dma_wait3A_483] : memref<20x4x128xi32, #tpu.memory_space<vmem>> -> memref<1x4x128xi32, #tpu.memory_space<vmem>>
      %dma_wait3A_485 = tpu.memref_squeeze %dma_wait3A_484 : memref<1x4x128xi32, #tpu.memory_space<vmem>> -> memref<4x128xi32, #tpu.memory_space<vmem>>
      %dma_wait3A_486 = arith.constant 0 : i32
      %dma_wait3A_487 = arith.constant 0 : i32
      %dma_wait3A_488 = tpu.memref_slice %arg2[%add3A, %run_scoped3A, %dma_wait3A_486, %dma_wait3A_487] : memref<32x20x4x128xi32, #tpu.memory_space<hbm>> -> memref<1x1x4x128xi32, #tpu.memory_space<hbm>>
      %dma_wait3A_489 = tpu.memref_squeeze %dma_wait3A_488 : memref<1x1x4x128xi32, #tpu.memory_space<hbm>> -> memref<4x128xi32, #tpu.memory_space<hbm>>
      %dma_wait3A_490 = arith.constant 0 : i32
      %dma_wait3A_491 = arith.constant 0 : i32
      %dma_wait3A_492 = tpu.memref_slice %arg8[%run_scoped3A_3, %dma_wait3A_490, %dma_wait3A_491] : memref<20x4x128xi32, #tpu.memory_space<vmem>> -> memref<1x4x128xi32, #tpu.memory_space<vmem>>
      %dma_wait3A_493 = tpu.memref_squeeze %dma_wait3A_492 : memref<1x4x128xi32, #tpu.memory_space<vmem>> -> memref<4x128xi32, #tpu.memory_space<vmem>>
      %dma_wait3A_494 = arith.constant 0 : i32
      %dma_wait3A_495 = arith.constant 0 : i32
      %dma_wait3A_496 = tpu.memref_slice %arg2[%add3A, %run_scoped3A, %dma_wait3A_494, %dma_wait3A_495] : memref<32x20x4x128xi32, #tpu.memory_space<hbm>> -> memref<1x1x4x128xi32, #tpu.memory_space<hbm>>
      %dma_wait3A_497 = tpu.memref_squeeze %dma_wait3A_496 : memref<1x1x4x128xi32, #tpu.memory_space<hbm>> -> memref<4x128xi32, #tpu.memory_space<hbm>>
      tpu.wait_dma2 semaphore(%run_scoped3A_465 : memref<!tpu.dma_semaphore, #tpu.memory_space<semaphore_mem>>) src(%dma_wait3A_497 : memref<4x128xi32, #tpu.memory_space<hbm>>) dst(%dma_wait3A_493 : memref<4x128xi32, #tpu.memory_space<vmem>>)
      tpu.yield
    }) : () -> ()
    %dma_start3A = arith.constant 0 : i32
    %dma_start3A_4 = arith.constant 0 : i32
    %dma_start3A_5 = arith.constant 0 : i32
    %dma_start3A_6 = arith.constant 0 : i32
    %dma_start3A_7 = tpu.memref_slice %arg10[%dma_start3A_5, %dma_start3A_6] : memref<768x128xf32, #tpu.memory_space<vmem>> -> memref<128x128xf32, #tpu.memory_space<vmem>>
    %dma_start3A_8 = arith.constant 0 : i32
    %dma_start3A_9 = tpu.memref_slice %arg8[%dma_start3A, %dma_start3A_4, %dma_start3A_8] : memref<20x4x128xi32, #tpu.memory_space<vmem>> -> memref<1x1x128xi32, #tpu.memory_space<vmem>>
    %dma_start3A_10 = tpu.memref_squeeze %dma_start3A_9 : memref<1x1x128xi32, #tpu.memory_space<vmem>> -> memref<128xi32, #tpu.memory_space<vmem>>
    %dma_start3A_11 = arith.constant 0 : i32
    %dma_start3A_12 = arith.constant 0 : i32
    %dma_start3A_13 = tpu.memref_slice %arg4[%dma_start3A_11, %dma_start3A_12] : memref<100000x128xf32, #tpu.memory_space<hbm>> -> memref<100000x128xf32, #tpu.memory_space<hbm>>
    tpu.enqueue_indirect_dma source(%dma_start3A_13 : memref<100000x128xf32, #tpu.memory_space<hbm>>) target(%dma_start3A_7 : memref<128x128xf32, #tpu.memory_space<vmem>>) offsets(%dma_start3A_10 : memref<128xi32, #tpu.memory_space<vmem>>) semaphore(%arg11 : memref<!tpu.dma_semaphore, #tpu.memory_space<semaphore_mem>>)
    %dma_start3A_14 = arith.constant 0 : i32
    %dma_start3A_15 = arith.constant 1 : i32
    %dma_start3A_16 = arith.constant 128 : i32
    %dma_start3A_17 = arith.constant 0 : i32
    %dma_start3A_18 = tpu.memref_slice %arg10[%dma_start3A_16, %dma_start3A_17] : memref<768x128xf32, #tpu.memory_space<vmem>> -> memref<128x128xf32, #tpu.memory_space<vmem>>
    %dma_start3A_19 = arith.constant 0 : i32
    %dma_start3A_20 = tpu.memref_slice %arg8[%dma_start3A_14, %dma_start3A_15, %dma_start3A_19] : memref<20x4x128xi32, #tpu.memory_space<vmem>> -> memref<1x1x128xi32, #tpu.memory_space<vmem>>
    %dma_start3A_21 = tpu.memref_squeeze %dma_start3A_20 : memref<1x1x128xi32, #tpu.memory_space<vmem>> -> memref<128xi32, #tpu.memory_space<vmem>>
    %dma_start3A_22 = arith.constant 0 : i32
    %dma_start3A_23 = arith.constant 0 : i32
    %dma_start3A_24 = tpu.memref_slice %arg4[%dma_start3A_22, %dma_start3A_23] : memref<100000x128xf32, #tpu.memory_space<hbm>> -> memref<100000x128xf32, #tpu.memory_space<hbm>>
    tpu.enqueue_indirect_dma source(%dma_start3A_24 : memref<100000x128xf32, #tpu.memory_space<hbm>>) target(%dma_start3A_18 : memref<128x128xf32, #tpu.memory_space<vmem>>) offsets(%dma_start3A_21 : memref<128xi32, #tpu.memory_space<vmem>>) semaphore(%arg12 : memref<!tpu.dma_semaphore, #tpu.memory_space<semaphore_mem>>)
    %dma_start3A_25 = arith.constant 0 : i32
    %dma_start3A_26 = arith.constant 2 : i32
    %dma_start3A_27 = arith.constant 256 : i32
    %dma_start3A_28 = arith.constant 0 : i32
    %dma_start3A_29 = tpu.memref_slice %arg10[%dma_start3A_27, %dma_start3A_28] : memref<768x128xf32, #tpu.memory_space<vmem>> -> memref<128x128xf32, #tpu.memory_space<vmem>>
    %dma_start3A_30 = arith.constant 0 : i32
    %dma_start3A_31 = tpu.memref_slice %arg8[%dma_start3A_25, %dma_start3A_26, %dma_start3A_30] : memref<20x4x128xi32, #tpu.memory_space<vmem>> -> memref<1x1x128xi32, #tpu.memory_space<vmem>>
    %dma_start3A_32 = tpu.memref_squeeze %dma_start3A_31 : memref<1x1x128xi32, #tpu.memory_space<vmem>> -> memref<128xi32, #tpu.memory_space<vmem>>
    %dma_start3A_33 = arith.constant 0 : i32
    %dma_start3A_34 = arith.constant 0 : i32
    %dma_start3A_35 = tpu.memref_slice %arg4[%dma_start3A_33, %dma_start3A_34] : memref<100000x128xf32, #tpu.memory_space<hbm>> -> memref<100000x128xf32, #tpu.memory_space<hbm>>
    tpu.enqueue_indirect_dma source(%dma_start3A_35 : memref<100000x128xf32, #tpu.memory_space<hbm>>) target(%dma_start3A_29 : memref<128x128xf32, #tpu.memory_space<vmem>>) offsets(%dma_start3A_32 : memref<128xi32, #tpu.memory_space<vmem>>) semaphore(%arg13 : memref<!tpu.dma_semaphore, #tpu.memory_space<semaphore_mem>>)
    %dma_start3A_36 = arith.constant 0 : i32
    %dma_start3A_37 = arith.constant 3 : i32
    %dma_start3A_38 = arith.constant 384 : i32
    %dma_start3A_39 = arith.constant 0 : i32
    %dma_start3A_40 = tpu.memref_slice %arg10[%dma_start3A_38, %dma_start3A_39] : memref<768x128xf32, #tpu.memory_space<vmem>> -> memref<128x128xf32, #tpu.memory_space<vmem>>
    %dma_start3A_41 = arith.constant 0 : i32
    %dma_start3A_42 = tpu.memref_slice %arg8[%dma_start3A_36, %dma_start3A_37, %dma_start3A_41] : memref<20x4x128xi32, #tpu.memory_space<vmem>> -> memref<1x1x128xi32, #tpu.memory_space<vmem>>
    %dma_start3A_43 = tpu.memref_squeeze %dma_start3A_42 : memref<1x1x128xi32, #tpu.memory_space<vmem>> -> memref<128xi32, #tpu.memory_space<vmem>>
    %dma_start3A_44 = arith.constant 0 : i32
    %dma_start3A_45 = arith.constant 0 : i32
    %dma_start3A_46 = tpu.memref_slice %arg4[%dma_start3A_44, %dma_start3A_45] : memref<100000x128xf32, #tpu.memory_space<hbm>> -> memref<100000x128xf32, #tpu.memory_space<hbm>>
    tpu.enqueue_indirect_dma source(%dma_start3A_46 : memref<100000x128xf32, #tpu.memory_space<hbm>>) target(%dma_start3A_40 : memref<128x128xf32, #tpu.memory_space<vmem>>) offsets(%dma_start3A_43 : memref<128xi32, #tpu.memory_space<vmem>>) semaphore(%arg14 : memref<!tpu.dma_semaphore, #tpu.memory_space<semaphore_mem>>)
    "tpu.region"() ({
      %run_scoped3A_465 = tpu.sem_alloc : memref<!tpu.dma_semaphore, #tpu.memory_space<semaphore_mem>>
      %dma_start3A_466 = arith.constant 1 : i32
      %dma_start3A_467 = arith.constant 0 : i32
      %dma_start3A_468 = arith.constant 0 : i32
      %dma_start3A_469 = tpu.memref_slice %arg8[%dma_start3A_466, %dma_start3A_467, %dma_start3A_468] : memref<20x4x128xi32, #tpu.memory_space<vmem>> -> memref<19x4x128xi32, #tpu.memory_space<vmem>>
      %dma_start3A_470 = arith.constant 1 : i32
      %dma_start3A_471 = arith.constant 0 : i32
      %dma_start3A_472 = arith.constant 0 : i32
      %dma_start3A_473 = tpu.memref_slice %arg2[%add3A, %dma_start3A_470, %dma_start3A_471, %dma_start3A_472] : memref<32x20x4x128xi32, #tpu.memory_space<hbm>> -> memref<1x19x4x128xi32, #tpu.memory_space<hbm>>
      %dma_start3A_474 = tpu.memref_squeeze %dma_start3A_473 : memref<1x19x4x128xi32, #tpu.memory_space<hbm>> -> memref<19x4x128xi32, #tpu.memory_space<hbm>>
      %dma_start3A_475 = arith.constant 1 : i32
      %dma_start3A_476 = arith.constant 0 : i32
      %dma_start3A_477 = arith.constant 0 : i32
      %dma_start3A_478 = tpu.memref_slice %arg8[%dma_start3A_475, %dma_start3A_476, %dma_start3A_477] : memref<20x4x128xi32, #tpu.memory_space<vmem>> -> memref<19x4x128xi32, #tpu.memory_space<vmem>>
      %dma_start3A_479 = arith.constant 1 : i32
      %dma_start3A_480 = arith.constant 0 : i32
      %dma_start3A_481 = arith.constant 0 : i32
      %dma_start3A_482 = tpu.memref_slice %arg2[%add3A, %dma_start3A_479, %dma_start3A_480, %dma_start3A_481] : memref<32x20x4x128xi32, #tpu.memory_space<hbm>> -> memref<1x19x4x128xi32, #tpu.memory_space<hbm>>
      %dma_start3A_483 = tpu.memref_squeeze %dma_start3A_482 : memref<1x19x4x128xi32, #tpu.memory_space<hbm>> -> memref<19x4x128xi32, #tpu.memory_space<hbm>>
      tpu.enqueue_dma source(%dma_start3A_483 : memref<19x4x128xi32, #tpu.memory_space<hbm>>) target(%dma_start3A_478 : memref<19x4x128xi32, #tpu.memory_space<vmem>>) target_semaphore(%run_scoped3A_465 : memref<!tpu.dma_semaphore, #tpu.memory_space<semaphore_mem>>)
      %dma_wait3A_484 = arith.constant 1 : i32
      %dma_wait3A_485 = arith.constant 0 : i32
      %dma_wait3A_486 = arith.constant 0 : i32
      %dma_wait3A_487 = tpu.memref_slice %arg8[%dma_wait3A_484, %dma_wait3A_485, %dma_wait3A_486] : memref<20x4x128xi32, #tpu.memory_space<vmem>> -> memref<19x4x128xi32, #tpu.memory_space<vmem>>
      %dma_wait3A_488 = arith.constant 1 : i32
      %dma_wait3A_489 = arith.constant 0 : i32
      %dma_wait3A_490 = arith.constant 0 : i32
      %dma_wait3A_491 = tpu.memref_slice %arg2[%add3A, %dma_wait3A_488, %dma_wait3A_489, %dma_wait3A_490] : memref<32x20x4x128xi32, #tpu.memory_space<hbm>> -> memref<1x19x4x128xi32, #tpu.memory_space<hbm>>
      %dma_wait3A_492 = tpu.memref_squeeze %dma_wait3A_491 : memref<1x19x4x128xi32, #tpu.memory_space<hbm>> -> memref<19x4x128xi32, #tpu.memory_space<hbm>>
      %dma_wait3A_493 = arith.constant 1 : i32
      %dma_wait3A_494 = arith.constant 0 : i32
      %dma_wait3A_495 = arith.constant 0 : i32
      %dma_wait3A_496 = tpu.memref_slice %arg8[%dma_wait3A_493, %dma_wait3A_494, %dma_wait3A_495] : memref<20x4x128xi32, #tpu.memory_space<vmem>> -> memref<19x4x128xi32, #tpu.memory_space<vmem>>
      %dma_wait3A_497 = arith.constant 1 : i32
      %dma_wait3A_498 = arith.constant 0 : i32
      %dma_wait3A_499 = arith.constant 0 : i32
      %dma_wait3A_500 = tpu.memref_slice %arg2[%add3A, %dma_wait3A_497, %dma_wait3A_498, %dma_wait3A_499] : memref<32x20x4x128xi32, #tpu.memory_space<hbm>> -> memref<1x19x4x128xi32, #tpu.memory_space<hbm>>
      %dma_wait3A_501 = tpu.memref_squeeze %dma_wait3A_500 : memref<1x19x4x128xi32, #tpu.memory_space<hbm>> -> memref<19x4x128xi32, #tpu.memory_space<hbm>>
      tpu.wait_dma2 semaphore(%run_scoped3A_465 : memref<!tpu.dma_semaphore, #tpu.memory_space<semaphore_mem>>) src(%dma_wait3A_501 : memref<19x4x128xi32, #tpu.memory_space<hbm>>) dst(%dma_wait3A_496 : memref<19x4x128xi32, #tpu.memory_space<vmem>>)
      tpu.yield
    }) : () -> ()
    %dma_wait3A = arith.constant 0 : i32
    %dma_wait3A_47 = arith.constant 0 : i32
    %dma_wait3A_48 = arith.constant 0 : i32
    %dma_wait3A_49 = arith.constant 0 : i32
    %dma_wait3A_50 = tpu.memref_slice %arg10[%dma_wait3A_48, %dma_wait3A_49] : memref<768x128xf32, #tpu.memory_space<vmem>> -> memref<128x128xf32, #tpu.memory_space<vmem>>
    %dma_wait3A_51 = arith.constant 0 : i32
    %dma_wait3A_52 = tpu.memref_slice %arg8[%dma_wait3A, %dma_wait3A_47, %dma_wait3A_51] : memref<20x4x128xi32, #tpu.memory_space<vmem>> -> memref<1x1x128xi32, #tpu.memory_space<vmem>>
    %dma_wait3A_53 = tpu.memref_squeeze %dma_wait3A_52 : memref<1x1x128xi32, #tpu.memory_space<vmem>> -> memref<128xi32, #tpu.memory_space<vmem>>
    %dma_wait3A_54 = arith.constant 0 : i32
    %dma_wait3A_55 = arith.constant 0 : i32
    %dma_wait3A_56 = tpu.memref_slice %arg4[%dma_wait3A_54, %dma_wait3A_55] : memref<100000x128xf32, #tpu.memory_space<hbm>> -> memref<100000x128xf32, #tpu.memory_space<hbm>>
    tpu.wait_indirect_dma semaphore(%arg11 : memref<!tpu.dma_semaphore, #tpu.memory_space<semaphore_mem>>) src(%dma_wait3A_56 : memref<100000x128xf32, #tpu.memory_space<hbm>>) dst(%dma_wait3A_50 : memref<128x128xf32, #tpu.memory_space<vmem>>)
    %scan3A = arith.constant 0 : i32
    %scan3A_57 = arith.constant 1 : i32
    %scan3A_58 = arith.constant 19 : i32
    %scan3A_59 = arith.addi %scan3A_57, %scan3A_58 : i32
    %scan3A_60 = arith.constant 1 : i32
    scf.for %scan3A_465 = %scan3A_57 to %scan3A_59 step %scan3A_60  : i32 {
      %dma_start3A_466 = arith.constant 0 : i32
      %dma_start3A_467 = arith.constant 0 : i32
      %dma_start3A_468 = arith.constant 0 : i32
      %dma_start3A_469 = tpu.memref_slice %arg10[%dma_start3A_467, %dma_start3A_468] : memref<768x128xf32, #tpu.memory_space<vmem>> -> memref<128x128xf32, #tpu.memory_space<vmem>>
      %dma_start3A_470 = arith.constant 0 : i32
      %dma_start3A_471 = tpu.memref_slice %arg8[%scan3A_465, %dma_start3A_466, %dma_start3A_470] : memref<20x4x128xi32, #tpu.memory_space<vmem>> -> memref<1x1x128xi32, #tpu.memory_space<vmem>>
      %dma_start3A_472 = tpu.memref_squeeze %dma_start3A_471 : memref<1x1x128xi32, #tpu.memory_space<vmem>> -> memref<128xi32, #tpu.memory_space<vmem>>
      %dma_start3A_473 = arith.constant 0 : i32
      %dma_start3A_474 = arith.constant 0 : i32
      %dma_start3A_475 = tpu.memref_slice %arg4[%dma_start3A_473, %dma_start3A_474] : memref<100000x128xf32, #tpu.memory_space<hbm>> -> memref<100000x128xf32, #tpu.memory_space<hbm>>
      tpu.enqueue_indirect_dma source(%dma_start3A_475 : memref<100000x128xf32, #tpu.memory_space<hbm>>) target(%dma_start3A_469 : memref<128x128xf32, #tpu.memory_space<vmem>>) offsets(%dma_start3A_472 : memref<128xi32, #tpu.memory_space<vmem>>) semaphore(%arg11 : memref<!tpu.dma_semaphore, #tpu.memory_space<semaphore_mem>>) {add = true}
    }
    %scan3A_61 = arith.constant 19 : i32
    %dma_wait3A_62 = arith.constant 0 : i32
    %dma_wait3A_63 = arith.constant 1 : i32
    %dma_wait3A_64 = arith.constant 128 : i32
    %dma_wait3A_65 = arith.constant 0 : i32
    %dma_wait3A_66 = tpu.memref_slice %arg10[%dma_wait3A_64, %dma_wait3A_65] : memref<768x128xf32, #tpu.memory_space<vmem>> -> memref<128x128xf32, #tpu.memory_space<vmem>>
    %dma_wait3A_67 = arith.constant 0 : i32
    %dma_wait3A_68 = tpu.memref_slice %arg8[%dma_wait3A_62, %dma_wait3A_63, %dma_wait3A_67] : memref<20x4x128xi32, #tpu.memory_space<vmem>> -> memref<1x1x128xi32, #tpu.memory_space<vmem>>
    %dma_wait3A_69 = tpu.memref_squeeze %dma_wait3A_68 : memref<1x1x128xi32, #tpu.memory_space<vmem>> -> memref<128xi32, #tpu.memory_space<vmem>>
    %dma_wait3A_70 = arith.constant 0 : i32
    %dma_wait3A_71 = arith.constant 0 : i32
    %dma_wait3A_72 = tpu.memref_slice %arg4[%dma_wait3A_70, %dma_wait3A_71] : memref<100000x128xf32, #tpu.memory_space<hbm>> -> memref<100000x128xf32, #tpu.memory_space<hbm>>
    tpu.wait_indirect_dma semaphore(%arg12 : memref<!tpu.dma_semaphore, #tpu.memory_space<semaphore_mem>>) src(%dma_wait3A_72 : memref<100000x128xf32, #tpu.memory_space<hbm>>) dst(%dma_wait3A_66 : memref<128x128xf32, #tpu.memory_space<vmem>>)
    %scan3A_73 = arith.constant 0 : i32
    %scan3A_74 = arith.constant 1 : i32
    %scan3A_75 = arith.constant 19 : i32
    %scan3A_76 = arith.addi %scan3A_74, %scan3A_75 : i32
    %scan3A_77 = arith.constant 1 : i32
    scf.for %scan3A_465 = %scan3A_74 to %scan3A_76 step %scan3A_77  : i32 {
      %dma_start3A_466 = arith.constant 1 : i32
      %dma_start3A_467 = arith.constant 128 : i32
      %dma_start3A_468 = arith.constant 0 : i32
      %dma_start3A_469 = tpu.memref_slice %arg10[%dma_start3A_467, %dma_start3A_468] : memref<768x128xf32, #tpu.memory_space<vmem>> -> memref<128x128xf32, #tpu.memory_space<vmem>>
      %dma_start3A_470 = arith.constant 0 : i32
      %dma_start3A_471 = tpu.memref_slice %arg8[%scan3A_465, %dma_start3A_466, %dma_start3A_470] : memref<20x4x128xi32, #tpu.memory_space<vmem>> -> memref<1x1x128xi32, #tpu.memory_space<vmem>>
      %dma_start3A_472 = tpu.memref_squeeze %dma_start3A_471 : memref<1x1x128xi32, #tpu.memory_space<vmem>> -> memref<128xi32, #tpu.memory_space<vmem>>
      %dma_start3A_473 = arith.constant 0 : i32
      %dma_start3A_474 = arith.constant 0 : i32
      %dma_start3A_475 = tpu.memref_slice %arg4[%dma_start3A_473, %dma_start3A_474] : memref<100000x128xf32, #tpu.memory_space<hbm>> -> memref<100000x128xf32, #tpu.memory_space<hbm>>
      tpu.enqueue_indirect_dma source(%dma_start3A_475 : memref<100000x128xf32, #tpu.memory_space<hbm>>) target(%dma_start3A_469 : memref<128x128xf32, #tpu.memory_space<vmem>>) offsets(%dma_start3A_472 : memref<128xi32, #tpu.memory_space<vmem>>) semaphore(%arg12 : memref<!tpu.dma_semaphore, #tpu.memory_space<semaphore_mem>>) {add = true}
    }
    %scan3A_78 = arith.constant 19 : i32
    %dma_wait3A_79 = arith.constant 0 : i32
    %dma_wait3A_80 = arith.constant 2 : i32
    %dma_wait3A_81 = arith.constant 256 : i32
    %dma_wait3A_82 = arith.constant 0 : i32
    %dma_wait3A_83 = tpu.memref_slice %arg10[%dma_wait3A_81, %dma_wait3A_82] : memref<768x128xf32, #tpu.memory_space<vmem>> -> memref<128x128xf32, #tpu.memory_space<vmem>>
    %dma_wait3A_84 = arith.constant 0 : i32
    %dma_wait3A_85 = tpu.memref_slice %arg8[%dma_wait3A_79, %dma_wait3A_80, %dma_wait3A_84] : memref<20x4x128xi32, #tpu.memory_space<vmem>> -> memref<1x1x128xi32, #tpu.memory_space<vmem>>
    %dma_wait3A_86 = tpu.memref_squeeze %dma_wait3A_85 : memref<1x1x128xi32, #tpu.memory_space<vmem>> -> memref<128xi32, #tpu.memory_space<vmem>>
    %dma_wait3A_87 = arith.constant 0 : i32
    %dma_wait3A_88 = arith.constant 0 : i32
    %dma_wait3A_89 = tpu.memref_slice %arg4[%dma_wait3A_87, %dma_wait3A_88] : memref<100000x128xf32, #tpu.memory_space<hbm>> -> memref<100000x128xf32, #tpu.memory_space<hbm>>
    tpu.wait_indirect_dma semaphore(%arg13 : memref<!tpu.dma_semaphore, #tpu.memory_space<semaphore_mem>>) src(%dma_wait3A_89 : memref<100000x128xf32, #tpu.memory_space<hbm>>) dst(%dma_wait3A_83 : memref<128x128xf32, #tpu.memory_space<vmem>>)
    %scan3A_90 = arith.constant 0 : i32
    %scan3A_91 = arith.constant 1 : i32
    %scan3A_92 = arith.constant 19 : i32
    %scan3A_93 = arith.addi %scan3A_91, %scan3A_92 : i32
    %scan3A_94 = arith.constant 1 : i32
    scf.for %scan3A_465 = %scan3A_91 to %scan3A_93 step %scan3A_94  : i32 {
      %dma_start3A_466 = arith.constant 2 : i32
      %dma_start3A_467 = arith.constant 256 : i32
      %dma_start3A_468 = arith.constant 0 : i32
      %dma_start3A_469 = tpu.memref_slice %arg10[%dma_start3A_467, %dma_start3A_468] : memref<768x128xf32, #tpu.memory_space<vmem>> -> memref<128x128xf32, #tpu.memory_space<vmem>>
      %dma_start3A_470 = arith.constant 0 : i32
      %dma_start3A_471 = tpu.memref_slice %arg8[%scan3A_465, %dma_start3A_466, %dma_start3A_470] : memref<20x4x128xi32, #tpu.memory_space<vmem>> -> memref<1x1x128xi32, #tpu.memory_space<vmem>>
      %dma_start3A_472 = tpu.memref_squeeze %dma_start3A_471 : memref<1x1x128xi32, #tpu.memory_space<vmem>> -> memref<128xi32, #tpu.memory_space<vmem>>
      %dma_start3A_473 = arith.constant 0 : i32
      %dma_start3A_474 = arith.constant 0 : i32
      %dma_start3A_475 = tpu.memref_slice %arg4[%dma_start3A_473, %dma_start3A_474] : memref<100000x128xf32, #tpu.memory_space<hbm>> -> memref<100000x128xf32, #tpu.memory_space<hbm>>
      tpu.enqueue_indirect_dma source(%dma_start3A_475 : memref<100000x128xf32, #tpu.memory_space<hbm>>) target(%dma_start3A_469 : memref<128x128xf32, #tpu.memory_space<vmem>>) offsets(%dma_start3A_472 : memref<128xi32, #tpu.memory_space<vmem>>) semaphore(%arg13 : memref<!tpu.dma_semaphore, #tpu.memory_space<semaphore_mem>>) {add = true}
    }
    %scan3A_95 = arith.constant 19 : i32
    %dma_wait3A_96 = arith.constant 0 : i32
    %dma_wait3A_97 = arith.constant 3 : i32
    %dma_wait3A_98 = arith.constant 384 : i32
    %dma_wait3A_99 = arith.constant 0 : i32
    %dma_wait3A_100 = tpu.memref_slice %arg10[%dma_wait3A_98, %dma_wait3A_99] : memref<768x128xf32, #tpu.memory_space<vmem>> -> memref<128x128xf32, #tpu.memory_space<vmem>>
    %dma_wait3A_101 = arith.constant 0 : i32
    %dma_wait3A_102 = tpu.memref_slice %arg8[%dma_wait3A_96, %dma_wait3A_97, %dma_wait3A_101] : memref<20x4x128xi32, #tpu.memory_space<vmem>> -> memref<1x1x128xi32, #tpu.memory_space<vmem>>
    %dma_wait3A_103 = tpu.memref_squeeze %dma_wait3A_102 : memref<1x1x128xi32, #tpu.memory_space<vmem>> -> memref<128xi32, #tpu.memory_space<vmem>>
    %dma_wait3A_104 = arith.constant 0 : i32
    %dma_wait3A_105 = arith.constant 0 : i32
    %dma_wait3A_106 = tpu.memref_slice %arg4[%dma_wait3A_104, %dma_wait3A_105] : memref<100000x128xf32, #tpu.memory_space<hbm>> -> memref<100000x128xf32, #tpu.memory_space<hbm>>
    tpu.wait_indirect_dma semaphore(%arg14 : memref<!tpu.dma_semaphore, #tpu.memory_space<semaphore_mem>>) src(%dma_wait3A_106 : memref<100000x128xf32, #tpu.memory_space<hbm>>) dst(%dma_wait3A_100 : memref<128x128xf32, #tpu.memory_space<vmem>>)
    %scan3A_107 = arith.constant 0 : i32
    %scan3A_108 = arith.constant 1 : i32
    %scan3A_109 = arith.constant 19 : i32
    %scan3A_110 = arith.addi %scan3A_108, %scan3A_109 : i32
    %scan3A_111 = arith.constant 1 : i32
    scf.for %scan3A_465 = %scan3A_108 to %scan3A_110 step %scan3A_111  : i32 {
      %dma_start3A_466 = arith.constant 3 : i32
      %dma_start3A_467 = arith.constant 384 : i32
      %dma_start3A_468 = arith.constant 0 : i32
      %dma_start3A_469 = tpu.memref_slice %arg10[%dma_start3A_467, %dma_start3A_468] : memref<768x128xf32, #tpu.memory_space<vmem>> -> memref<128x128xf32, #tpu.memory_space<vmem>>
      %dma_start3A_470 = arith.constant 0 : i32
      %dma_start3A_471 = tpu.memref_slice %arg8[%scan3A_465, %dma_start3A_466, %dma_start3A_470] : memref<20x4x128xi32, #tpu.memory_space<vmem>> -> memref<1x1x128xi32, #tpu.memory_space<vmem>>
      %dma_start3A_472 = tpu.memref_squeeze %dma_start3A_471 : memref<1x1x128xi32, #tpu.memory_space<vmem>> -> memref<128xi32, #tpu.memory_space<vmem>>
      %dma_start3A_473 = arith.constant 0 : i32
      %dma_start3A_474 = arith.constant 0 : i32
      %dma_start3A_475 = tpu.memref_slice %arg4[%dma_start3A_473, %dma_start3A_474] : memref<100000x128xf32, #tpu.memory_space<hbm>> -> memref<100000x128xf32, #tpu.memory_space<hbm>>
      tpu.enqueue_indirect_dma source(%dma_start3A_475 : memref<100000x128xf32, #tpu.memory_space<hbm>>) target(%dma_start3A_469 : memref<128x128xf32, #tpu.memory_space<vmem>>) offsets(%dma_start3A_472 : memref<128xi32, #tpu.memory_space<vmem>>) semaphore(%arg14 : memref<!tpu.dma_semaphore, #tpu.memory_space<semaphore_mem>>) {add = true}
    }
    %scan3A_112 = arith.constant 19 : i32
    "tpu.region"() ({
      %run_scoped3A_465 = tpu.sem_alloc : memref<!tpu.dma_semaphore, #tpu.memory_space<semaphore_mem>>
      %dma_start3A_466 = arith.constant 0 : i32
      %dma_start3A_467 = arith.constant 0 : i32
      %dma_start3A_468 = arith.constant 0 : i32
      %dma_start3A_469 = tpu.memref_slice %arg3[%add3A, %dma_start3A_466, %dma_start3A_467, %dma_start3A_468] : memref<32x20x4x128xi32, #tpu.memory_space<hbm>> -> memref<1x20x4x128xi32, #tpu.memory_space<hbm>>
      %dma_start3A_470 = tpu.memref_squeeze %dma_start3A_469 : memref<1x20x4x128xi32, #tpu.memory_space<hbm>> -> memref<20x4x128xi32, #tpu.memory_space<hbm>>
      %dma_start3A_471 = arith.constant 0 : i32
      %dma_start3A_472 = arith.constant 0 : i32
      %dma_start3A_473 = arith.constant 0 : i32
      %dma_start3A_474 = tpu.memref_slice %arg3[%add3A, %dma_start3A_471, %dma_start3A_472, %dma_start3A_473] : memref<32x20x4x128xi32, #tpu.memory_space<hbm>> -> memref<1x20x4x128xi32, #tpu.memory_space<hbm>>
      %dma_start3A_475 = tpu.memref_squeeze %dma_start3A_474 : memref<1x20x4x128xi32, #tpu.memory_space<hbm>> -> memref<20x4x128xi32, #tpu.memory_space<hbm>>
      tpu.enqueue_dma source(%dma_start3A_475 : memref<20x4x128xi32, #tpu.memory_space<hbm>>) target(%arg9 : memref<20x4x128xi32, #tpu.memory_space<vmem>>) target_semaphore(%run_scoped3A_465 : memref<!tpu.dma_semaphore, #tpu.memory_space<semaphore_mem>>)
      %dma_wait3A_476 = arith.constant 0 : i32
      %dma_wait3A_477 = arith.constant 0 : i32
      %dma_wait3A_478 = arith.constant 0 : i32
      %dma_wait3A_479 = tpu.memref_slice %arg3[%add3A, %dma_wait3A_476, %dma_wait3A_477, %dma_wait3A_478] : memref<32x20x4x128xi32, #tpu.memory_space<hbm>> -> memref<1x20x4x128xi32, #tpu.memory_space<hbm>>
      %dma_wait3A_480 = tpu.memref_squeeze %dma_wait3A_479 : memref<1x20x4x128xi32, #tpu.memory_space<hbm>> -> memref<20x4x128xi32, #tpu.memory_space<hbm>>
      %dma_wait3A_481 = arith.constant 0 : i32
      %dma_wait3A_482 = arith.constant 0 : i32
      %dma_wait3A_483 = arith.constant 0 : i32
      %dma_wait3A_484 = tpu.memref_slice %arg3[%add3A, %dma_wait3A_481, %dma_wait3A_482, %dma_wait3A_483] : memref<32x20x4x128xi32, #tpu.memory_space<hbm>> -> memref<1x20x4x128xi32, #tpu.memory_space<hbm>>
      %dma_wait3A_485 = tpu.memref_squeeze %dma_wait3A_484 : memref<1x20x4x128xi32, #tpu.memory_space<hbm>> -> memref<20x4x128xi32, #tpu.memory_space<hbm>>
      tpu.wait_dma2 semaphore(%run_scoped3A_465 : memref<!tpu.dma_semaphore, #tpu.memory_space<semaphore_mem>>) src(%dma_wait3A_485 : memref<20x4x128xi32, #tpu.memory_space<hbm>>) dst(%arg9 : memref<20x4x128xi32, #tpu.memory_space<vmem>>)
      tpu.yield
    }) : () -> ()
    %dma_start3A_113 = arith.constant 0 : i32
    %dma_start3A_114 = arith.constant 0 : i32
    %dma_start3A_115 = arith.constant 512 : i32
    %dma_start3A_116 = arith.constant 0 : i32
    %dma_start3A_117 = tpu.memref_slice %arg10[%dma_start3A_115, %dma_start3A_116] : memref<768x128xf32, #tpu.memory_space<vmem>> -> memref<128x128xf32, #tpu.memory_space<vmem>>
    %dma_start3A_118 = arith.constant 0 : i32
    %dma_start3A_119 = tpu.memref_slice %arg9[%dma_start3A_113, %dma_start3A_114, %dma_start3A_118] : memref<20x4x128xi32, #tpu.memory_space<vmem>> -> memref<1x1x128xi32, #tpu.memory_space<vmem>>
    %dma_start3A_120 = tpu.memref_squeeze %dma_start3A_119 : memref<1x1x128xi32, #tpu.memory_space<vmem>> -> memref<128xi32, #tpu.memory_space<vmem>>
    %dma_start3A_121 = arith.constant 0 : i32
    %dma_start3A_122 = arith.constant 0 : i32
    %dma_start3A_123 = tpu.memref_slice %arg5[%dma_start3A_121, %dma_start3A_122] : memref<100000x128xf32, #tpu.memory_space<hbm>> -> memref<100000x128xf32, #tpu.memory_space<hbm>>
    tpu.enqueue_indirect_dma source(%dma_start3A_123 : memref<100000x128xf32, #tpu.memory_space<hbm>>) target(%dma_start3A_117 : memref<128x128xf32, #tpu.memory_space<vmem>>) offsets(%dma_start3A_120 : memref<128xi32, #tpu.memory_space<vmem>>) semaphore(%arg15 : memref<!tpu.dma_semaphore, #tpu.memory_space<semaphore_mem>>)
    %dma_wait3A_124 = arith.constant 0 : i32
    %dma_wait3A_125 = arith.constant 0 : i32
    %dma_wait3A_126 = arith.constant 512 : i32
    %dma_wait3A_127 = arith.constant 0 : i32
    %dma_wait3A_128 = tpu.memref_slice %arg10[%dma_wait3A_126, %dma_wait3A_127] : memref<768x128xf32, #tpu.memory_space<vmem>> -> memref<128x128xf32, #tpu.memory_space<vmem>>
    %dma_wait3A_129 = arith.constant 0 : i32
    %dma_wait3A_130 = tpu.memref_slice %arg9[%dma_wait3A_124, %dma_wait3A_125, %dma_wait3A_129] : memref<20x4x128xi32, #tpu.memory_space<vmem>> -> memref<1x1x128xi32, #tpu.memory_space<vmem>>
    %dma_wait3A_131 = tpu.memref_squeeze %dma_wait3A_130 : memref<1x1x128xi32, #tpu.memory_space<vmem>> -> memref<128xi32, #tpu.memory_space<vmem>>
    %dma_wait3A_132 = arith.constant 0 : i32
    %dma_wait3A_133 = arith.constant 0 : i32
    %dma_wait3A_134 = tpu.memref_slice %arg5[%dma_wait3A_132, %dma_wait3A_133] : memref<100000x128xf32, #tpu.memory_space<hbm>> -> memref<100000x128xf32, #tpu.memory_space<hbm>>
    tpu.wait_indirect_dma semaphore(%arg15 : memref<!tpu.dma_semaphore, #tpu.memory_space<semaphore_mem>>) src(%dma_wait3A_134 : memref<100000x128xf32, #tpu.memory_space<hbm>>) dst(%dma_wait3A_128 : memref<128x128xf32, #tpu.memory_space<vmem>>)
    %scan3A_135 = arith.constant 0 : i32
    %scan3A_136 = arith.constant 1 : i32
    %scan3A_137 = arith.constant 19 : i32
    %scan3A_138 = arith.addi %scan3A_136, %scan3A_137 : i32
    %scan3A_139 = arith.constant 1 : i32
    scf.for %scan3A_465 = %scan3A_136 to %scan3A_138 step %scan3A_139  : i32 {
      %dma_start3A_466 = arith.constant 0 : i32
      %dma_start3A_467 = arith.constant 512 : i32
      %dma_start3A_468 = arith.constant 0 : i32
      %dma_start3A_469 = tpu.memref_slice %arg10[%dma_start3A_467, %dma_start3A_468] : memref<768x128xf32, #tpu.memory_space<vmem>> -> memref<128x128xf32, #tpu.memory_space<vmem>>
      %dma_start3A_470 = arith.constant 0 : i32
      %dma_start3A_471 = tpu.memref_slice %arg9[%scan3A_465, %dma_start3A_466, %dma_start3A_470] : memref<20x4x128xi32, #tpu.memory_space<vmem>> -> memref<1x1x128xi32, #tpu.memory_space<vmem>>
      %dma_start3A_472 = tpu.memref_squeeze %dma_start3A_471 : memref<1x1x128xi32, #tpu.memory_space<vmem>> -> memref<128xi32, #tpu.memory_space<vmem>>
      %dma_start3A_473 = arith.constant 0 : i32
      %dma_start3A_474 = arith.constant 0 : i32
      %dma_start3A_475 = tpu.memref_slice %arg5[%dma_start3A_473, %dma_start3A_474] : memref<100000x128xf32, #tpu.memory_space<hbm>> -> memref<100000x128xf32, #tpu.memory_space<hbm>>
      tpu.enqueue_indirect_dma source(%dma_start3A_475 : memref<100000x128xf32, #tpu.memory_space<hbm>>) target(%dma_start3A_469 : memref<128x128xf32, #tpu.memory_space<vmem>>) offsets(%dma_start3A_472 : memref<128xi32, #tpu.memory_space<vmem>>) semaphore(%arg15 : memref<!tpu.dma_semaphore, #tpu.memory_space<semaphore_mem>>) {add = true}
    }
    %scan3A_140 = arith.constant 19 : i32
    %dma_start3A_141 = arith.constant 0 : i32
    %dma_start3A_142 = arith.constant 1 : i32
    %dma_start3A_143 = arith.constant 640 : i32
    %dma_start3A_144 = arith.constant 0 : i32
    %dma_start3A_145 = tpu.memref_slice %arg10[%dma_start3A_143, %dma_start3A_144] : memref<768x128xf32, #tpu.memory_space<vmem>> -> memref<128x128xf32, #tpu.memory_space<vmem>>
    %dma_start3A_146 = arith.constant 0 : i32
    %dma_start3A_147 = tpu.memref_slice %arg9[%dma_start3A_141, %dma_start3A_142, %dma_start3A_146] : memref<20x4x128xi32, #tpu.memory_space<vmem>> -> memref<1x1x128xi32, #tpu.memory_space<vmem>>
    %dma_start3A_148 = tpu.memref_squeeze %dma_start3A_147 : memref<1x1x128xi32, #tpu.memory_space<vmem>> -> memref<128xi32, #tpu.memory_space<vmem>>
    %dma_start3A_149 = arith.constant 0 : i32
    %dma_start3A_150 = arith.constant 0 : i32
    %dma_start3A_151 = tpu.memref_slice %arg5[%dma_start3A_149, %dma_start3A_150] : memref<100000x128xf32, #tpu.memory_space<hbm>> -> memref<100000x128xf32, #tpu.memory_space<hbm>>
    tpu.enqueue_indirect_dma source(%dma_start3A_151 : memref<100000x128xf32, #tpu.memory_space<hbm>>) target(%dma_start3A_145 : memref<128x128xf32, #tpu.memory_space<vmem>>) offsets(%dma_start3A_148 : memref<128xi32, #tpu.memory_space<vmem>>) semaphore(%arg16 : memref<!tpu.dma_semaphore, #tpu.memory_space<semaphore_mem>>)
    %dma_wait3A_152 = arith.constant 0 : i32
    %dma_wait3A_153 = arith.constant 1 : i32
    %dma_wait3A_154 = arith.constant 640 : i32
    %dma_wait3A_155 = arith.constant 0 : i32
    %dma_wait3A_156 = tpu.memref_slice %arg10[%dma_wait3A_154, %dma_wait3A_155] : memref<768x128xf32, #tpu.memory_space<vmem>> -> memref<128x128xf32, #tpu.memory_space<vmem>>
    %dma_wait3A_157 = arith.constant 0 : i32
    %dma_wait3A_158 = tpu.memref_slice %arg9[%dma_wait3A_152, %dma_wait3A_153, %dma_wait3A_157] : memref<20x4x128xi32, #tpu.memory_space<vmem>> -> memref<1x1x128xi32, #tpu.memory_space<vmem>>
    %dma_wait3A_159 = tpu.memref_squeeze %dma_wait3A_158 : memref<1x1x128xi32, #tpu.memory_space<vmem>> -> memref<128xi32, #tpu.memory_space<vmem>>
    %dma_wait3A_160 = arith.constant 0 : i32
    %dma_wait3A_161 = arith.constant 0 : i32
    %dma_wait3A_162 = tpu.memref_slice %arg5[%dma_wait3A_160, %dma_wait3A_161] : memref<100000x128xf32, #tpu.memory_space<hbm>> -> memref<100000x128xf32, #tpu.memory_space<hbm>>
    tpu.wait_indirect_dma semaphore(%arg16 : memref<!tpu.dma_semaphore, #tpu.memory_space<semaphore_mem>>) src(%dma_wait3A_162 : memref<100000x128xf32, #tpu.memory_space<hbm>>) dst(%dma_wait3A_156 : memref<128x128xf32, #tpu.memory_space<vmem>>)
    %scan3A_163 = arith.constant 0 : i32
    %scan3A_164 = arith.constant 1 : i32
    %scan3A_165 = arith.constant 19 : i32
    %scan3A_166 = arith.addi %scan3A_164, %scan3A_165 : i32
    %scan3A_167 = arith.constant 1 : i32
    scf.for %scan3A_465 = %scan3A_164 to %scan3A_166 step %scan3A_167  : i32 {
      %dma_start3A_466 = arith.constant 1 : i32
      %dma_start3A_467 = arith.constant 640 : i32
      %dma_start3A_468 = arith.constant 0 : i32
      %dma_start3A_469 = tpu.memref_slice %arg10[%dma_start3A_467, %dma_start3A_468] : memref<768x128xf32, #tpu.memory_space<vmem>> -> memref<128x128xf32, #tpu.memory_space<vmem>>
      %dma_start3A_470 = arith.constant 0 : i32
      %dma_start3A_471 = tpu.memref_slice %arg9[%scan3A_465, %dma_start3A_466, %dma_start3A_470] : memref<20x4x128xi32, #tpu.memory_space<vmem>> -> memref<1x1x128xi32, #tpu.memory_space<vmem>>
      %dma_start3A_472 = tpu.memref_squeeze %dma_start3A_471 : memref<1x1x128xi32, #tpu.memory_space<vmem>> -> memref<128xi32, #tpu.memory_space<vmem>>
      %dma_start3A_473 = arith.constant 0 : i32
      %dma_start3A_474 = arith.constant 0 : i32
      %dma_start3A_475 = tpu.memref_slice %arg5[%dma_start3A_473, %dma_start3A_474] : memref<100000x128xf32, #tpu.memory_space<hbm>> -> memref<100000x128xf32, #tpu.memory_space<hbm>>
      tpu.enqueue_indirect_dma source(%dma_start3A_475 : memref<100000x128xf32, #tpu.memory_space<hbm>>) target(%dma_start3A_469 : memref<128x128xf32, #tpu.memory_space<vmem>>) offsets(%dma_start3A_472 : memref<128xi32, #tpu.memory_space<vmem>>) semaphore(%arg16 : memref<!tpu.dma_semaphore, #tpu.memory_space<semaphore_mem>>) {add = true}
    }
    %scan3A_168 = arith.constant 19 : i32
    %scan3A_169 = arith.constant 0 : i32
    %scan3A_170 = arith.constant 1 : i32
    %scan3A_171 = arith.constant 19 : i32
    %scan3A_172 = arith.addi %scan3A_170, %scan3A_171 : i32
    %scan3A_173 = arith.constant 1 : i32
    scf.for %scan3A_465 = %scan3A_170 to %scan3A_172 step %scan3A_173  : i32 {
      %dma_wait3A_466 = arith.constant 0 : i32
      %dma_wait3A_467 = arith.constant 0 : i32
      %dma_wait3A_468 = tpu.memref_slice %arg10[%dma_wait3A_466, %dma_wait3A_467] : memref<768x128xf32, #tpu.memory_space<vmem>> -> memref<128x128xf32, #tpu.memory_space<vmem>>
      %dma_wait3A_469 = arith.constant 0 : i32
      %dma_wait3A_470 = arith.constant 0 : i32
      %dma_wait3A_471 = tpu.memref_slice %arg4[%dma_wait3A_469, %dma_wait3A_470] : memref<100000x128xf32, #tpu.memory_space<hbm>> -> memref<128x128xf32, #tpu.memory_space<hbm>>
      %dma_wait3A_472 = arith.constant 0 : i32
      %dma_wait3A_473 = arith.constant 0 : i32
      %dma_wait3A_474 = tpu.memref_slice %arg10[%dma_wait3A_472, %dma_wait3A_473] : memref<768x128xf32, #tpu.memory_space<vmem>> -> memref<128x128xf32, #tpu.memory_space<vmem>>
      %dma_wait3A_475 = arith.constant 0 : i32
      %dma_wait3A_476 = arith.constant 0 : i32
      %dma_wait3A_477 = tpu.memref_slice %arg4[%dma_wait3A_475, %dma_wait3A_476] : memref<100000x128xf32, #tpu.memory_space<hbm>> -> memref<128x128xf32, #tpu.memory_space<hbm>>
      tpu.wait_dma2 semaphore(%arg11 : memref<!tpu.dma_semaphore, #tpu.memory_space<semaphore_mem>>) src(%dma_wait3A_477 : memref<128x128xf32, #tpu.memory_space<hbm>>) dst(%dma_wait3A_474 : memref<128x128xf32, #tpu.memory_space<vmem>>)
    }
    %scan3A_174 = arith.constant 19 : i32
    %add3A_175 = arith.constant 0 : i32
    %add3A_176 = arith.addi %mul3A_2, %add3A_175 : i32
    %dma_start3A_177 = arith.constant 0 : i32
    %dma_start3A_178 = arith.constant 0 : i32
    %dma_start3A_179 = tpu.memref_slice %arg10[%dma_start3A_177, %dma_start3A_178] : memref<768x128xf32, #tpu.memory_space<vmem>> -> memref<128x128xf32, #tpu.memory_space<vmem>>
    %dma_start3A_180 = arith.constant 0 : i32
    %dma_start3A_181 = tpu.memref_slice %arg6[%add3A_176, %dma_start3A_180] : memref<16384x128xf32, #tpu.memory_space<hbm>> -> memref<128x128xf32, #tpu.memory_space<hbm>>
    %dma_start3A_182 = arith.constant 0 : i32
    %dma_start3A_183 = tpu.memref_slice %arg6[%add3A_176, %dma_start3A_182] : memref<16384x128xf32, #tpu.memory_space<hbm>> -> memref<128x128xf32, #tpu.memory_space<hbm>>
    %dma_start3A_184 = arith.constant 0 : i32
    %dma_start3A_185 = arith.constant 0 : i32
    %dma_start3A_186 = tpu.memref_slice %arg10[%dma_start3A_184, %dma_start3A_185] : memref<768x128xf32, #tpu.memory_space<vmem>> -> memref<128x128xf32, #tpu.memory_space<vmem>>
    tpu.enqueue_dma source(%dma_start3A_186 : memref<128x128xf32, #tpu.memory_space<vmem>>) target(%dma_start3A_183 : memref<128x128xf32, #tpu.memory_space<hbm>>) target_semaphore(%arg17 : memref<!tpu.dma_semaphore, #tpu.memory_space<semaphore_mem>>)
    %scan3A_187 = arith.constant 0 : i32
    %scan3A_188 = arith.constant 1 : i32
    %scan3A_189 = arith.constant 19 : i32
    %scan3A_190 = arith.addi %scan3A_188, %scan3A_189 : i32
    %scan3A_191 = arith.constant 1 : i32
    scf.for %scan3A_465 = %scan3A_188 to %scan3A_190 step %scan3A_191  : i32 {
      %dma_wait3A_466 = arith.constant 128 : i32
      %dma_wait3A_467 = arith.constant 0 : i32
      %dma_wait3A_468 = tpu.memref_slice %arg10[%dma_wait3A_466, %dma_wait3A_467] : memref<768x128xf32, #tpu.memory_space<vmem>> -> memref<128x128xf32, #tpu.memory_space<vmem>>
      %dma_wait3A_469 = arith.constant 0 : i32
      %dma_wait3A_470 = arith.constant 0 : i32
      %dma_wait3A_471 = tpu.memref_slice %arg4[%dma_wait3A_469, %dma_wait3A_470] : memref<100000x128xf32, #tpu.memory_space<hbm>> -> memref<128x128xf32, #tpu.memory_space<hbm>>
      %dma_wait3A_472 = arith.constant 128 : i32
      %dma_wait3A_473 = arith.constant 0 : i32
      %dma_wait3A_474 = tpu.memref_slice %arg10[%dma_wait3A_472, %dma_wait3A_473] : memref<768x128xf32, #tpu.memory_space<vmem>> -> memref<128x128xf32, #tpu.memory_space<vmem>>
      %dma_wait3A_475 = arith.constant 0 : i32
      %dma_wait3A_476 = arith.constant 0 : i32
      %dma_wait3A_477 = tpu.memref_slice %arg4[%dma_wait3A_475, %dma_wait3A_476] : memref<100000x128xf32, #tpu.memory_space<hbm>> -> memref<128x128xf32, #tpu.memory_space<hbm>>
      tpu.wait_dma2 semaphore(%arg12 : memref<!tpu.dma_semaphore, #tpu.memory_space<semaphore_mem>>) src(%dma_wait3A_477 : memref<128x128xf32, #tpu.memory_space<hbm>>) dst(%dma_wait3A_474 : memref<128x128xf32, #tpu.memory_space<vmem>>)
    }
    %scan3A_192 = arith.constant 19 : i32
    %add3A_193 = arith.constant 128 : i32
    %add3A_194 = arith.addi %mul3A_2, %add3A_193 : i32
    %dma_start3A_195 = arith.constant 128 : i32
    %dma_start3A_196 = arith.constant 0 : i32
    %dma_start3A_197 = tpu.memref_slice %arg10[%dma_start3A_195, %dma_start3A_196] : memref<768x128xf32, #tpu.memory_space<vmem>> -> memref<128x128xf32, #tpu.memory_space<vmem>>
    %dma_start3A_198 = arith.constant 0 : i32
    %dma_start3A_199 = tpu.memref_slice %arg6[%add3A_194, %dma_start3A_198] : memref<16384x128xf32, #tpu.memory_space<hbm>> -> memref<128x128xf32, #tpu.memory_space<hbm>>
    %dma_start3A_200 = arith.constant 0 : i32
    %dma_start3A_201 = tpu.memref_slice %arg6[%add3A_194, %dma_start3A_200] : memref<16384x128xf32, #tpu.memory_space<hbm>> -> memref<128x128xf32, #tpu.memory_space<hbm>>
    %dma_start3A_202 = arith.constant 128 : i32
    %dma_start3A_203 = arith.constant 0 : i32
    %dma_start3A_204 = tpu.memref_slice %arg10[%dma_start3A_202, %dma_start3A_203] : memref<768x128xf32, #tpu.memory_space<vmem>> -> memref<128x128xf32, #tpu.memory_space<vmem>>
    tpu.enqueue_dma source(%dma_start3A_204 : memref<128x128xf32, #tpu.memory_space<vmem>>) target(%dma_start3A_201 : memref<128x128xf32, #tpu.memory_space<hbm>>) target_semaphore(%arg18 : memref<!tpu.dma_semaphore, #tpu.memory_space<semaphore_mem>>)
    %scan3A_205 = arith.constant 0 : i32
    %scan3A_206 = arith.constant 1 : i32
    %scan3A_207 = arith.constant 19 : i32
    %scan3A_208 = arith.addi %scan3A_206, %scan3A_207 : i32
    %scan3A_209 = arith.constant 1 : i32
    scf.for %scan3A_465 = %scan3A_206 to %scan3A_208 step %scan3A_209  : i32 {
      %dma_wait3A_466 = arith.constant 256 : i32
      %dma_wait3A_467 = arith.constant 0 : i32
      %dma_wait3A_468 = tpu.memref_slice %arg10[%dma_wait3A_466, %dma_wait3A_467] : memref<768x128xf32, #tpu.memory_space<vmem>> -> memref<128x128xf32, #tpu.memory_space<vmem>>
      %dma_wait3A_469 = arith.constant 0 : i32
      %dma_wait3A_470 = arith.constant 0 : i32
      %dma_wait3A_471 = tpu.memref_slice %arg4[%dma_wait3A_469, %dma_wait3A_470] : memref<100000x128xf32, #tpu.memory_space<hbm>> -> memref<128x128xf32, #tpu.memory_space<hbm>>
      %dma_wait3A_472 = arith.constant 256 : i32
      %dma_wait3A_473 = arith.constant 0 : i32
      %dma_wait3A_474 = tpu.memref_slice %arg10[%dma_wait3A_472, %dma_wait3A_473] : memref<768x128xf32, #tpu.memory_space<vmem>> -> memref<128x128xf32, #tpu.memory_space<vmem>>
      %dma_wait3A_475 = arith.constant 0 : i32
      %dma_wait3A_476 = arith.constant 0 : i32
      %dma_wait3A_477 = tpu.memref_slice %arg4[%dma_wait3A_475, %dma_wait3A_476] : memref<100000x128xf32, #tpu.memory_space<hbm>> -> memref<128x128xf32, #tpu.memory_space<hbm>>
      tpu.wait_dma2 semaphore(%arg13 : memref<!tpu.dma_semaphore, #tpu.memory_space<semaphore_mem>>) src(%dma_wait3A_477 : memref<128x128xf32, #tpu.memory_space<hbm>>) dst(%dma_wait3A_474 : memref<128x128xf32, #tpu.memory_space<vmem>>)
    }
    %scan3A_210 = arith.constant 19 : i32
    %add3A_211 = arith.constant 256 : i32
    %add3A_212 = arith.addi %mul3A_2, %add3A_211 : i32
    %dma_start3A_213 = arith.constant 256 : i32
    %dma_start3A_214 = arith.constant 0 : i32
    %dma_start3A_215 = tpu.memref_slice %arg10[%dma_start3A_213, %dma_start3A_214] : memref<768x128xf32, #tpu.memory_space<vmem>> -> memref<128x128xf32, #tpu.memory_space<vmem>>
    %dma_start3A_216 = arith.constant 0 : i32
    %dma_start3A_217 = tpu.memref_slice %arg6[%add3A_212, %dma_start3A_216] : memref<16384x128xf32, #tpu.memory_space<hbm>> -> memref<128x128xf32, #tpu.memory_space<hbm>>
    %dma_start3A_218 = arith.constant 0 : i32
    %dma_start3A_219 = tpu.memref_slice %arg6[%add3A_212, %dma_start3A_218] : memref<16384x128xf32, #tpu.memory_space<hbm>> -> memref<128x128xf32, #tpu.memory_space<hbm>>
    %dma_start3A_220 = arith.constant 256 : i32
    %dma_start3A_221 = arith.constant 0 : i32
    %dma_start3A_222 = tpu.memref_slice %arg10[%dma_start3A_220, %dma_start3A_221] : memref<768x128xf32, #tpu.memory_space<vmem>> -> memref<128x128xf32, #tpu.memory_space<vmem>>
    tpu.enqueue_dma source(%dma_start3A_222 : memref<128x128xf32, #tpu.memory_space<vmem>>) target(%dma_start3A_219 : memref<128x128xf32, #tpu.memory_space<hbm>>) target_semaphore(%arg19 : memref<!tpu.dma_semaphore, #tpu.memory_space<semaphore_mem>>)
    %scan3A_223 = arith.constant 0 : i32
    %scan3A_224 = arith.constant 1 : i32
    %scan3A_225 = arith.constant 19 : i32
    %scan3A_226 = arith.addi %scan3A_224, %scan3A_225 : i32
    %scan3A_227 = arith.constant 1 : i32
    scf.for %scan3A_465 = %scan3A_224 to %scan3A_226 step %scan3A_227  : i32 {
      %dma_wait3A_466 = arith.constant 384 : i32
      %dma_wait3A_467 = arith.constant 0 : i32
      %dma_wait3A_468 = tpu.memref_slice %arg10[%dma_wait3A_466, %dma_wait3A_467] : memref<768x128xf32, #tpu.memory_space<vmem>> -> memref<128x128xf32, #tpu.memory_space<vmem>>
      %dma_wait3A_469 = arith.constant 0 : i32
      %dma_wait3A_470 = arith.constant 0 : i32
      %dma_wait3A_471 = tpu.memref_slice %arg4[%dma_wait3A_469, %dma_wait3A_470] : memref<100000x128xf32, #tpu.memory_space<hbm>> -> memref<128x128xf32, #tpu.memory_space<hbm>>
      %dma_wait3A_472 = arith.constant 384 : i32
      %dma_wait3A_473 = arith.constant 0 : i32
      %dma_wait3A_474 = tpu.memref_slice %arg10[%dma_wait3A_472, %dma_wait3A_473] : memref<768x128xf32, #tpu.memory_space<vmem>> -> memref<128x128xf32, #tpu.memory_space<vmem>>
      %dma_wait3A_475 = arith.constant 0 : i32
      %dma_wait3A_476 = arith.constant 0 : i32
      %dma_wait3A_477 = tpu.memref_slice %arg4[%dma_wait3A_475, %dma_wait3A_476] : memref<100000x128xf32, #tpu.memory_space<hbm>> -> memref<128x128xf32, #tpu.memory_space<hbm>>
      tpu.wait_dma2 semaphore(%arg14 : memref<!tpu.dma_semaphore, #tpu.memory_space<semaphore_mem>>) src(%dma_wait3A_477 : memref<128x128xf32, #tpu.memory_space<hbm>>) dst(%dma_wait3A_474 : memref<128x128xf32, #tpu.memory_space<vmem>>)
    }
    %scan3A_228 = arith.constant 19 : i32
    %add3A_229 = arith.constant 384 : i32
    %add3A_230 = arith.addi %mul3A_2, %add3A_229 : i32
    %dma_start3A_231 = arith.constant 384 : i32
    %dma_start3A_232 = arith.constant 0 : i32
    %dma_start3A_233 = tpu.memref_slice %arg10[%dma_start3A_231, %dma_start3A_232] : memref<768x128xf32, #tpu.memory_space<vmem>> -> memref<128x128xf32, #tpu.memory_space<vmem>>
    %dma_start3A_234 = arith.constant 0 : i32
    %dma_start3A_235 = tpu.memref_slice %arg6[%add3A_230, %dma_start3A_234] : memref<16384x128xf32, #tpu.memory_space<hbm>> -> memref<128x128xf32, #tpu.memory_space<hbm>>
    %dma_start3A_236 = arith.constant 0 : i32
    %dma_start3A_237 = tpu.memref_slice %arg6[%add3A_230, %dma_start3A_236] : memref<16384x128xf32, #tpu.memory_space<hbm>> -> memref<128x128xf32, #tpu.memory_space<hbm>>
    %dma_start3A_238 = arith.constant 384 : i32
    %dma_start3A_239 = arith.constant 0 : i32
    %dma_start3A_240 = tpu.memref_slice %arg10[%dma_start3A_238, %dma_start3A_239] : memref<768x128xf32, #tpu.memory_space<vmem>> -> memref<128x128xf32, #tpu.memory_space<vmem>>
    tpu.enqueue_dma source(%dma_start3A_240 : memref<128x128xf32, #tpu.memory_space<vmem>>) target(%dma_start3A_237 : memref<128x128xf32, #tpu.memory_space<hbm>>) target_semaphore(%arg20 : memref<!tpu.dma_semaphore, #tpu.memory_space<semaphore_mem>>)
    %add3A_241 = arith.constant 0 : i32
    %add3A_242 = arith.addi %mul3A_2, %add3A_241 : i32
    %dma_wait3A_243 = arith.constant 0 : i32
    %dma_wait3A_244 = arith.constant 0 : i32
    %dma_wait3A_245 = tpu.memref_slice %arg10[%dma_wait3A_243, %dma_wait3A_244] : memref<768x128xf32, #tpu.memory_space<vmem>> -> memref<128x128xf32, #tpu.memory_space<vmem>>
    %dma_wait3A_246 = arith.constant 0 : i32
    %dma_wait3A_247 = tpu.memref_slice %arg6[%add3A_242, %dma_wait3A_246] : memref<16384x128xf32, #tpu.memory_space<hbm>> -> memref<128x128xf32, #tpu.memory_space<hbm>>
    %dma_wait3A_248 = arith.constant 0 : i32
    %dma_wait3A_249 = tpu.memref_slice %arg6[%add3A_242, %dma_wait3A_248] : memref<16384x128xf32, #tpu.memory_space<hbm>> -> memref<128x128xf32, #tpu.memory_space<hbm>>
    %dma_wait3A_250 = arith.constant 0 : i32
    %dma_wait3A_251 = arith.constant 0 : i32
    %dma_wait3A_252 = tpu.memref_slice %arg10[%dma_wait3A_250, %dma_wait3A_251] : memref<768x128xf32, #tpu.memory_space<vmem>> -> memref<128x128xf32, #tpu.memory_space<vmem>>
    tpu.wait_dma2 semaphore(%arg17 : memref<!tpu.dma_semaphore, #tpu.memory_space<semaphore_mem>>) src(%dma_wait3A_252 : memref<128x128xf32, #tpu.memory_space<vmem>>) dst(%dma_wait3A_249 : memref<128x128xf32, #tpu.memory_space<hbm>>)
    %dma_start3A_253 = arith.constant 0 : i32
    %dma_start3A_254 = arith.constant 2 : i32
    %dma_start3A_255 = arith.constant 0 : i32
    %dma_start3A_256 = arith.constant 0 : i32
    %dma_start3A_257 = tpu.memref_slice %arg10[%dma_start3A_255, %dma_start3A_256] : memref<768x128xf32, #tpu.memory_space<vmem>> -> memref<128x128xf32, #tpu.memory_space<vmem>>
    %dma_start3A_258 = arith.constant 0 : i32
    %dma_start3A_259 = tpu.memref_slice %arg9[%dma_start3A_253, %dma_start3A_254, %dma_start3A_258] : memref<20x4x128xi32, #tpu.memory_space<vmem>> -> memref<1x1x128xi32, #tpu.memory_space<vmem>>
    %dma_start3A_260 = tpu.memref_squeeze %dma_start3A_259 : memref<1x1x128xi32, #tpu.memory_space<vmem>> -> memref<128xi32, #tpu.memory_space<vmem>>
    %dma_start3A_261 = arith.constant 0 : i32
    %dma_start3A_262 = arith.constant 0 : i32
    %dma_start3A_263 = tpu.memref_slice %arg5[%dma_start3A_261, %dma_start3A_262] : memref<100000x128xf32, #tpu.memory_space<hbm>> -> memref<100000x128xf32, #tpu.memory_space<hbm>>
    tpu.enqueue_indirect_dma source(%dma_start3A_263 : memref<100000x128xf32, #tpu.memory_space<hbm>>) target(%dma_start3A_257 : memref<128x128xf32, #tpu.memory_space<vmem>>) offsets(%dma_start3A_260 : memref<128xi32, #tpu.memory_space<vmem>>) semaphore(%arg11 : memref<!tpu.dma_semaphore, #tpu.memory_space<semaphore_mem>>)
    %dma_wait3A_264 = arith.constant 0 : i32
    %dma_wait3A_265 = arith.constant 2 : i32
    %dma_wait3A_266 = arith.constant 0 : i32
    %dma_wait3A_267 = arith.constant 0 : i32
    %dma_wait3A_268 = tpu.memref_slice %arg10[%dma_wait3A_266, %dma_wait3A_267] : memref<768x128xf32, #tpu.memory_space<vmem>> -> memref<128x128xf32, #tpu.memory_space<vmem>>
    %dma_wait3A_269 = arith.constant 0 : i32
    %dma_wait3A_270 = tpu.memref_slice %arg9[%dma_wait3A_264, %dma_wait3A_265, %dma_wait3A_269] : memref<20x4x128xi32, #tpu.memory_space<vmem>> -> memref<1x1x128xi32, #tpu.memory_space<vmem>>
    %dma_wait3A_271 = tpu.memref_squeeze %dma_wait3A_270 : memref<1x1x128xi32, #tpu.memory_space<vmem>> -> memref<128xi32, #tpu.memory_space<vmem>>
    %dma_wait3A_272 = arith.constant 0 : i32
    %dma_wait3A_273 = arith.constant 0 : i32
    %dma_wait3A_274 = tpu.memref_slice %arg5[%dma_wait3A_272, %dma_wait3A_273] : memref<100000x128xf32, #tpu.memory_space<hbm>> -> memref<100000x128xf32, #tpu.memory_space<hbm>>
    tpu.wait_indirect_dma semaphore(%arg11 : memref<!tpu.dma_semaphore, #tpu.memory_space<semaphore_mem>>) src(%dma_wait3A_274 : memref<100000x128xf32, #tpu.memory_space<hbm>>) dst(%dma_wait3A_268 : memref<128x128xf32, #tpu.memory_space<vmem>>)
    %scan3A_275 = arith.constant 0 : i32
    %scan3A_276 = arith.constant 1 : i32
    %scan3A_277 = arith.constant 19 : i32
    %scan3A_278 = arith.addi %scan3A_276, %scan3A_277 : i32
    %scan3A_279 = arith.constant 1 : i32
    scf.for %scan3A_465 = %scan3A_276 to %scan3A_278 step %scan3A_279  : i32 {
      %dma_start3A_466 = arith.constant 2 : i32
      %dma_start3A_467 = arith.constant 0 : i32
      %dma_start3A_468 = arith.constant 0 : i32
      %dma_start3A_469 = tpu.memref_slice %arg10[%dma_start3A_467, %dma_start3A_468] : memref<768x128xf32, #tpu.memory_space<vmem>> -> memref<128x128xf32, #tpu.memory_space<vmem>>
      %dma_start3A_470 = arith.constant 0 : i32
      %dma_start3A_471 = tpu.memref_slice %arg9[%scan3A_465, %dma_start3A_466, %dma_start3A_470] : memref<20x4x128xi32, #tpu.memory_space<vmem>> -> memref<1x1x128xi32, #tpu.memory_space<vmem>>
      %dma_start3A_472 = tpu.memref_squeeze %dma_start3A_471 : memref<1x1x128xi32, #tpu.memory_space<vmem>> -> memref<128xi32, #tpu.memory_space<vmem>>
      %dma_start3A_473 = arith.constant 0 : i32
      %dma_start3A_474 = arith.constant 0 : i32
      %dma_start3A_475 = tpu.memref_slice %arg5[%dma_start3A_473, %dma_start3A_474] : memref<100000x128xf32, #tpu.memory_space<hbm>> -> memref<100000x128xf32, #tpu.memory_space<hbm>>
      tpu.enqueue_indirect_dma source(%dma_start3A_475 : memref<100000x128xf32, #tpu.memory_space<hbm>>) target(%dma_start3A_469 : memref<128x128xf32, #tpu.memory_space<vmem>>) offsets(%dma_start3A_472 : memref<128xi32, #tpu.memory_space<vmem>>) semaphore(%arg11 : memref<!tpu.dma_semaphore, #tpu.memory_space<semaphore_mem>>) {add = true}
    }
    %scan3A_280 = arith.constant 19 : i32
    %add3A_281 = arith.constant 128 : i32
    %add3A_282 = arith.addi %mul3A_2, %add3A_281 : i32
    %dma_wait3A_283 = arith.constant 128 : i32
    %dma_wait3A_284 = arith.constant 0 : i32
    %dma_wait3A_285 = tpu.memref_slice %arg10[%dma_wait3A_283, %dma_wait3A_284] : memref<768x128xf32, #tpu.memory_space<vmem>> -> memref<128x128xf32, #tpu.memory_space<vmem>>
    %dma_wait3A_286 = arith.constant 0 : i32
    %dma_wait3A_287 = tpu.memref_slice %arg6[%add3A_282, %dma_wait3A_286] : memref<16384x128xf32, #tpu.memory_space<hbm>> -> memref<128x128xf32, #tpu.memory_space<hbm>>
    %dma_wait3A_288 = arith.constant 0 : i32
    %dma_wait3A_289 = tpu.memref_slice %arg6[%add3A_282, %dma_wait3A_288] : memref<16384x128xf32, #tpu.memory_space<hbm>> -> memref<128x128xf32, #tpu.memory_space<hbm>>
    %dma_wait3A_290 = arith.constant 128 : i32
    %dma_wait3A_291 = arith.constant 0 : i32
    %dma_wait3A_292 = tpu.memref_slice %arg10[%dma_wait3A_290, %dma_wait3A_291] : memref<768x128xf32, #tpu.memory_space<vmem>> -> memref<128x128xf32, #tpu.memory_space<vmem>>
    tpu.wait_dma2 semaphore(%arg18 : memref<!tpu.dma_semaphore, #tpu.memory_space<semaphore_mem>>) src(%dma_wait3A_292 : memref<128x128xf32, #tpu.memory_space<vmem>>) dst(%dma_wait3A_289 : memref<128x128xf32, #tpu.memory_space<hbm>>)
    %dma_start3A_293 = arith.constant 0 : i32
    %dma_start3A_294 = arith.constant 3 : i32
    %dma_start3A_295 = arith.constant 128 : i32
    %dma_start3A_296 = arith.constant 0 : i32
    %dma_start3A_297 = tpu.memref_slice %arg10[%dma_start3A_295, %dma_start3A_296] : memref<768x128xf32, #tpu.memory_space<vmem>> -> memref<128x128xf32, #tpu.memory_space<vmem>>
    %dma_start3A_298 = arith.constant 0 : i32
    %dma_start3A_299 = tpu.memref_slice %arg9[%dma_start3A_293, %dma_start3A_294, %dma_start3A_298] : memref<20x4x128xi32, #tpu.memory_space<vmem>> -> memref<1x1x128xi32, #tpu.memory_space<vmem>>
    %dma_start3A_300 = tpu.memref_squeeze %dma_start3A_299 : memref<1x1x128xi32, #tpu.memory_space<vmem>> -> memref<128xi32, #tpu.memory_space<vmem>>
    %dma_start3A_301 = arith.constant 0 : i32
    %dma_start3A_302 = arith.constant 0 : i32
    %dma_start3A_303 = tpu.memref_slice %arg5[%dma_start3A_301, %dma_start3A_302] : memref<100000x128xf32, #tpu.memory_space<hbm>> -> memref<100000x128xf32, #tpu.memory_space<hbm>>
    tpu.enqueue_indirect_dma source(%dma_start3A_303 : memref<100000x128xf32, #tpu.memory_space<hbm>>) target(%dma_start3A_297 : memref<128x128xf32, #tpu.memory_space<vmem>>) offsets(%dma_start3A_300 : memref<128xi32, #tpu.memory_space<vmem>>) semaphore(%arg12 : memref<!tpu.dma_semaphore, #tpu.memory_space<semaphore_mem>>)
    %dma_wait3A_304 = arith.constant 0 : i32
    %dma_wait3A_305 = arith.constant 3 : i32
    %dma_wait3A_306 = arith.constant 128 : i32
    %dma_wait3A_307 = arith.constant 0 : i32
    %dma_wait3A_308 = tpu.memref_slice %arg10[%dma_wait3A_306, %dma_wait3A_307] : memref<768x128xf32, #tpu.memory_space<vmem>> -> memref<128x128xf32, #tpu.memory_space<vmem>>
    %dma_wait3A_309 = arith.constant 0 : i32
    %dma_wait3A_310 = tpu.memref_slice %arg9[%dma_wait3A_304, %dma_wait3A_305, %dma_wait3A_309] : memref<20x4x128xi32, #tpu.memory_space<vmem>> -> memref<1x1x128xi32, #tpu.memory_space<vmem>>
    %dma_wait3A_311 = tpu.memref_squeeze %dma_wait3A_310 : memref<1x1x128xi32, #tpu.memory_space<vmem>> -> memref<128xi32, #tpu.memory_space<vmem>>
    %dma_wait3A_312 = arith.constant 0 : i32
    %dma_wait3A_313 = arith.constant 0 : i32
    %dma_wait3A_314 = tpu.memref_slice %arg5[%dma_wait3A_312, %dma_wait3A_313] : memref<100000x128xf32, #tpu.memory_space<hbm>> -> memref<100000x128xf32, #tpu.memory_space<hbm>>
    tpu.wait_indirect_dma semaphore(%arg12 : memref<!tpu.dma_semaphore, #tpu.memory_space<semaphore_mem>>) src(%dma_wait3A_314 : memref<100000x128xf32, #tpu.memory_space<hbm>>) dst(%dma_wait3A_308 : memref<128x128xf32, #tpu.memory_space<vmem>>)
    %scan3A_315 = arith.constant 0 : i32
    %scan3A_316 = arith.constant 1 : i32
    %scan3A_317 = arith.constant 19 : i32
    %scan3A_318 = arith.addi %scan3A_316, %scan3A_317 : i32
    %scan3A_319 = arith.constant 1 : i32
    scf.for %scan3A_465 = %scan3A_316 to %scan3A_318 step %scan3A_319  : i32 {
      %dma_start3A_466 = arith.constant 3 : i32
      %dma_start3A_467 = arith.constant 128 : i32
      %dma_start3A_468 = arith.constant 0 : i32
      %dma_start3A_469 = tpu.memref_slice %arg10[%dma_start3A_467, %dma_start3A_468] : memref<768x128xf32, #tpu.memory_space<vmem>> -> memref<128x128xf32, #tpu.memory_space<vmem>>
      %dma_start3A_470 = arith.constant 0 : i32
      %dma_start3A_471 = tpu.memref_slice %arg9[%scan3A_465, %dma_start3A_466, %dma_start3A_470] : memref<20x4x128xi32, #tpu.memory_space<vmem>> -> memref<1x1x128xi32, #tpu.memory_space<vmem>>
      %dma_start3A_472 = tpu.memref_squeeze %dma_start3A_471 : memref<1x1x128xi32, #tpu.memory_space<vmem>> -> memref<128xi32, #tpu.memory_space<vmem>>
      %dma_start3A_473 = arith.constant 0 : i32
      %dma_start3A_474 = arith.constant 0 : i32
      %dma_start3A_475 = tpu.memref_slice %arg5[%dma_start3A_473, %dma_start3A_474] : memref<100000x128xf32, #tpu.memory_space<hbm>> -> memref<100000x128xf32, #tpu.memory_space<hbm>>
      tpu.enqueue_indirect_dma source(%dma_start3A_475 : memref<100000x128xf32, #tpu.memory_space<hbm>>) target(%dma_start3A_469 : memref<128x128xf32, #tpu.memory_space<vmem>>) offsets(%dma_start3A_472 : memref<128xi32, #tpu.memory_space<vmem>>) semaphore(%arg12 : memref<!tpu.dma_semaphore, #tpu.memory_space<semaphore_mem>>) {add = true}
    }
    %scan3A_320 = arith.constant 19 : i32
    %scan3A_321 = arith.constant 0 : i32
    %scan3A_322 = arith.constant 1 : i32
    %scan3A_323 = arith.constant 19 : i32
    %scan3A_324 = arith.addi %scan3A_322, %scan3A_323 : i32
    %scan3A_325 = arith.constant 1 : i32
    scf.for %scan3A_465 = %scan3A_322 to %scan3A_324 step %scan3A_325  : i32 {
      %dma_wait3A_466 = arith.constant 512 : i32
      %dma_wait3A_467 = arith.constant 0 : i32
      %dma_wait3A_468 = tpu.memref_slice %arg10[%dma_wait3A_466, %dma_wait3A_467] : memref<768x128xf32, #tpu.memory_space<vmem>> -> memref<128x128xf32, #tpu.memory_space<vmem>>
      %dma_wait3A_469 = arith.constant 0 : i32
      %dma_wait3A_470 = arith.constant 0 : i32
      %dma_wait3A_471 = tpu.memref_slice %arg5[%dma_wait3A_469, %dma_wait3A_470] : memref<100000x128xf32, #tpu.memory_space<hbm>> -> memref<128x128xf32, #tpu.memory_space<hbm>>
      %dma_wait3A_472 = arith.constant 512 : i32
      %dma_wait3A_473 = arith.constant 0 : i32
      %dma_wait3A_474 = tpu.memref_slice %arg10[%dma_wait3A_472, %dma_wait3A_473] : memref<768x128xf32, #tpu.memory_space<vmem>> -> memref<128x128xf32, #tpu.memory_space<vmem>>
      %dma_wait3A_475 = arith.constant 0 : i32
      %dma_wait3A_476 = arith.constant 0 : i32
      %dma_wait3A_477 = tpu.memref_slice %arg5[%dma_wait3A_475, %dma_wait3A_476] : memref<100000x128xf32, #tpu.memory_space<hbm>> -> memref<128x128xf32, #tpu.memory_space<hbm>>
      tpu.wait_dma2 semaphore(%arg15 : memref<!tpu.dma_semaphore, #tpu.memory_space<semaphore_mem>>) src(%dma_wait3A_477 : memref<128x128xf32, #tpu.memory_space<hbm>>) dst(%dma_wait3A_474 : memref<128x128xf32, #tpu.memory_space<vmem>>)
    }
    %scan3A_326 = arith.constant 19 : i32
    %add3A_327 = arith.constant 0 : i32
    %add3A_328 = arith.addi %mul3A_2, %add3A_327 : i32
    %dma_start3A_329 = arith.constant 512 : i32
    %dma_start3A_330 = arith.constant 0 : i32
    %dma_start3A_331 = tpu.memref_slice %arg10[%dma_start3A_329, %dma_start3A_330] : memref<768x128xf32, #tpu.memory_space<vmem>> -> memref<128x128xf32, #tpu.memory_space<vmem>>
    %dma_start3A_332 = arith.constant 0 : i32
    %dma_start3A_333 = tpu.memref_slice %arg7[%add3A_328, %dma_start3A_332] : memref<16384x128xf32, #tpu.memory_space<hbm>> -> memref<128x128xf32, #tpu.memory_space<hbm>>
    %dma_start3A_334 = arith.constant 0 : i32
    %dma_start3A_335 = tpu.memref_slice %arg7[%add3A_328, %dma_start3A_334] : memref<16384x128xf32, #tpu.memory_space<hbm>> -> memref<128x128xf32, #tpu.memory_space<hbm>>
    %dma_start3A_336 = arith.constant 512 : i32
    %dma_start3A_337 = arith.constant 0 : i32
    %dma_start3A_338 = tpu.memref_slice %arg10[%dma_start3A_336, %dma_start3A_337] : memref<768x128xf32, #tpu.memory_space<vmem>> -> memref<128x128xf32, #tpu.memory_space<vmem>>
    tpu.enqueue_dma source(%dma_start3A_338 : memref<128x128xf32, #tpu.memory_space<vmem>>) target(%dma_start3A_335 : memref<128x128xf32, #tpu.memory_space<hbm>>) target_semaphore(%arg21 : memref<!tpu.dma_semaphore, #tpu.memory_space<semaphore_mem>>)
    %scan3A_339 = arith.constant 0 : i32
    %scan3A_340 = arith.constant 1 : i32
    %scan3A_341 = arith.constant 19 : i32
    %scan3A_342 = arith.addi %scan3A_340, %scan3A_341 : i32
    %scan3A_343 = arith.constant 1 : i32
    scf.for %scan3A_465 = %scan3A_340 to %scan3A_342 step %scan3A_343  : i32 {
      %dma_wait3A_466 = arith.constant 640 : i32
      %dma_wait3A_467 = arith.constant 0 : i32
      %dma_wait3A_468 = tpu.memref_slice %arg10[%dma_wait3A_466, %dma_wait3A_467] : memref<768x128xf32, #tpu.memory_space<vmem>> -> memref<128x128xf32, #tpu.memory_space<vmem>>
      %dma_wait3A_469 = arith.constant 0 : i32
      %dma_wait3A_470 = arith.constant 0 : i32
      %dma_wait3A_471 = tpu.memref_slice %arg5[%dma_wait3A_469, %dma_wait3A_470] : memref<100000x128xf32, #tpu.memory_space<hbm>> -> memref<128x128xf32, #tpu.memory_space<hbm>>
      %dma_wait3A_472 = arith.constant 640 : i32
      %dma_wait3A_473 = arith.constant 0 : i32
      %dma_wait3A_474 = tpu.memref_slice %arg10[%dma_wait3A_472, %dma_wait3A_473] : memref<768x128xf32, #tpu.memory_space<vmem>> -> memref<128x128xf32, #tpu.memory_space<vmem>>
      %dma_wait3A_475 = arith.constant 0 : i32
      %dma_wait3A_476 = arith.constant 0 : i32
      %dma_wait3A_477 = tpu.memref_slice %arg5[%dma_wait3A_475, %dma_wait3A_476] : memref<100000x128xf32, #tpu.memory_space<hbm>> -> memref<128x128xf32, #tpu.memory_space<hbm>>
      tpu.wait_dma2 semaphore(%arg16 : memref<!tpu.dma_semaphore, #tpu.memory_space<semaphore_mem>>) src(%dma_wait3A_477 : memref<128x128xf32, #tpu.memory_space<hbm>>) dst(%dma_wait3A_474 : memref<128x128xf32, #tpu.memory_space<vmem>>)
    }
    %scan3A_344 = arith.constant 19 : i32
    %add3A_345 = arith.constant 128 : i32
    %add3A_346 = arith.addi %mul3A_2, %add3A_345 : i32
    %dma_start3A_347 = arith.constant 640 : i32
    %dma_start3A_348 = arith.constant 0 : i32
    %dma_start3A_349 = tpu.memref_slice %arg10[%dma_start3A_347, %dma_start3A_348] : memref<768x128xf32, #tpu.memory_space<vmem>> -> memref<128x128xf32, #tpu.memory_space<vmem>>
    %dma_start3A_350 = arith.constant 0 : i32
    %dma_start3A_351 = tpu.memref_slice %arg7[%add3A_346, %dma_start3A_350] : memref<16384x128xf32, #tpu.memory_space<hbm>> -> memref<128x128xf32, #tpu.memory_space<hbm>>
    %dma_start3A_352 = arith.constant 0 : i32
    %dma_start3A_353 = tpu.memref_slice %arg7[%add3A_346, %dma_start3A_352] : memref<16384x128xf32, #tpu.memory_space<hbm>> -> memref<128x128xf32, #tpu.memory_space<hbm>>
    %dma_start3A_354 = arith.constant 640 : i32
    %dma_start3A_355 = arith.constant 0 : i32
    %dma_start3A_356 = tpu.memref_slice %arg10[%dma_start3A_354, %dma_start3A_355] : memref<768x128xf32, #tpu.memory_space<vmem>> -> memref<128x128xf32, #tpu.memory_space<vmem>>
    tpu.enqueue_dma source(%dma_start3A_356 : memref<128x128xf32, #tpu.memory_space<vmem>>) target(%dma_start3A_353 : memref<128x128xf32, #tpu.memory_space<hbm>>) target_semaphore(%arg22 : memref<!tpu.dma_semaphore, #tpu.memory_space<semaphore_mem>>)
    %scan3A_357 = arith.constant 0 : i32
    %scan3A_358 = arith.constant 1 : i32
    %scan3A_359 = arith.constant 19 : i32
    %scan3A_360 = arith.addi %scan3A_358, %scan3A_359 : i32
    %scan3A_361 = arith.constant 1 : i32
    scf.for %scan3A_465 = %scan3A_358 to %scan3A_360 step %scan3A_361  : i32 {
      %dma_wait3A_466 = arith.constant 0 : i32
      %dma_wait3A_467 = arith.constant 0 : i32
      %dma_wait3A_468 = tpu.memref_slice %arg10[%dma_wait3A_466, %dma_wait3A_467] : memref<768x128xf32, #tpu.memory_space<vmem>> -> memref<128x128xf32, #tpu.memory_space<vmem>>
      %dma_wait3A_469 = arith.constant 0 : i32
      %dma_wait3A_470 = arith.constant 0 : i32
      %dma_wait3A_471 = tpu.memref_slice %arg5[%dma_wait3A_469, %dma_wait3A_470] : memref<100000x128xf32, #tpu.memory_space<hbm>> -> memref<128x128xf32, #tpu.memory_space<hbm>>
      %dma_wait3A_472 = arith.constant 0 : i32
      %dma_wait3A_473 = arith.constant 0 : i32
      %dma_wait3A_474 = tpu.memref_slice %arg10[%dma_wait3A_472, %dma_wait3A_473] : memref<768x128xf32, #tpu.memory_space<vmem>> -> memref<128x128xf32, #tpu.memory_space<vmem>>
      %dma_wait3A_475 = arith.constant 0 : i32
      %dma_wait3A_476 = arith.constant 0 : i32
      %dma_wait3A_477 = tpu.memref_slice %arg5[%dma_wait3A_475, %dma_wait3A_476] : memref<100000x128xf32, #tpu.memory_space<hbm>> -> memref<128x128xf32, #tpu.memory_space<hbm>>
      tpu.wait_dma2 semaphore(%arg11 : memref<!tpu.dma_semaphore, #tpu.memory_space<semaphore_mem>>) src(%dma_wait3A_477 : memref<128x128xf32, #tpu.memory_space<hbm>>) dst(%dma_wait3A_474 : memref<128x128xf32, #tpu.memory_space<vmem>>)
    }
    %scan3A_362 = arith.constant 19 : i32
    %add3A_363 = arith.constant 256 : i32
    %add3A_364 = arith.addi %mul3A_2, %add3A_363 : i32
    %dma_start3A_365 = arith.constant 0 : i32
    %dma_start3A_366 = arith.constant 0 : i32
    %dma_start3A_367 = tpu.memref_slice %arg10[%dma_start3A_365, %dma_start3A_366] : memref<768x128xf32, #tpu.memory_space<vmem>> -> memref<128x128xf32, #tpu.memory_space<vmem>>
    %dma_start3A_368 = arith.constant 0 : i32
    %dma_start3A_369 = tpu.memref_slice %arg7[%add3A_364, %dma_start3A_368] : memref<16384x128xf32, #tpu.memory_space<hbm>> -> memref<128x128xf32, #tpu.memory_space<hbm>>
    %dma_start3A_370 = arith.constant 0 : i32
    %dma_start3A_371 = tpu.memref_slice %arg7[%add3A_364, %dma_start3A_370] : memref<16384x128xf32, #tpu.memory_space<hbm>> -> memref<128x128xf32, #tpu.memory_space<hbm>>
    %dma_start3A_372 = arith.constant 0 : i32
    %dma_start3A_373 = arith.constant 0 : i32
    %dma_start3A_374 = tpu.memref_slice %arg10[%dma_start3A_372, %dma_start3A_373] : memref<768x128xf32, #tpu.memory_space<vmem>> -> memref<128x128xf32, #tpu.memory_space<vmem>>
    tpu.enqueue_dma source(%dma_start3A_374 : memref<128x128xf32, #tpu.memory_space<vmem>>) target(%dma_start3A_371 : memref<128x128xf32, #tpu.memory_space<hbm>>) target_semaphore(%arg23 : memref<!tpu.dma_semaphore, #tpu.memory_space<semaphore_mem>>)
    %scan3A_375 = arith.constant 0 : i32
    %scan3A_376 = arith.constant 1 : i32
    %scan3A_377 = arith.constant 19 : i32
    %scan3A_378 = arith.addi %scan3A_376, %scan3A_377 : i32
    %scan3A_379 = arith.constant 1 : i32
    scf.for %scan3A_465 = %scan3A_376 to %scan3A_378 step %scan3A_379  : i32 {
      %dma_wait3A_466 = arith.constant 128 : i32
      %dma_wait3A_467 = arith.constant 0 : i32
      %dma_wait3A_468 = tpu.memref_slice %arg10[%dma_wait3A_466, %dma_wait3A_467] : memref<768x128xf32, #tpu.memory_space<vmem>> -> memref<128x128xf32, #tpu.memory_space<vmem>>
      %dma_wait3A_469 = arith.constant 0 : i32
      %dma_wait3A_470 = arith.constant 0 : i32
      %dma_wait3A_471 = tpu.memref_slice %arg5[%dma_wait3A_469, %dma_wait3A_470] : memref<100000x128xf32, #tpu.memory_space<hbm>> -> memref<128x128xf32, #tpu.memory_space<hbm>>
      %dma_wait3A_472 = arith.constant 128 : i32
      %dma_wait3A_473 = arith.constant 0 : i32
      %dma_wait3A_474 = tpu.memref_slice %arg10[%dma_wait3A_472, %dma_wait3A_473] : memref<768x128xf32, #tpu.memory_space<vmem>> -> memref<128x128xf32, #tpu.memory_space<vmem>>
      %dma_wait3A_475 = arith.constant 0 : i32
      %dma_wait3A_476 = arith.constant 0 : i32
      %dma_wait3A_477 = tpu.memref_slice %arg5[%dma_wait3A_475, %dma_wait3A_476] : memref<100000x128xf32, #tpu.memory_space<hbm>> -> memref<128x128xf32, #tpu.memory_space<hbm>>
      tpu.wait_dma2 semaphore(%arg12 : memref<!tpu.dma_semaphore, #tpu.memory_space<semaphore_mem>>) src(%dma_wait3A_477 : memref<128x128xf32, #tpu.memory_space<hbm>>) dst(%dma_wait3A_474 : memref<128x128xf32, #tpu.memory_space<vmem>>)
    }
    %scan3A_380 = arith.constant 19 : i32
    %add3A_381 = arith.constant 384 : i32
    %add3A_382 = arith.addi %mul3A_2, %add3A_381 : i32
    %dma_start3A_383 = arith.constant 128 : i32
    %dma_start3A_384 = arith.constant 0 : i32
    %dma_start3A_385 = tpu.memref_slice %arg10[%dma_start3A_383, %dma_start3A_384] : memref<768x128xf32, #tpu.memory_space<vmem>> -> memref<128x128xf32, #tpu.memory_space<vmem>>
    %dma_start3A_386 = arith.constant 0 : i32
    %dma_start3A_387 = tpu.memref_slice %arg7[%add3A_382, %dma_start3A_386] : memref<16384x128xf32, #tpu.memory_space<hbm>> -> memref<128x128xf32, #tpu.memory_space<hbm>>
    %dma_start3A_388 = arith.constant 0 : i32
    %dma_start3A_389 = tpu.memref_slice %arg7[%add3A_382, %dma_start3A_388] : memref<16384x128xf32, #tpu.memory_space<hbm>> -> memref<128x128xf32, #tpu.memory_space<hbm>>
    %dma_start3A_390 = arith.constant 128 : i32
    %dma_start3A_391 = arith.constant 0 : i32
    %dma_start3A_392 = tpu.memref_slice %arg10[%dma_start3A_390, %dma_start3A_391] : memref<768x128xf32, #tpu.memory_space<vmem>> -> memref<128x128xf32, #tpu.memory_space<vmem>>
    tpu.enqueue_dma source(%dma_start3A_392 : memref<128x128xf32, #tpu.memory_space<vmem>>) target(%dma_start3A_389 : memref<128x128xf32, #tpu.memory_space<hbm>>) target_semaphore(%arg24 : memref<!tpu.dma_semaphore, #tpu.memory_space<semaphore_mem>>)
    %add3A_393 = arith.constant 256 : i32
    %add3A_394 = arith.addi %mul3A_2, %add3A_393 : i32
    %dma_wait3A_395 = arith.constant 256 : i32
    %dma_wait3A_396 = arith.constant 0 : i32
    %dma_wait3A_397 = tpu.memref_slice %arg10[%dma_wait3A_395, %dma_wait3A_396] : memref<768x128xf32, #tpu.memory_space<vmem>> -> memref<128x128xf32, #tpu.memory_space<vmem>>
    %dma_wait3A_398 = arith.constant 0 : i32
    %dma_wait3A_399 = tpu.memref_slice %arg6[%add3A_394, %dma_wait3A_398] : memref<16384x128xf32, #tpu.memory_space<hbm>> -> memref<128x128xf32, #tpu.memory_space<hbm>>
    %dma_wait3A_400 = arith.constant 0 : i32
    %dma_wait3A_401 = tpu.memref_slice %arg6[%add3A_394, %dma_wait3A_400] : memref<16384x128xf32, #tpu.memory_space<hbm>> -> memref<128x128xf32, #tpu.memory_space<hbm>>
    %dma_wait3A_402 = arith.constant 256 : i32
    %dma_wait3A_403 = arith.constant 0 : i32
    %dma_wait3A_404 = tpu.memref_slice %arg10[%dma_wait3A_402, %dma_wait3A_403] : memref<768x128xf32, #tpu.memory_space<vmem>> -> memref<128x128xf32, #tpu.memory_space<vmem>>
    tpu.wait_dma2 semaphore(%arg19 : memref<!tpu.dma_semaphore, #tpu.memory_space<semaphore_mem>>) src(%dma_wait3A_404 : memref<128x128xf32, #tpu.memory_space<vmem>>) dst(%dma_wait3A_401 : memref<128x128xf32, #tpu.memory_space<hbm>>)
    %add3A_405 = arith.constant 384 : i32
    %add3A_406 = arith.addi %mul3A_2, %add3A_405 : i32
    %dma_wait3A_407 = arith.constant 384 : i32
    %dma_wait3A_408 = arith.constant 0 : i32
    %dma_wait3A_409 = tpu.memref_slice %arg10[%dma_wait3A_407, %dma_wait3A_408] : memref<768x128xf32, #tpu.memory_space<vmem>> -> memref<128x128xf32, #tpu.memory_space<vmem>>
    %dma_wait3A_410 = arith.constant 0 : i32
    %dma_wait3A_411 = tpu.memref_slice %arg6[%add3A_406, %dma_wait3A_410] : memref<16384x128xf32, #tpu.memory_space<hbm>> -> memref<128x128xf32, #tpu.memory_space<hbm>>
    %dma_wait3A_412 = arith.constant 0 : i32
    %dma_wait3A_413 = tpu.memref_slice %arg6[%add3A_406, %dma_wait3A_412] : memref<16384x128xf32, #tpu.memory_space<hbm>> -> memref<128x128xf32, #tpu.memory_space<hbm>>
    %dma_wait3A_414 = arith.constant 384 : i32
    %dma_wait3A_415 = arith.constant 0 : i32
    %dma_wait3A_416 = tpu.memref_slice %arg10[%dma_wait3A_414, %dma_wait3A_415] : memref<768x128xf32, #tpu.memory_space<vmem>> -> memref<128x128xf32, #tpu.memory_space<vmem>>
    tpu.wait_dma2 semaphore(%arg20 : memref<!tpu.dma_semaphore, #tpu.memory_space<semaphore_mem>>) src(%dma_wait3A_416 : memref<128x128xf32, #tpu.memory_space<vmem>>) dst(%dma_wait3A_413 : memref<128x128xf32, #tpu.memory_space<hbm>>)
    %add3A_417 = arith.constant 0 : i32
    %add3A_418 = arith.addi %mul3A_2, %add3A_417 : i32
    %dma_wait3A_419 = arith.constant 512 : i32
    %dma_wait3A_420 = arith.constant 0 : i32
    %dma_wait3A_421 = tpu.memref_slice %arg10[%dma_wait3A_419, %dma_wait3A_420] : memref<768x128xf32, #tpu.memory_space<vmem>> -> memref<128x128xf32, #tpu.memory_space<vmem>>
    %dma_wait3A_422 = arith.constant 0 : i32
    %dma_wait3A_423 = tpu.memref_slice %arg7[%add3A_418, %dma_wait3A_422] : memref<16384x128xf32, #tpu.memory_space<hbm>> -> memref<128x128xf32, #tpu.memory_space<hbm>>
    %dma_wait3A_424 = arith.constant 0 : i32
    %dma_wait3A_425 = tpu.memref_slice %arg7[%add3A_418, %dma_wait3A_424] : memref<16384x128xf32, #tpu.memory_space<hbm>> -> memref<128x128xf32, #tpu.memory_space<hbm>>
    %dma_wait3A_426 = arith.constant 512 : i32
    %dma_wait3A_427 = arith.constant 0 : i32
    %dma_wait3A_428 = tpu.memref_slice %arg10[%dma_wait3A_426, %dma_wait3A_427] : memref<768x128xf32, #tpu.memory_space<vmem>> -> memref<128x128xf32, #tpu.memory_space<vmem>>
    tpu.wait_dma2 semaphore(%arg21 : memref<!tpu.dma_semaphore, #tpu.memory_space<semaphore_mem>>) src(%dma_wait3A_428 : memref<128x128xf32, #tpu.memory_space<vmem>>) dst(%dma_wait3A_425 : memref<128x128xf32, #tpu.memory_space<hbm>>)
    %add3A_429 = arith.constant 128 : i32
    %add3A_430 = arith.addi %mul3A_2, %add3A_429 : i32
    %dma_wait3A_431 = arith.constant 640 : i32
    %dma_wait3A_432 = arith.constant 0 : i32
    %dma_wait3A_433 = tpu.memref_slice %arg10[%dma_wait3A_431, %dma_wait3A_432] : memref<768x128xf32, #tpu.memory_space<vmem>> -> memref<128x128xf32, #tpu.memory_space<vmem>>
    %dma_wait3A_434 = arith.constant 0 : i32
    %dma_wait3A_435 = tpu.memref_slice %arg7[%add3A_430, %dma_wait3A_434] : memref<16384x128xf32, #tpu.memory_space<hbm>> -> memref<128x128xf32, #tpu.memory_space<hbm>>
    %dma_wait3A_436 = arith.constant 0 : i32
    %dma_wait3A_437 = tpu.memref_slice %arg7[%add3A_430, %dma_wait3A_436] : memref<16384x128xf32, #tpu.memory_space<hbm>> -> memref<128x128xf32, #tpu.memory_space<hbm>>
    %dma_wait3A_438 = arith.constant 640 : i32
    %dma_wait3A_439 = arith.constant 0 : i32
    %dma_wait3A_440 = tpu.memref_slice %arg10[%dma_wait3A_438, %dma_wait3A_439] : memref<768x128xf32, #tpu.memory_space<vmem>> -> memref<128x128xf32, #tpu.memory_space<vmem>>
    tpu.wait_dma2 semaphore(%arg22 : memref<!tpu.dma_semaphore, #tpu.memory_space<semaphore_mem>>) src(%dma_wait3A_440 : memref<128x128xf32, #tpu.memory_space<vmem>>) dst(%dma_wait3A_437 : memref<128x128xf32, #tpu.memory_space<hbm>>)
    %add3A_441 = arith.constant 256 : i32
    %add3A_442 = arith.addi %mul3A_2, %add3A_441 : i32
    %dma_wait3A_443 = arith.constant 0 : i32
    %dma_wait3A_444 = arith.constant 0 : i32
    %dma_wait3A_445 = tpu.memref_slice %arg10[%dma_wait3A_443, %dma_wait3A_444] : memref<768x128xf32, #tpu.memory_space<vmem>> -> memref<128x128xf32, #tpu.memory_space<vmem>>
    %dma_wait3A_446 = arith.constant 0 : i32
    %dma_wait3A_447 = tpu.memref_slice %arg7[%add3A_442, %dma_wait3A_446] : memref<16384x128xf32, #tpu.memory_space<hbm>> -> memref<128x128xf32, #tpu.memory_space<hbm>>
    %dma_wait3A_448 = arith.constant 0 : i32
    %dma_wait3A_449 = tpu.memref_slice %arg7[%add3A_442, %dma_wait3A_448] : memref<16384x128xf32, #tpu.memory_space<hbm>> -> memref<128x128xf32, #tpu.memory_space<hbm>>
    %dma_wait3A_450 = arith.constant 0 : i32
    %dma_wait3A_451 = arith.constant 0 : i32
    %dma_wait3A_452 = tpu.memref_slice %arg10[%dma_wait3A_450, %dma_wait3A_451] : memref<768x128xf32, #tpu.memory_space<vmem>> -> memref<128x128xf32, #tpu.memory_space<vmem>>
    tpu.wait_dma2 semaphore(%arg23 : memref<!tpu.dma_semaphore, #tpu.memory_space<semaphore_mem>>) src(%dma_wait3A_452 : memref<128x128xf32, #tpu.memory_space<vmem>>) dst(%dma_wait3A_449 : memref<128x128xf32, #tpu.memory_space<hbm>>)
    %add3A_453 = arith.constant 384 : i32
    %add3A_454 = arith.addi %mul3A_2, %add3A_453 : i32
    %dma_wait3A_455 = arith.constant 128 : i32
    %dma_wait3A_456 = arith.constant 0 : i32
    %dma_wait3A_457 = tpu.memref_slice %arg10[%dma_wait3A_455, %dma_wait3A_456] : memref<768x128xf32, #tpu.memory_space<vmem>> -> memref<128x128xf32, #tpu.memory_space<vmem>>
    %dma_wait3A_458 = arith.constant 0 : i32
    %dma_wait3A_459 = tpu.memref_slice %arg7[%add3A_454, %dma_wait3A_458] : memref<16384x128xf32, #tpu.memory_space<hbm>> -> memref<128x128xf32, #tpu.memory_space<hbm>>
    %dma_wait3A_460 = arith.constant 0 : i32
    %dma_wait3A_461 = tpu.memref_slice %arg7[%add3A_454, %dma_wait3A_460] : memref<16384x128xf32, #tpu.memory_space<hbm>> -> memref<128x128xf32, #tpu.memory_space<hbm>>
    %dma_wait3A_462 = arith.constant 128 : i32
    %dma_wait3A_463 = arith.constant 0 : i32
    %dma_wait3A_464 = tpu.memref_slice %arg10[%dma_wait3A_462, %dma_wait3A_463] : memref<768x128xf32, #tpu.memory_space<vmem>> -> memref<128x128xf32, #tpu.memory_space<vmem>>
    tpu.wait_dma2 semaphore(%arg24 : memref<!tpu.dma_semaphore, #tpu.memory_space<semaphore_mem>>) src(%dma_wait3A_464 : memref<128x128xf32, #tpu.memory_space<vmem>>) dst(%dma_wait3A_461 : memref<128x128xf32, #tpu.memory_space<hbm>>)
    return
  }
}

module attributes {stable_mosaic.version = 14 : i64} {
  func.func @body(%arg0: i32, %arg1: memref<8192x128xf32, #tpu.memory_space<vmem>>, %arg2: memref<8192x128xf32, #tpu.memory_space<vmem>>, %arg3: memref<128x128xf32, #tpu.memory_space<vmem>>, %arg4: memref<64x128xf32, #tpu.memory_space<vmem>>, %arg5: memref<32x64xf32, #tpu.memory_space<vmem>>, %arg6: memref<1x128xf32, #tpu.memory_space<vmem>>, %arg7: memref<1x64xf32, #tpu.memory_space<vmem>>, %arg8: memref<32x1xf32, #tpu.memory_space<vmem>>, %arg9: memref<128x128xf32, #tpu.memory_space<vmem>>, %arg10: memref<64x128xf32, #tpu.memory_space<vmem>>, %arg11: memref<32x64xf32, #tpu.memory_space<vmem>>, %arg12: memref<1x128xf32, #tpu.memory_space<vmem>>, %arg13: memref<1x64xf32, #tpu.memory_space<vmem>>, %arg14: memref<32x1xf32, #tpu.memory_space<vmem>>, %arg15: memref<32x8192xf32, #tpu.memory_space<vmem>>, %arg16: memref<32x8192xf32, #tpu.memory_space<vmem>>) attributes {dimension_semantics = [#tpu.dimension_semantics<arbitrary>], iteration_bounds = array<i64: 2>, scalar_prefetch = 0 : i64, scratch_operands = 0 : i64, tpu.core_type = #tpu.core_type<tc>, window_params = [{transform_indices = @transform_0, window_bounds = array<i64: 8192, 128>}, {transform_indices = @transform_1, window_bounds = array<i64: 8192, 128>}, {pipeline_mode = #tpu.pipeline_mode<synchronous>, transform_indices = @transform_2, window_bounds = array<i64: 128, 128>}, {pipeline_mode = #tpu.pipeline_mode<synchronous>, transform_indices = @transform_3, window_bounds = array<i64: 64, 128>}, {pipeline_mode = #tpu.pipeline_mode<synchronous>, transform_indices = @transform_4, window_bounds = array<i64: 32, 64>}, {pipeline_mode = #tpu.pipeline_mode<synchronous>, transform_indices = @transform_5, window_bounds = array<i64: 1, 128>}, {pipeline_mode = #tpu.pipeline_mode<synchronous>, transform_indices = @transform_6, window_bounds = array<i64: 1, 64>}, {pipeline_mode = #tpu.pipeline_mode<synchronous>, transform_indices = @transform_7, window_bounds = array<i64: 32, 1>}, {pipeline_mode = #tpu.pipeline_mode<synchronous>, transform_indices = @transform_8, window_bounds = array<i64: 128, 128>}, {pipeline_mode = #tpu.pipeline_mode<synchronous>, transform_indices = @transform_9, window_bounds = array<i64: 64, 128>}, {pipeline_mode = #tpu.pipeline_mode<synchronous>, transform_indices = @transform_10, window_bounds = array<i64: 32, 64>}, {pipeline_mode = #tpu.pipeline_mode<synchronous>, transform_indices = @transform_11, window_bounds = array<i64: 1, 128>}, {pipeline_mode = #tpu.pipeline_mode<synchronous>, transform_indices = @transform_12, window_bounds = array<i64: 1, 64>}, {pipeline_mode = #tpu.pipeline_mode<synchronous>, transform_indices = @transform_13, window_bounds = array<i64: 32, 1>}, {transform_indices = @transform_14, window_bounds = array<i64: 32, 8192>}, {transform_indices = @transform_15, window_bounds = array<i64: 32, 8192>}]} {
    %get3A = arith.constant 0 : index
    %get3A_0 = arith.constant 0 : index
    %get3A_1 = vector.load %arg1[%get3A, %get3A_0] : memref<8192x128xf32, #tpu.memory_space<vmem>>, vector<8192x128xf32>
    %get3A_2 = arith.constant 0 : index
    %get3A_3 = arith.constant 0 : index
    %get3A_4 = vector.load %arg3[%get3A_2, %get3A_3] : memref<128x128xf32, #tpu.memory_space<vmem>>, vector<128x128xf32>
    %dot_general3A = arith.constant dense<0.000000e+00> : vector<8192x128xf32>
    %dot_general3A_5 = tpu.matmul %get3A_1, %get3A_4, %dot_general3A {dimension_numbers = #tpu.dot_dimension_numbers<[1], [1], [0], [0], [0, 0, 1, 0], [], []>, transpose_lhs_hint = false} : vector<8192x128xf32>, vector<128x128xf32>, vector<8192x128xf32> -> vector<8192x128xf32>
    %get3A_6 = arith.constant 0 : index
    %get3A_7 = arith.constant 0 : index
    %get3A_8 = vector.load %arg6[%get3A_6, %get3A_7] : memref<1x128xf32, #tpu.memory_space<vmem>>, vector<1x128xf32>
    %add3A = vector.broadcast %get3A_8 : vector<1x128xf32> to vector<8192x128xf32>
    %add3A_9 = arith.addf %dot_general3A_5, %add3A : vector<8192x128xf32>
    %max3A = arith.constant 0.000000e+00 : f32
    %max3A_10 = vector.broadcast %max3A : f32 to vector<8192x128xf32>
    %max3A_11 = arith.maximumf %add3A_9, %max3A_10 : vector<8192x128xf32>
    %get3A_12 = arith.constant 0 : index
    %get3A_13 = arith.constant 0 : index
    %get3A_14 = vector.load %arg4[%get3A_12, %get3A_13] : memref<64x128xf32, #tpu.memory_space<vmem>>, vector<64x128xf32>
    %dot_general3A_15 = arith.constant dense<0.000000e+00> : vector<8192x64xf32>
    %dot_general3A_16 = tpu.matmul %max3A_11, %get3A_14, %dot_general3A_15 {dimension_numbers = #tpu.dot_dimension_numbers<[1], [1], [0], [0], [0, 0, 1, 0], [], []>, transpose_lhs_hint = false} : vector<8192x128xf32>, vector<64x128xf32>, vector<8192x64xf32> -> vector<8192x64xf32>
    %get3A_17 = arith.constant 0 : index
    %get3A_18 = arith.constant 0 : index
    %get3A_19 = vector.load %arg7[%get3A_17, %get3A_18] : memref<1x64xf32, #tpu.memory_space<vmem>>, vector<1x64xf32>
    %add3A_20 = vector.broadcast %get3A_19 : vector<1x64xf32> to vector<8192x64xf32>
    %add3A_21 = arith.addf %dot_general3A_16, %add3A_20 : vector<8192x64xf32>
    %max3A_22 = arith.constant 0.000000e+00 : f32
    %max3A_23 = vector.broadcast %max3A_22 : f32 to vector<8192x64xf32>
    %max3A_24 = arith.maximumf %add3A_21, %max3A_23 : vector<8192x64xf32>
    %get3A_25 = arith.constant 0 : index
    %get3A_26 = arith.constant 0 : index
    %get3A_27 = vector.load %arg5[%get3A_25, %get3A_26] : memref<32x64xf32, #tpu.memory_space<vmem>>, vector<32x64xf32>
    %dot_general3A_28 = arith.constant dense<0.000000e+00> : vector<32x8192xf32>
    %dot_general3A_29 = tpu.matmul %get3A_27, %max3A_24, %dot_general3A_28 {dimension_numbers = #tpu.dot_dimension_numbers<[1], [1], [0], [0], [0, 0, 1, 0], [], []>, transpose_lhs_hint = false} : vector<32x64xf32>, vector<8192x64xf32>, vector<32x8192xf32> -> vector<32x8192xf32>
    %get3A_30 = arith.constant 0 : index
    %get3A_31 = arith.constant 0 : index
    %get3A_32 = vector.load %arg8[%get3A_30, %get3A_31] : memref<32x1xf32, #tpu.memory_space<vmem>>, vector<32x1xf32>
    %add3A_33 = vector.broadcast %get3A_32 : vector<32x1xf32> to vector<32x8192xf32>
    %add3A_34 = arith.addf %dot_general3A_29, %add3A_33 : vector<32x8192xf32>
    %max3A_35 = arith.constant 0.000000e+00 : f32
    %max3A_36 = vector.broadcast %max3A_35 : f32 to vector<32x8192xf32>
    %max3A_37 = arith.maximumf %add3A_34, %max3A_36 : vector<32x8192xf32>
    %swap3A = arith.constant 0 : index
    %swap3A_38 = arith.constant 0 : index
    %swap3A_39 = vector.load %arg15[%swap3A, %swap3A_38] : memref<32x8192xf32, #tpu.memory_space<vmem>>, vector<32x8192xf32>
    tpu.vector_store %arg15[%swap3A, %swap3A_38], %max3A_37 {strides = array<i32>} : memref<32x8192xf32, #tpu.memory_space<vmem>>, vector<32x8192xf32>,
    %get3A_40 = arith.constant 0 : index
    %get3A_41 = arith.constant 0 : index
    %get3A_42 = vector.load %arg2[%get3A_40, %get3A_41] : memref<8192x128xf32, #tpu.memory_space<vmem>>, vector<8192x128xf32>
    %get3A_43 = arith.constant 0 : index
    %get3A_44 = arith.constant 0 : index
    %get3A_45 = vector.load %arg9[%get3A_43, %get3A_44] : memref<128x128xf32, #tpu.memory_space<vmem>>, vector<128x128xf32>
    %dot_general3A_46 = arith.constant dense<0.000000e+00> : vector<8192x128xf32>
    %dot_general3A_47 = tpu.matmul %get3A_42, %get3A_45, %dot_general3A_46 {dimension_numbers = #tpu.dot_dimension_numbers<[1], [1], [0], [0], [0, 0, 1, 0], [], []>, transpose_lhs_hint = false} : vector<8192x128xf32>, vector<128x128xf32>, vector<8192x128xf32> -> vector<8192x128xf32>
    %get3A_48 = arith.constant 0 : index
    %get3A_49 = arith.constant 0 : index
    %get3A_50 = vector.load %arg12[%get3A_48, %get3A_49] : memref<1x128xf32, #tpu.memory_space<vmem>>, vector<1x128xf32>
    %add3A_51 = vector.broadcast %get3A_50 : vector<1x128xf32> to vector<8192x128xf32>
    %add3A_52 = arith.addf %dot_general3A_47, %add3A_51 : vector<8192x128xf32>
    %max3A_53 = arith.constant 0.000000e+00 : f32
    %max3A_54 = vector.broadcast %max3A_53 : f32 to vector<8192x128xf32>
    %max3A_55 = arith.maximumf %add3A_52, %max3A_54 : vector<8192x128xf32>
    %get3A_56 = arith.constant 0 : index
    %get3A_57 = arith.constant 0 : index
    %get3A_58 = vector.load %arg10[%get3A_56, %get3A_57] : memref<64x128xf32, #tpu.memory_space<vmem>>, vector<64x128xf32>
    %dot_general3A_59 = arith.constant dense<0.000000e+00> : vector<8192x64xf32>
    %dot_general3A_60 = tpu.matmul %max3A_55, %get3A_58, %dot_general3A_59 {dimension_numbers = #tpu.dot_dimension_numbers<[1], [1], [0], [0], [0, 0, 1, 0], [], []>, transpose_lhs_hint = false} : vector<8192x128xf32>, vector<64x128xf32>, vector<8192x64xf32> -> vector<8192x64xf32>
    %get3A_61 = arith.constant 0 : index
    %get3A_62 = arith.constant 0 : index
    %get3A_63 = vector.load %arg13[%get3A_61, %get3A_62] : memref<1x64xf32, #tpu.memory_space<vmem>>, vector<1x64xf32>
    %add3A_64 = vector.broadcast %get3A_63 : vector<1x64xf32> to vector<8192x64xf32>
    %add3A_65 = arith.addf %dot_general3A_60, %add3A_64 : vector<8192x64xf32>
    %max3A_66 = arith.constant 0.000000e+00 : f32
    %max3A_67 = vector.broadcast %max3A_66 : f32 to vector<8192x64xf32>
    %max3A_68 = arith.maximumf %add3A_65, %max3A_67 : vector<8192x64xf32>
    %get3A_69 = arith.constant 0 : index
    %get3A_70 = arith.constant 0 : index
    %get3A_71 = vector.load %arg11[%get3A_69, %get3A_70] : memref<32x64xf32, #tpu.memory_space<vmem>>, vector<32x64xf32>
    %dot_general3A_72 = arith.constant dense<0.000000e+00> : vector<32x8192xf32>
    %dot_general3A_73 = tpu.matmul %get3A_71, %max3A_68, %dot_general3A_72 {dimension_numbers = #tpu.dot_dimension_numbers<[1], [1], [0], [0], [0, 0, 1, 0], [], []>, transpose_lhs_hint = false} : vector<32x64xf32>, vector<8192x64xf32>, vector<32x8192xf32> -> vector<32x8192xf32>
    %get3A_74 = arith.constant 0 : index
    %get3A_75 = arith.constant 0 : index
    %get3A_76 = vector.load %arg14[%get3A_74, %get3A_75] : memref<32x1xf32, #tpu.memory_space<vmem>>, vector<32x1xf32>
    %add3A_77 = vector.broadcast %get3A_76 : vector<32x1xf32> to vector<32x8192xf32>
    %add3A_78 = arith.addf %dot_general3A_73, %add3A_77 : vector<32x8192xf32>
    %max3A_79 = arith.constant 0.000000e+00 : f32
    %max3A_80 = vector.broadcast %max3A_79 : f32 to vector<32x8192xf32>
    %max3A_81 = arith.maximumf %add3A_78, %max3A_80 : vector<32x8192xf32>
    %swap3A_82 = arith.constant 0 : index
    %swap3A_83 = arith.constant 0 : index
    %swap3A_84 = vector.load %arg16[%swap3A_82, %swap3A_83] : memref<32x8192xf32, #tpu.memory_space<vmem>>, vector<32x8192xf32>
    tpu.vector_store %arg16[%swap3A_82, %swap3A_83], %max3A_81 {strides = array<i32>} : memref<32x8192xf32, #tpu.memory_space<vmem>>, vector<32x8192xf32>,
    return
  }
  func.func @transform_0(%arg0: i32) -> (i32, i32) {
    %c0_i32 = arith.constant 0 : i32
    %c0_i32_0 = arith.constant 0 : i32
    return %arg0, %c0_i32 : i32, i32
  }
  func.func @transform_1(%arg0: i32) -> (i32, i32) {
    %c0_i32 = arith.constant 0 : i32
    %c0_i32_0 = arith.constant 0 : i32
    return %arg0, %c0_i32 : i32, i32
  }
  func.func @transform_2(%arg0: i32) -> (i32, i32) {
    %c0_i32 = arith.constant 0 : i32
    %c0_i32_0 = arith.constant 0 : i32
    %c0_i32_1 = arith.constant 0 : i32
    return %c0_i32, %c0_i32_0 : i32, i32
  }
  func.func @transform_3(%arg0: i32) -> (i32, i32) {
    %c0_i32 = arith.constant 0 : i32
    %c0_i32_0 = arith.constant 0 : i32
    %c0_i32_1 = arith.constant 0 : i32
    return %c0_i32, %c0_i32_0 : i32, i32
  }
  func.func @transform_4(%arg0: i32) -> (i32, i32) {
    %c0_i32 = arith.constant 0 : i32
    %c0_i32_0 = arith.constant 0 : i32
    %c0_i32_1 = arith.constant 0 : i32
    return %c0_i32, %c0_i32_0 : i32, i32
  }
  func.func @transform_5(%arg0: i32) -> (i32, i32) {
    %c0_i32 = arith.constant 0 : i32
    %c0_i32_0 = arith.constant 0 : i32
    %c0_i32_1 = arith.constant 0 : i32
    return %c0_i32, %c0_i32_0 : i32, i32
  }
  func.func @transform_6(%arg0: i32) -> (i32, i32) {
    %c0_i32 = arith.constant 0 : i32
    %c0_i32_0 = arith.constant 0 : i32
    %c0_i32_1 = arith.constant 0 : i32
    return %c0_i32, %c0_i32_0 : i32, i32
  }
  func.func @transform_7(%arg0: i32) -> (i32, i32) {
    %c0_i32 = arith.constant 0 : i32
    %c0_i32_0 = arith.constant 0 : i32
    %c0_i32_1 = arith.constant 0 : i32
    return %c0_i32, %c0_i32_0 : i32, i32
  }
  func.func @transform_8(%arg0: i32) -> (i32, i32) {
    %c0_i32 = arith.constant 0 : i32
    %c0_i32_0 = arith.constant 0 : i32
    %c0_i32_1 = arith.constant 0 : i32
    return %c0_i32, %c0_i32_0 : i32, i32
  }
  func.func @transform_9(%arg0: i32) -> (i32, i32) {
    %c0_i32 = arith.constant 0 : i32
    %c0_i32_0 = arith.constant 0 : i32
    %c0_i32_1 = arith.constant 0 : i32
    return %c0_i32, %c0_i32_0 : i32, i32
  }
  func.func @transform_10(%arg0: i32) -> (i32, i32) {
    %c0_i32 = arith.constant 0 : i32
    %c0_i32_0 = arith.constant 0 : i32
    %c0_i32_1 = arith.constant 0 : i32
    return %c0_i32, %c0_i32_0 : i32, i32
  }
  func.func @transform_11(%arg0: i32) -> (i32, i32) {
    %c0_i32 = arith.constant 0 : i32
    %c0_i32_0 = arith.constant 0 : i32
    %c0_i32_1 = arith.constant 0 : i32
    return %c0_i32, %c0_i32_0 : i32, i32
  }
  func.func @transform_12(%arg0: i32) -> (i32, i32) {
    %c0_i32 = arith.constant 0 : i32
    %c0_i32_0 = arith.constant 0 : i32
    %c0_i32_1 = arith.constant 0 : i32
    return %c0_i32, %c0_i32_0 : i32, i32
  }
  func.func @transform_13(%arg0: i32) -> (i32, i32) {
    %c0_i32 = arith.constant 0 : i32
    %c0_i32_0 = arith.constant 0 : i32
    %c0_i32_1 = arith.constant 0 : i32
    return %c0_i32, %c0_i32_0 : i32, i32
  }
  func.func @transform_14(%arg0: i32) -> (i32, i32) {
    %c0_i32 = arith.constant 0 : i32
    %c0_i32_0 = arith.constant 0 : i32
    return %c0_i32, %arg0 : i32, i32
  }
  func.func @transform_15(%arg0: i32) -> (i32, i32) {
    %c0_i32 = arith.constant 0 : i32
    %c0_i32_0 = arith.constant 0 : i32
    return %c0_i32, %arg0 : i32, i32
  }
}

</mosaic_0001>

<sc_bundles>
// kernel: kernel.4.cloned.1.call-start
scs
__scs_entry_jumppad:
0x0: {  	(pc) =	sbr.rel $0x88, $3  }
0x1: {  	(tag) =	ssettag $0x0;
	lr =	simm.s32 $0x1  }
0x2: {  	[smem:$0x3F91] =	sst lr;
	_ =	strace $0xD0000000  }
0x3: {  	_ = 	snop  }
0x4: {  	_ = 	snop  }
0x5: {  	_ = 	snop  }
0x6: {  	_ = 	snop  }
0x7: {  	_ = 	snop  }
__scs_overlays_trampoline_lowered:
0x8: {  	[smem:$0x3FA0] =	sst s0  }
0x9: {  	[smem:$0x3FA1] =	sst s1  }
0xa: {  	[smem:$0x3FA2] =	sst s2  }
0xb: {  	[smem:$0x3FA3] =	sst s3  }
0xc: {  	[smem:$0x3FA4] =	sst s4  }
0xd: {  	[smem:$0x3FA5] =	sst s5  }
0xe: {  	[smem:$0x3FA6] =	sst s6  }
0xf: {  	[smem:$0x3FA7] =	sst s7  }
0x10: {  	[smem:$0x3FA8] =	sst s8  }
0x11: {  	[smem:$0x3FA9] =	sst s9;
	s0 =	simm.s32 @!p0 $0x0  }
0x12: {  	s1 =	sld [smem:$0x3F8F];
	s0 =	simm.s32 @p0 $0x1  }
0x13: {  	[smem:$0x3FAA] =	sst s0;
	s0 =	simm.s32 @!p1 $0x0  }
0x14: {  	s2 =	sld [smem:$0x3F8E];
	s0 =	simm.s32 @p1 $0x1  }
0x15: {  	[smem:$0x3FAB] =	sst s0;
	s0 =	simm.s32 @!p2 $0x0  }
0x16: {  	s3 =	sld [smem:$0x3FDB];
	s0 =	simm.s32 @p2 $0x1  }
0x17: {  	s4 =	simm.s32 $0x1BF5;
	[smem:$0x3FAD] =	sst s0  }
0x18: {  	s0 =	sld [smem:$0x3F90];
	_ =	swait.ge [sflag:s4], $0x0  }
0x19: {  	s7 =	sld [smem:$0x3F91]  }
0x1a: {  	s8 =	sadd.s32 $0xFFFFE003, lr  }
0x1b: {  	s9 =	sadd.s32 $0xFFFFFEF7, lr;
	s5 =	simm.s32 $0xFFFFFFFF;
	p2 =	slt.u32 s8, $0xFFFFF086  }
0x1c: {  	p1 =	slt.u32 s9, $0xF7A;
	s5 =	simm.s32 @!p2 $0x0  }
0x1d: {  	s5 =	simm.s32 @p1 $0x1;
	p0 =	seq.s32 s7, s2  }
0x1e: {  	s7 =	smul.u32 @!p0 $0xF7A, s2;
	p2 =	seq.s32 @!p0 s5, $0x0  }
0x1f: {  	s9 =	smul.u32 $0xF7A, s1;
	s8 =	simm.s32 @!p0 $0x1BF5;
	p2 =	por !p2, p0  }
0x20: {  	[sflag:s8] =	ssyncset.s32 @!p0 $0xFFFFF086;
	s6 =	sadd.s32 @!p0 s3, s7;
	s7 =	simm.s32 @!p0 $0x108  }
0x21: {  	s3 =	sadd.s32 s3, s9;
	s6 =	sadd.s32 @!p0 $0x88, s6;
	s7 =	simm.s32 @p2 $0x1082  }
0x22: {  	[simem:s7], [sflag:s8] =	dma.local @!p0 [hbm:s6], $0xF7A  }
0x23: {  	s9 =	sor.u32 $0xD0000000, s2;
	s6 =	simm.s32 $0x108;
	_ =	swait.ge @!p0 [sflag:s8], $0x0  }
0x24: {  	s3 =	sadd.s32 $0x88, s3;
	s6 =	simm.s32 @!p1 $0x1082;
	[sflag:s4] =	ssyncset.s32 $0xFFFFF086  }
0x25: {  	[simem:s6], [sflag:s4] =	dma.local [hbm:s3], $0xF7A  }
0x26: {  	[smem:$0x3F91] =	sst s1;
	(tag) =	ssettag s2;
	_ =	strace s9  }
0x27: {  	s1 =	sld [smem:$0x3FA1]  }
0x28: {  	s2 =	sld [smem:$0x3FA2]  }
0x29: {  	s4 =	sld [smem:$0x3FA4]  }
0x2a: {  	p0 =	seq.s32 s5, $0x0;
	s5 =	sld [smem:$0x3FA5]  }
0x2b: {  	s6 =	sld [smem:$0x3FA6]  }
0x2c: {  	s7 =	sld [smem:$0x3FA7]  }
0x2d: {  	s3 =	simm.s32 $0x108;
	s8 =	sld [smem:$0x3FA8]  }
0x2e: {  	s3 =	simm.s32 @!p0 $0x1082;
	s9 =	sld [smem:$0x3FA9]  }
0x2f: {  	lr =	sadd.s32 s0, s3;
	s0 =	sld [smem:$0x3FA0]  }
0x30: {  	s3 =	sld [smem:$0x3FA3]  }
0x31: {  	[smem:$0x3FAC] =	sst s10  }
0x32: {  	s10 =	sld [smem:$0x3FAA];
	_ =	sdelay $0x3  }
0x33: {  	p0 =	seq.s32 s10, $0x1;
	s10 =	sld [smem:$0x3FAC];
	_ =	sdelay $0x3  }
0x34: {  	[smem:$0x3FAC] =	sst s10  }
0x35: {  	s10 =	sld [smem:$0x3FAB];
	_ =	sdelay $0x3  }
0x36: {  	p1 =	seq.s32 s10, $0x1;
	s10 =	sld [smem:$0x3FAC];
	_ =	sdelay $0x3  }
0x37: {  	[smem:$0x3FAC] =	sst s10  }
0x38: {  	s10 =	sld [smem:$0x3FAD]  }
0x39: {  	_ = 	snop;
	(pc) =	sbr.ind lr, $3  }
0x3a: {  	_ = 	snop  }
0x3b: {  	_ = 	snop  }
0x3c: {  	p2 =	seq.s32 s10, $0x1;
	s10 =	sld [smem:$0x3FAC]  }
0x3d: {  	_ =	shalt  }
0x3e: {  	_ =	shalt  }
0x3f: {  	_ =	shalt  }
0x40: {  	_ =	shalt  }
0x41: {  	_ =	shalt  }
0x42: {  	_ =	shalt  }
0x43: {  	_ =	shalt  }
0x44: {  	_ =	shalt  }
0x45: {  	_ =	shalt  }
0x46: {  	_ =	shalt  }
0x47: {  	_ =	shalt  }
0x48: {  	_ =	shalt  }
0x49: {  	_ =	shalt  }
0x4a: {  	_ =	shalt  }
0x4b: {  	_ =	shalt  }
0x4c: {  	_ =	shalt  }
0x4d: {  	_ =	shalt  }
0x4e: {  	_ =	shalt  }
0x4f: {  	_ =	shalt  }
0x50: {  	_ =	shalt  }
0x51: {  	_ =	shalt  }
0x52: {  	_ =	shalt  }
0x53: {  	_ =	shalt  }
0x54: {  	_ =	shalt  }
0x55: {  	_ =	shalt  }
0x56: {  	_ =	shalt  }
0x57: {  	_ =	shalt  }
0x58: {  	_ =	shalt  }
0x59: {  	_ =	shalt  }
0x5a: {  	_ =	shalt  }
0x5b: {  	_ =	shalt  }
0x5c: {  	_ =	shalt  }
0x5d: {  	_ =	shalt  }
0x5e: {  	_ =	shalt  }
0x5f: {  	_ =	shalt  }
0x60: {  	_ =	shalt  }
0x61: {  	_ =	shalt  }
0x62: {  	_ =	shalt  }
0x63: {  	_ =	shalt  }
0x64: {  	_ =	shalt  }
0x65: {  	_ =	shalt  }
0x66: {  	_ =	shalt  }
0x67: {  	_ =	shalt  }
0x68: {  	_ =	shalt  }
0x69: {  	_ =	shalt  }
0x6a: {  	_ =	shalt  }
0x6b: {  	_ =	shalt  }
0x6c: {  	_ =	shalt  }
0x6d: {  	_ =	shalt  }
0x6e: {  	_ =	shalt  }
0x6f: {  	_ =	shalt  }
0x70: {  	_ =	shalt  }
0x71: {  	_ =	shalt  }
0x72: {  	_ =	shalt  }
0x73: {  	_ =	shalt  }
0x74: {  	_ =	shalt  }
0x75: {  	_ =	shalt  }
0x76: {  	_ =	shalt  }
0x77: {  	_ =	shalt  }
0x78: {  	_ =	shalt  }
0x79: {  	_ =	shalt  }
0x7a: {  	_ =	shalt  }
0x7b: {  	_ =	shalt  }
0x7c: {  	_ =	shalt  }
0x7d: {  	_ =	shalt  }
0x7e: {  	_ =	shalt  }
0x7f: {  	_ =	shalt  }
0x80: {  	_ =	shalt  }
0x81: {  	_ =	shalt  }
0x82: {  	_ =	shalt  }
0x83: {  	_ =	shalt  }
0x84: {  	_ =	shalt  }
0x85: {  	_ =	shalt  }
0x86: {  	_ =	shalt  }
0x87: {  	_ =	shalt  }
.Lfunc_end0:
.L_simem_size_0:
called_computation_lowered:
.L_overlay_start_0:
0x88: {  	s2 =	sld [smem:$0x3FD9]  }
0x89: {  	s3 =	sld [smem:$0x3FFE];
	_ =	sdelay $0x1  }
0x8a: {  	s1 =	srdreg.scid  }
0x8b: {  	s0 =	sand.u32 $0x1, s1  }
0x8c: {  	s14 =	sshll.u32 s0, $0xA;
	s2 =	sadd.s32 s3, s2  }
0x8d: {  	s2 =	sadd.s32 s2, s14  }
0x8e: {  	[smem:$0x3FB8] =	sst s2  }
0x8f: {  	_ = 	snop  }
0x90: {  	s2 =	sld [smem:$0x3FD0];
	_ =	sdelay $0x1  }
0x91: {  	s15 =	sld [smem:$0x3FC7]  }
0x92: {  	s5 =	simm.s32 $0xA;
	s6 =	simm.s32 $0x10;
	s4 =	sld [smem:$0x3FC6]  }
0x93: {  	[smem:s6], [sflag:s5] =	dma.local [hbm:s2], $0x1  }
0x94: {  	_ =	swait.eq [sflag:s5], $0x1  }
0x95: {  	[sflag:s5] =	ssyncset.done $0x0  }
0x96: {  	s16 =	sld [smem:$0x10];
	[sflag:s5] =	ssyncadd.s32 $0xFFFFFFFF  }
0x97: {  	s17 =	sld [smem:$0x11];
	(tm) =	ssettm $0x1  }
0x98: {  	s18 =	sld [smem:$0x3FFB];
	_ =	sdelay $0x3  }
0x99: {  	_ =	strace s18  }
0x9a: {  	s6 =	sld [smem:$0x3FFC];
	_ =	sdelay $0x3  }
0x9b: {  	_ =	strace s6  }
0x9c: {  	s6 =	sld [smem:$0x3FFD];
	_ =	sdelay $0x3  }
0x9d: {  	_ =	strace s6  }
0x9e: {  	_ =	strace $0x8FFFFFFF  }
0x9f: {  	s19 =	sld [smem:$0x3FDB];
	_ =	sdelay $0x1  }
0xa0: {  	s7 =	simm.s32 $_scs_section_size  }
0xa1: {  	s8 =	simm.s32 $_size__tile_overlayer_lowered;
	s9 =	simm.s32 $_tile_overlayer_lowered  }
0xa2: {  	s22 =	simm.s32 $0x1BFF;
	s21 =	sshll.u32 s9, $0x1;
	s6 =	sadd.s32 s7, s19  }
0xa3: {  	s10 =	simm.s32 $0x0;
	s20 =	sshll.u32 s8, $0x1;
	s8 =	sadd.s32 s21, s6  }
0xa4: {  	[timem:s10], [sflag:s22] =	dma.local [hbm:s8], s20  }
0xa5: {  	_ =	swait.ge [sflag:s22], s20  }
0xa6: {  	s7 =	ssub.s32 $0x0, s20;
	[sflag:s22] =	ssyncset.done $0x0  }
0xa7: {  	[sflag:s22] =	ssyncadd.s32 s7;
	_ =	sdelay $0x1  }
0xa8: {  	s23 =	simm.s32 $0x1B8B  }
0xa9: {  	_ =	swait.ge [sflag:s23], $0x1  }
0xaa: {  	[sflag:s23] =	ssyncset.done $0x0  }
0xab: {  	s25 =	simm.s32 $0x1B8E;
	s24 =	sld [smem:$0x3FFE];
	[sflag:s23] =	ssyncadd.s32 $0xFFFFFFFF  }
0xac: {  	s26 =	simm.s32 $execute0_lowered;
	[smem:$0x3FD2] =	sst s25  }
0xad: {  	s8 =	sshll.u32 s26, $0x1;
	_ =	strace $0x80000046;
	[dreg:$0x1] =	wrdreg $0xFFFFFFFF  }
0xae: {  	s28 =	simm.s32 $_size_execute0_lowered;
	s6 =	sadd.s32 s6, s8;
	[dreg:$0x0] =	wrdreg $0x0  }
0xaf: {  	s8 =	sshll.u32 s28, $0x1;
	[dreg:$0x2] =	wrdreg s6  }
0xb0: {  	[dreg:$0x3] =	wrdreg s8  }
0xb1: {  	[dreg:$0x4] =	wrdreg $0xC0  }
0xb2: {  	_ =	task [dreg:s10], $0x5FFFF  }
0xb3: {  	[dreg:$0x1] =	wrdreg $0xFFFFFFFF  }
0xb4: {  	[dreg:$0x0] =	wrdreg $0x60  }
0xb5: {  	[dreg:$0x2] =	wrdreg s16  }
0xb6: {  	[dreg:$0x3] =	wrdreg s17  }
0xb7: {  	[dreg:$0x4] =	wrdreg s15  }
0xb8: {  	[dreg:$0x5] =	wrdreg s4  }
0xb9: {  	[dreg:$0x6] =	wrdreg s24  }
0xba: {  	[dreg:$0x7] =	wrdreg $0x9  }
0xbb: {  	_ =	task.clear_ibuf [dreg:s10], $0x8FFFF;
	_ =	strace $0x90000046  }
0xbc: {  	s29 =	simm.s32 $0x9;
	_ =	strace $0x80000048  }
0xbd: {  	_ =	swait.ge [sflag:s29], $0x1  }
0xbe: {  	[sflag:s29] =	ssyncadd.s32 $0xFFFFFFFF  }
0xbf: {  	_ =	strace $0x90000048  }
0xc0: {  	_ =	sfence  }
0xc1: {  	s30 =	sld [smem:$0x0];
	_ =	sdelay $0x2  }
0xc2: {  	s31 =	sshll.u32 s1, $0xD;
	s1 =	sshrl.u32 s1, $0x2  }
0xc3: {  	s3 =	sand.u32 $0x4000, s31;
	s1 =	sadd.s32 s1, s30  }
0xc4: {  	s0 =	sor.u32 s3, s0;
	s1 =	sshll.u32 s1, $0x11  }
0xc5: {  	s0 =	sor.u32 s1, s0  }
0xc6: {  	s0 =	sadd.s32 $0x8F2B, s0  }
0xc7: {  	[sflag:s0] =	ssyncadd.remote.s32 $0x1  }
0xc8: {  	_ =	sfence.sel $0xFFFF  }
0xc9: {  	[dreg:$0x0] =	wrdreg $0xFFFFFFFF;
	(pc) =	sbr.abs _section_cstart, $3  }
0xca: {  	[dreg:$0x1] =	wrdreg $0xFFFFFFFF  }
0xcb: {  	_ =	task.clear_ibuf [dreg:s10], $0x2FFFF;
	_ =	strace $0x9FFFFFFF  }
0xcc: {  	(tm) =	ssettm $0x7FFFFFFF  }
0xcd: {  	_ =	shalt  }
tec
execute0_lowered:
.L_overlay_start_1:
0x0: {  	(tag) =	ssettag $0x1  }
0x1: {  	s5 =	rddreg [dreg:$0x0]  }
0x2: {  	s6 =	rddreg [dreg:$0x1];
	s1 =	srdreg.scid  }
0x3: {  	s0 =	stileid.u32;
	s2 =	rddreg [dreg:$0x2]  }
0x4: {  	s3 =	rddreg [dreg:$0x3];
	s1 =	sand.u32 $0x1, s1;
	s4 =	sshll.u32 s0, $0x1  }
0x5: {  	s8 =	rddreg [dreg:$0x4];
	s7 =	sor.u32 s1, s4;
	s4 =	simm.s32 $0x0  }
0x6: {  	s17 =	simm.s32 $0x100;
	[smem:$0x7FF] =	sst s4  }
0x7: {  	s18 =	simm.s32 $0x180;
	_ =	strace $0x80000047;
	[dreg:$0x10] =	wrdreg s17  }
0x8: {  	s19 =	simm.s32 $0x400;
	s20 =	simm.s32 $0x600;
	[dreg:$0x11] =	wrdreg s18  }
0x9: {  	s21 =	simm.s32 $0x800;
	s22 =	simm.s32 $0xA00;
	[dreg:$0x12] =	wrdreg s19  }
0xa: {  	s10 =	sadd.s32 $0x2A00, s8;
	s8 =	sadd.s32 $0x42A00, s8;
	[dreg:$0x13] =	wrdreg s20  }
0xb: {  	s9 =	smul.u32 $0x500, s7;
	s7 =	sshll.u32 s7, $0xD;
	[dreg:$0x14] =	wrdreg s21  }
0xc: {  	s23 =	sadd.s32 s10, s7;
	s24 =	sor.u32 $0x800, s7;
	[dreg:$0x15] =	wrdreg s22  }
0xd: {  	s26 =	sor.u32 $0x1000, s7;
	s13 =	sadd.s32 s8, s7;
	[dreg:$0x8] =	wrdreg s23  }
0xe: {  	s12 =	sor.u32 $0x1800, s7;
	s7 =	simm.s32 $0x1600;
	[dreg:$0xc] =	wrdreg s13  }
0xf: {  	s17 =	simm.s32 $0x480;
	[dreg:$0x1b] =	wrdreg s7  }
0x10: {  	s18 =	simm.s32 $0x680;
	[smem:$0x778] =	sst s17  }
0x11: {  	s19 =	simm.s32 $0x880;
	[smem:$0x779] =	sst s18  }
0x12: {  	s20 =	simm.s32 $0xA80;
	[smem:$0x77A] =	sst s19  }
0x13: {  	s21 =	simm.s32 $0xC80;
	[smem:$0x77B] =	sst s20  }
0x14: {  	s22 =	simm.s32 $0xE80;
	[smem:$0x77C] =	sst s21  }
0x15: {  	s6 =	sadd.s32 s6, s9;
	[smem:$0x77D] =	sst s22  }
0x16: {  	s25 =	sadd.s32 s10, s24;
	[dreg:$0x7] =	wrdreg s6  }
0x17: {  	s0 =	sadd.s32 s10, s26;
	[dreg:$0x9] =	wrdreg s25  }
0x18: {  	s10 =	sadd.s32 s10, s12;
	[dreg:$0xa] =	wrdreg s0  }
0x19: {  	s14 =	sadd.s32 s8, s24;
	[dreg:$0xb] =	wrdreg s10  }
0x1a: {  	s15 =	sadd.s32 s8, s26;
	[dreg:$0xd] =	wrdreg s14  }
0x1b: {  	s16 =	sadd.s32 s8, s12;
	[dreg:$0xe] =	wrdreg s15  }
0x1c: {  	s23 =	simm.s32 $0xC00;
	[dreg:$0xf] =	wrdreg s16  }
0x1d: {  	s24 =	simm.s32 $0xE00;
	[dreg:$0x16] =	wrdreg s23  }
0x1e: {  	s26 =	simm.s32 $0x1200;
	[dreg:$0x17] =	wrdreg s24  }
0x1f: {  	s8 =	simm.s32 $0x1800;
	[dreg:$0x19] =	wrdreg s26  }
0x20: {  	s5 =	sadd.s32 s5, s9;
	s9 =	simm.s32 $0x1A00;
	[dreg:$0x1c] =	wrdreg s8  }
0x21: {  	s12 =	simm.s32 $0x2000;
	[dreg:$0x1d] =	wrdreg s9  }
0x22: {  	s13 =	simm.s32 $0x2200;
	[smem:$0x773] =	sst s12  }
0x23: {  	s7 =	simm.s32 $0x1A80;
	[smem:$0x774] =	sst s13  }
0x24: {  	s17 =	simm.s32 $0x900;
	[smem:$0x783] =	sst s7  }
0x25: {  	s18 =	simm.s32 $0xB00;
	[smem:$0x78D] =	sst s17  }
0x26: {  	s19 =	simm.s32 $0xD00;
	[smem:$0x78E] =	sst s18  }
0x27: {  	s20 =	simm.s32 $0xF00;
	[smem:$0x78F] =	sst s19  }
0x28: {  	s21 =	simm.s32 $0x1100;
	[smem:$0x790] =	sst s20  }
0x29: {  	s22 =	simm.s32 $0x1300;
	[smem:$0x791] =	sst s21  }
0x2a: {  	s11 =	sadd.s32 $0x40, s5;
	[smem:$0x792] =	sst s22  }
0x2b: {  	[tilespmem:s4], [sflag:$0xF] =	stream.linear.gather [hbm4b:s5+s4], $0x200, $0x38;
	[tilespmem:$0x1D000] =	vst v63  }
0x2c: {  	s25 =	simm.s32 $0x1000;
	[dreg:$0x6] =	wrdreg s11  }
0x2d: {  	s0 =	simm.s32 $0x1400;
	[dreg:$0x18] =	wrdreg s25  }
0x2e: {  	s10 =	simm.s32 $0x1C00;
	[dreg:$0x1a] =	wrdreg s0  }
0x2f: {  	s14 =	simm.s32 $0x2400;
	[dreg:$0x1e] =	wrdreg s10  }
0x30: {  	s15 =	simm.s32 $0x2600;
	[smem:$0x775] =	sst s14  }
0x31: {  	s16 =	simm.s32 $0x280;
	[smem:$0x776] =	sst s15  }
0x32: {  	s23 =	simm.s32 $0x1080;
	[smem:$0x777] =	sst s16  }
0x33: {  	s24 =	simm.s32 $0x1280;
	[smem:$0x77E] =	sst s23  }
0x34: {  	s26 =	simm.s32 $0x1680;
	[smem:$0x77F] =	sst s24  }
0x35: {  	s8 =	simm.s32 $0x1C80;
	[smem:$0x781] =	sst s26  }
0x36: {  	s9 =	simm.s32 $0x1E80;
	[smem:$0x784] =	sst s8  }
0x37: {  	s12 =	simm.s32 $0x2480;
	[smem:$0x785] =	sst s9  }
0x38: {  	s13 =	simm.s32 $0x2680;
	[smem:$0x788] =	sst s12  }
0x39: {  	s7 =	simm.s32 $0x1F00;
	[smem:$0x789] =	sst s13  }
0x3a: {  	s17 =	simm.s32 $0xD80;
	[smem:$0x798] =	sst s7  }
0x3b: {  	s18 =	simm.s32 $0xF80;
	[smem:$0x7A2] =	sst s17  }
0x3c: {  	s19 =	simm.s32 $0x1180;
	[smem:$0x7A3] =	sst s18  }
0x3d: {  	s20 =	simm.s32 $0x1380;
	[smem:$0x7A4] =	sst s19  }
0x3e: {  	s21 =	simm.s32 $0x1580;
	[smem:$0x7A5] =	sst s20  }
0x3f: {  	s22 =	simm.s32 $0x1780;
	[smem:$0x7A6] =	sst s21  }
0x40: {  	s11 =	simm.s32 $0x1E00;
	[smem:$0x7A7] =	sst s22  }
0x41: {  	s25 =	simm.s32 $0x1480;
	[dreg:$0x1f] =	wrdreg s11  }
0x42: {  	s0 =	simm.s32 $0x1880;
	[smem:$0x780] =	sst s25  }
0x43: {  	s10 =	simm.s32 $0x2080;
	[smem:$0x782] =	sst s0  }
0x44: {  	s14 =	simm.s32 $0x300;
	[smem:$0x786] =	sst s10  }
0x45: {  	s15 =	simm.s32 $0x500;
	[smem:$0x78A] =	sst s14  }
0x46: {  	s16 =	simm.s32 $0x700;
	[smem:$0x78B] =	sst s15  }
0x47: {  	s23 =	simm.s32 $0x1500;
	[smem:$0x78C] =	sst s16  }
0x48: {  	s24 =	simm.s32 $0x1700;
	[smem:$0x793] =	sst s23  }
0x49: {  	s26 =	simm.s32 $0x1B00;
	[smem:$0x794] =	sst s24  }
0x4a: {  	s8 =	simm.s32 $0x2100;
	[smem:$0x796] =	sst s26  }
0x4b: {  	s9 =	simm.s32 $0x2300;
	[smem:$0x799] =	sst s8  }
0x4c: {  	s12 =	simm.s32 $0x380;
	[smem:$0x79A] =	sst s9  }
0x4d: {  	s13 =	simm.s32 $0x580;
	[smem:$0x79D] =	sst s12  }
0x4e: {  	s7 =	simm.s32 $0x2380;
	[smem:$0x79E] =	sst s13  }
0x4f: {  	s17 =	simm.s32 $0x3800;
	[smem:$0x7AD] =	sst s7  }
0x50: {  	s18 =	simm.s32 $0x3A00;
	[smem:$0x7B7] =	sst s17  }
0x51: {  	s19 =	simm.s32 $0x3C00;
	[smem:$0x7B8] =	sst s18  }
0x52: {  	s20 =	simm.s32 $0x3E00;
	[smem:$0x7B9] =	sst s19  }
0x53: {  	s21 =	simm.s32 $0x4000;
	[smem:$0x7BA] =	sst s20  }
0x54: {  	s22 =	simm.s32 $0x4200;
	[smem:$0x7BB] =	sst s21  }
0x55: {  	s11 =	simm.s32 $0x2280;
	[smem:$0x7BC] =	sst s22  }
0x56: {  	s25 =	simm.s32 $0x1900;
	[smem:$0x787] =	sst s11  }
0x57: {  	s0 =	simm.s32 $0x1D00;
	[smem:$0x795] =	sst s25  }
0x58: {  	s10 =	simm.s32 $0x2500;
	[smem:$0x797] =	sst s0  }
0x59: {  	s14 =	simm.s32 $0x780;
	[smem:$0x79B] =	sst s10  }
0x5a: {  	s15 =	simm.s32 $0x980;
	[smem:$0x79F] =	sst s14  }
0x5b: {  	s16 =	simm.s32 $0xB80;
	[smem:$0x7A0] =	sst s15  }
0x5c: {  	s23 =	simm.s32 $0x1980;
	[smem:$0x7A1] =	sst s16  }
0x5d: {  	s24 =	simm.s32 $0x1B80;
	[smem:$0x7A8] =	sst s23  }
0x5e: {  	s26 =	simm.s32 $0x1F80;
	[smem:$0x7A9] =	sst s24  }
0x5f: {  	s8 =	simm.s32 $0x2580;
	[smem:$0x7AB] =	sst s26  }
0x60: {  	s9 =	simm.s32 $0x2780;
	[smem:$0x7AE] =	sst s8  }
0x61: {  	s12 =	simm.s32 $0x2E00;
	[smem:$0x7AF] =	sst s9  }
0x62: {  	s13 =	simm.s32 $0x3000;
	[smem:$0x7B2] =	sst s12  }
0x63: {  	s7 =	simm.s32 $0x4E00;
	[smem:$0x7B3] =	sst s13  }
0x64: {  	s17 =	simm.s32 $0x3A80;
	[smem:$0x7C2] =	sst s7  }
0x65: {  	s18 =	simm.s32 $0x3C80;
	[smem:$0x7CC] =	sst s17  }
0x66: {  	s19 =	simm.s32 $0x3E80;
	[smem:$0x7CD] =	sst s18  }
0x67: {  	s20 =	simm.s32 $0x4080;
	[smem:$0x7CE] =	sst s19  }
0x68: {  	s21 =	simm.s32 $0x4280;
	[smem:$0x7CF] =	sst s20  }
0x69: {  	s22 =	simm.s32 $0x4480;
	[smem:$0x7D0] =	sst s21  }
0x6a: {  	s11 =	simm.s32 $0x2700;
	[smem:$0x7D1] =	sst s22  }
0x6b: {  	s25 =	simm.s32 $0x1D80;
	[smem:$0x79C] =	sst s11  }
0x6c: {  	s0 =	simm.s32 $0x2180;
	[smem:$0x7AA] =	sst s25  }
0x6d: {  	s10 =	simm.s32 $0x2A00;
	[smem:$0x7AC] =	sst s0  }
0x6e: {  	s14 =	simm.s32 $0x3200;
	[smem:$0x7B0] =	sst s10  }
0x6f: {  	s15 =	simm.s32 $0x3400;
	[smem:$0x7B4] =	sst s14  }
0x70: {  	s16 =	simm.s32 $0x3600;
	[smem:$0x7B5] =	sst s15  }
0x71: {  	s23 =	simm.s32 $0x4400;
	[smem:$0x7B6] =	sst s16  }
0x72: {  	s24 =	simm.s32 $0x4600;
	[smem:$0x7BD] =	sst s23  }
0x73: {  	s26 =	simm.s32 $0x4A00;
	[smem:$0x7BE] =	sst s24  }
0x74: {  	s8 =	simm.s32 $0x2880;
	[smem:$0x7C0] =	sst s26  }
0x75: {  	s9 =	simm.s32 $0x2A80;
	[smem:$0x7C3] =	sst s8  }
0x76: {  	s12 =	simm.s32 $0x3080;
	[smem:$0x7C4] =	sst s9  }
0x77: {  	s13 =	simm.s32 $0x3280;
	[smem:$0x7C7] =	sst s12  }
0x78: {  	s7 =	simm.s32 $0x2900;
	[smem:$0x7C8] =	sst s13  }
0x79: {  	s17 =	simm.s32 $0x3D00;
	[smem:$0x7D7] =	sst s7  }
0x7a: {  	s18 =	simm.s32 $0x3F00;
	[smem:$0x7E1] =	sst s17  }
0x7b: {  	s19 =	simm.s32 $0x4100;
	[smem:$0x7E2] =	sst s18  }
0x7c: {  	s20 =	simm.s32 $0x4300;
	[smem:$0x7E3] =	sst s19  }
0x7d: {  	s21 =	simm.s32 $0x4500;
	[smem:$0x7E4] =	sst s20  }
0x7e: {  	s22 =	simm.s32 $0x4700;
	[smem:$0x7E5] =	sst s21  }
0x7f: {  	s11 =	simm.s32 $0x2C00;
	[smem:$0x7E6] =	sst s22  }
0x80: {  	s25 =	simm.s32 $0x4800;
	[smem:$0x7B1] =	sst s11  }
0x81: {  	s0 =	simm.s32 $0x4C00;
	[smem:$0x7BF] =	sst s25  }
0x82: {  	s10 =	simm.s32 $0x2C80;
	[smem:$0x7C1] =	sst s0  }
0x83: {  	s14 =	simm.s32 $0x3480;
	[smem:$0x7C5] =	sst s10  }
0x84: {  	s15 =	simm.s32 $0x3680;
	[smem:$0x7C9] =	sst s14  }
0x85: {  	s16 =	simm.s32 $0x3880;
	[smem:$0x7CA] =	sst s15  }
0x86: {  	s23 =	simm.s32 $0x4680;
	[smem:$0x7CB] =	sst s16  }
0x87: {  	s24 =	simm.s32 $0x4880;
	[smem:$0x7D2] =	sst s23  }
0x88: {  	s26 =	simm.s32 $0x4C80;
	[smem:$0x7D3] =	sst s24  }
0x89: {  	s8 =	simm.s32 $0x2B00;
	[smem:$0x7D5] =	sst s26  }
0x8a: {  	s9 =	simm.s32 $0x2D00;
	[smem:$0x7D8] =	sst s8  }
0x8b: {  	s12 =	simm.s32 $0x3300;
	[smem:$0x7D9] =	sst s9  }
0x8c: {  	s13 =	simm.s32 $0x3500;
	[smem:$0x7DC] =	sst s12  }
0x8d: {  	s7 =	simm.s32 $0x2B80;
	[smem:$0x7DD] =	sst s13  }
0x8e: {  	s17 =	simm.s32 $0x3F80;
	[smem:$0x7EC] =	sst s7  }
0x8f: {  	s18 =	simm.s32 $0x4180;
	[smem:$0x7F6] =	sst s17  }
0x90: {  	s19 =	simm.s32 $0x4380;
	[smem:$0x7F7] =	sst s18  }
0x91: {  	s20 =	simm.s32 $0x4580;
	[smem:$0x7F8] =	sst s19  }
0x92: {  	s21 =	simm.s32 $0x4780;
	[smem:$0x7F9] =	sst s20  }
0x93: {  	s22 =	simm.s32 $0x4980;
	[smem:$0x7FA] =	sst s21  }
0x94: {  	s11 =	simm.s32 $0x2E80;
	[smem:$0x7FB] =	sst s22  }
0x95: {  	s25 =	simm.s32 $0x4A80;
	[smem:$0x7C6] =	sst s11  }
0x96: {  	s0 =	simm.s32 $0x4E80;
	[smem:$0x7D4] =	sst s25  }
0x97: {  	s10 =	simm.s32 $0x2F00;
	[smem:$0x7D6] =	sst s0  }
0x98: {  	s14 =	simm.s32 $0x3700;
	[smem:$0x7DA] =	sst s10  }
0x99: {  	s15 =	simm.s32 $0x3900;
	[smem:$0x7DE] =	sst s14  }
0x9a: {  	s16 =	simm.s32 $0x3B00;
	[smem:$0x7DF] =	sst s15  }
0x9b: {  	s23 =	simm.s32 $0x4900;
	[smem:$0x7E0] =	sst s16  }
0x9c: {  	s24 =	simm.s32 $0x4B00;
	[smem:$0x7E7] =	sst s23  }
0x9d: {  	s26 =	simm.s32 $0x4F00;
	[smem:$0x7E8] =	sst s24  }
0x9e: {  	s8 =	simm.s32 $0x2D80;
	[smem:$0x7EA] =	sst s26  }
0x9f: {  	s9 =	simm.s32 $0x2F80;
	[smem:$0x7ED] =	sst s8  }
0xa0: {  	s12 =	simm.s32 $0x3580;
	[smem:$0x7EE] =	sst s9  }
0xa1: {  	s13 =	simm.s32 $0x3780;
	[smem:$0x7F1] =	sst s12  }
0xa2: {  	s11 =	simm.s32 $0x3100;
	[smem:$0x7F2] =	sst s13  }
0xa3: {  	s25 =	simm.s32 $0x4D00;
	[smem:$0x7DB] =	sst s11  }
0xa4: {  	s0 =	simm.s32 $0x2980;
	[smem:$0x7E9] =	sst s25  }
0xa5: {  	s10 =	simm.s32 $0x3180;
	[smem:$0x7EB] =	sst s0  }
0xa6: {  	s14 =	simm.s32 $0x3980;
	[smem:$0x7EF] =	sst s10  }
0xa7: {  	s15 =	simm.s32 $0x3B80;
	[smem:$0x7F3] =	sst s14  }
0xa8: {  	s16 =	simm.s32 $0x3D80;
	[smem:$0x7F4] =	sst s15  }
0xa9: {  	s23 =	simm.s32 $0x4B80;
	[smem:$0x7F5] =	sst s16  }
0xaa: {  	s24 =	simm.s32 $0x4D80;
	[smem:$0x7FC] =	sst s23  }
0xab: {  	s11 =	simm.s32 $0x3380;
	[smem:$0x7FD] =	sst s24  }
0xac: {  	s6 =	simm.s32 $0xF;
	[smem:$0x7F0] =	sst s11  }
0xad: {  	_ =	swait.ge [sflag:s6], $0x200  }
0xae: {  	[sflag:s6] =	ssyncset.done $0x0  }
0xaf: {  	s7 =	simm.s32 $0x80;
	s8 =	simm.s32 $0x5000;
	[sflag:s6] =	ssyncadd.s32 $0xFFFFFE00  }
0xb0: {  	[tilespmem:s8], [sflag:$0x1] =	stream.indirect.gather [hbm4b:s2+s7], $0x80, s4, s7, $0xb8;
	[tilespmem:$0x1D000] =	vst v63  }
0xb1: {  	s9 =	simm.s32 $0x9000  }
0xb2: {  	[tilespmem:s9], [sflag:$0x2] =	stream.indirect.gather [hbm4b:s2+s7], $0x80, s7, s7, $0xb8;
	[tilespmem:$0x1D000] =	vst v63  }
0xb3: {  	s10 =	simm.s32 $0xD000;
	s25 =	rddreg [dreg:$0x10]  }
0xb4: {  	[tilespmem:s10], [sflag:$0x3] =	stream.indirect.gather [hbm4b:s2+s7], $0x80, s25, s7, $0xb8;
	[tilespmem:$0x1D000] =	vst v63  }
0xb5: {  	s11 =	simm.s32 $0x11000;
	s26 =	rddreg [dreg:$0x11]  }
0xb6: {  	[tilespmem:s11], [sflag:$0x4] =	stream.indirect.gather [hbm4b:s2+s7], $0x80, s26, s7, $0xb8;
	[tilespmem:$0x1D000] =	vst v63  }
0xb7: {  	s12 =	simm.s32 $0x200;
	s13 =	rddreg [dreg:$0x6]  }
0xb8: {  	[tilespmem:s12], [sflag:$0xF] =	stream.linear.gather [hbm4b:s13+s4], $0x2600, $0x38;
	[tilespmem:$0x1D000] =	vst v63  }
0xb9: {  	_ =	swait.ge [sflag:s6], $0x2600  }
0xba: {  	[sflag:s6] =	ssyncset.done $0x0  }
0xbb: {  	s13 =	simm.s32 $0x1;
	[sflag:s6] =	ssyncadd.s32 $0xFFFFDA00  }
0xbc: {  	_ =	swait.ge [sflag:s13], $0x4000  }
0xbd: {  	[sflag:s13] =	ssyncset.done $0x0  }
0xbe: {  	s14 =	rddreg [dreg:$0x12];
	[sflag:s13] =	ssyncadd.s32 $0xFFFFC000  }
0xbf: {  	[tilespmem:s8], [sflag:$0x1] =	stream.indirect.gather.add.f32 [hbm:s2], $0x80, s12, s7, $0xb8;
	[tilespmem:$0x1D000] =	vst v63  }
0xc0: {  	s15 =	rddreg [dreg:$0x13]  }
0xc1: {  	[tilespmem:s8], [sflag:$0x1] =	stream.indirect.gather.add.f32 [hbm:s2], $0x80, s14, s7, $0xb8;
	[tilespmem:$0x1D000] =	vst v63  }
0xc2: {  	s0 =	rddreg [dreg:$0x14]  }
0xc3: {  	[tilespmem:s8], [sflag:$0x1] =	stream.indirect.gather.add.f32 [hbm:s2], $0x80, s15, s7, $0xb8;
	[tilespmem:$0x1D000] =	vst v63  }
0xc4: {  	s16 =	rddreg [dreg:$0x15]  }
0xc5: {  	[tilespmem:s8], [sflag:$0x1] =	stream.indirect.gather.add.f32 [hbm:s2], $0x80, s0, s7, $0xb8;
	[tilespmem:$0x1D000] =	vst v63  }
0xc6: {  	s17 =	rddreg [dreg:$0x16]  }
0xc7: {  	[tilespmem:s8], [sflag:$0x1] =	stream.indirect.gather.add.f32 [hbm:s2], $0x80, s16, s7, $0xb8;
	[tilespmem:$0x1D000] =	vst v63  }
0xc8: {  	s18 =	rddreg [dreg:$0x17]  }
0xc9: {  	[tilespmem:s8], [sflag:$0x1] =	stream.indirect.gather.add.f32 [hbm:s2], $0x80, s17, s7, $0xb8;
	[tilespmem:$0x1D000] =	vst v63  }
0xca: {  	s19 =	rddreg [dreg:$0x18]  }
0xcb: {  	[tilespmem:s8], [sflag:$0x1] =	stream.indirect.gather.add.f32 [hbm:s2], $0x80, s18, s7, $0xb8;
	[tilespmem:$0x1D000] =	vst v63  }
0xcc: {  	s20 =	rddreg [dreg:$0x19]  }
0xcd: {  	[tilespmem:s8], [sflag:$0x1] =	stream.indirect.gather.add.f32 [hbm:s2], $0x80, s19, s7, $0xb8;
	[tilespmem:$0x1D000] =	vst v63  }
0xce: {  	s21 =	rddreg [dreg:$0x1a]  }
0xcf: {  	[tilespmem:s8], [sflag:$0x1] =	stream.indirect.gather.add.f32 [hbm:s2], $0x80, s20, s7, $0xb8;
	[tilespmem:$0x1D000] =	vst v63  }
0xd0: {  	s22 =	rddreg [dreg:$0x1b]  }
0xd1: {  	[tilespmem:s8], [sflag:$0x1] =	stream.indirect.gather.add.f32 [hbm:s2], $0x80, s21, s7, $0xb8;
	[tilespmem:$0x1D000] =	vst v63  }
0xd2: {  	s23 =	rddreg [dreg:$0x1c]  }
0xd3: {  	[tilespmem:s8], [sflag:$0x1] =	stream.indirect.gather.add.f32 [hbm:s2], $0x80, s22, s7, $0xb8;
	[tilespmem:$0x1D000] =	vst v63  }
0xd4: {  	s24 =	rddreg [dreg:$0x1d]  }
0xd5: {  	[tilespmem:s8], [sflag:$0x1] =	stream.indirect.gather.add.f32 [hbm:s2], $0x80, s23, s7, $0xb8;
	[tilespmem:$0x1D000] =	vst v63  }
0xd6: {  	s25 =	rddreg [dreg:$0x1e]  }
0xd7: {  	[tilespmem:s8], [sflag:$0x1] =	stream.indirect.gather.add.f32 [hbm:s2], $0x80, s24, s7, $0xb8;
	[tilespmem:$0x1D000] =	vst v63  }
0xd8: {  	s26 =	rddreg [dreg:$0x1f]  }
0xd9: {  	[tilespmem:s8], [sflag:$0x1] =	stream.indirect.gather.add.f32 [hbm:s2], $0x80, s25, s7, $0xb8;
	[tilespmem:$0x1D000] =	vst v63  }
0xda: {  	s0 =	sld [smem:$0x773]  }
0xdb: {  	[tilespmem:s8], [sflag:$0x1] =	stream.indirect.gather.add.f32 [hbm:s2], $0x80, s26, s7, $0xb8;
	[tilespmem:$0x1D000] =	vst v63  }
0xdc: {  	s16 =	sld [smem:$0x774]  }
0xdd: {  	[tilespmem:s8], [sflag:$0x1] =	stream.indirect.gather.add.f32 [hbm:s2], $0x80, s0, s7, $0xb8;
	[tilespmem:$0x1D000] =	vst v63  }
0xde: {  	s17 =	sld [smem:$0x775]  }
0xdf: {  	[tilespmem:s8], [sflag:$0x1] =	stream.indirect.gather.add.f32 [hbm:s2], $0x80, s16, s7, $0xb8;
	[tilespmem:$0x1D000] =	vst v63  }
0xe0: {  	s18 =	sld [smem:$0x776]  }
0xe1: {  	[tilespmem:s8], [sflag:$0x1] =	stream.indirect.gather.add.f32 [hbm:s2], $0x80, s17, s7, $0xb8;
	[tilespmem:$0x1D000] =	vst v63  }
0xe2: {  	s14 =	simm.s32 $0x2  }
0xe3: {  	[tilespmem:s8], [sflag:$0x1] =	stream.indirect.gather.add.f32 [hbm:s2], $0x80, s18, s7, $0xb8;
	[tilespmem:$0x1D000] =	vst v63  }
0xe4: {  	_ =	swait.ge [sflag:s14], $0x4000  }
0xe5: {  	s19 =	sld [smem:$0x777]  }
0xe6: {  	[sflag:s14] =	ssyncset.done $0x0  }
0xe7: {  	s16 =	sld [smem:$0x778];
	[sflag:s14] =	ssyncadd.s32 $0xFFFFC000  }
0xe8: {  	[tilespmem:s9], [sflag:$0x2] =	stream.indirect.gather.add.f32 [hbm:s2], $0x80, s19, s7, $0xb8;
	[tilespmem:$0x1D000] =	vst v63  }
0xe9: {  	s20 =	sld [smem:$0x779]  }
0xea: {  	[tilespmem:s9], [sflag:$0x2] =	stream.indirect.gather.add.f32 [hbm:s2], $0x80, s16, s7, $0xb8;
	[tilespmem:$0x1D000] =	vst v63  }
0xeb: {  	s21 =	sld [smem:$0x77A]  }
0xec: {  	[tilespmem:s9], [sflag:$0x2] =	stream.indirect.gather.add.f32 [hbm:s2], $0x80, s20, s7, $0xb8;
	[tilespmem:$0x1D000] =	vst v63  }
0xed: {  	s22 =	sld [smem:$0x77B]  }
0xee: {  	[tilespmem:s9], [sflag:$0x2] =	stream.indirect.gather.add.f32 [hbm:s2], $0x80, s21, s7, $0xb8;
	[tilespmem:$0x1D000] =	vst v63  }
0xef: {  	s23 =	sld [smem:$0x77C]  }
0xf0: {  	[tilespmem:s9], [sflag:$0x2] =	stream.indirect.gather.add.f32 [hbm:s2], $0x80, s22, s7, $0xb8;
	[tilespmem:$0x1D000] =	vst v63  }
0xf1: {  	s24 =	sld [smem:$0x77D]  }
0xf2: {  	[tilespmem:s9], [sflag:$0x2] =	stream.indirect.gather.add.f32 [hbm:s2], $0x80, s23, s7, $0xb8;
	[tilespmem:$0x1D000] =	vst v63  }
0xf3: {  	s25 =	sld [smem:$0x77E]  }
0xf4: {  	[tilespmem:s9], [sflag:$0x2] =	stream.indirect.gather.add.f32 [hbm:s2], $0x80, s24, s7, $0xb8;
	[tilespmem:$0x1D000] =	vst v63  }
0xf5: {  	s26 =	sld [smem:$0x77F]  }
0xf6: {  	[tilespmem:s9], [sflag:$0x2] =	stream.indirect.gather.add.f32 [hbm:s2], $0x80, s25, s7, $0xb8;
	[tilespmem:$0x1D000] =	vst v63  }
0xf7: {  	s0 =	sld [smem:$0x780]  }
0xf8: {  	[tilespmem:s9], [sflag:$0x2] =	stream.indirect.gather.add.f32 [hbm:s2], $0x80, s26, s7, $0xb8;
	[tilespmem:$0x1D000] =	vst v63  }
0xf9: {  	s17 =	sld [smem:$0x781]  }
0xfa: {  	[tilespmem:s9], [sflag:$0x2] =	stream.indirect.gather.add.f32 [hbm:s2], $0x80, s0, s7, $0xb8;
	[tilespmem:$0x1D000] =	vst v63  }
0xfb: {  	s18 =	sld [smem:$0x782]  }
0xfc: {  	[tilespmem:s9], [sflag:$0x2] =	stream.indirect.gather.add.f32 [hbm:s2], $0x80, s17, s7, $0xb8;
	[tilespmem:$0x1D000] =	vst v63  }
0xfd: {  	s19 =	sld [smem:$0x783]  }
0xfe: {  	[tilespmem:s9], [sflag:$0x2] =	stream.indirect.gather.add.f32 [hbm:s2], $0x80, s18, s7, $0xb8;
	[tilespmem:$0x1D000] =	vst v63  }
0xff: {  	s20 =	sld [smem:$0x784]  }
0x100: {  	[tilespmem:s9], [sflag:$0x2] =	stream.indirect.gather.add.f32 [hbm:s2], $0x80, s19, s7, $0xb8;
	[tilespmem:$0x1D000] =	vst v63  }
0x101: {  	s21 =	sld [smem:$0x785]  }
0x102: {  	[tilespmem:s9], [sflag:$0x2] =	stream.indirect.gather.add.f32 [hbm:s2], $0x80, s20, s7, $0xb8;
	[tilespmem:$0x1D000] =	vst v63  }
0x103: {  	s22 =	sld [smem:$0x786]  }
0x104: {  	[tilespmem:s9], [sflag:$0x2] =	stream.indirect.gather.add.f32 [hbm:s2], $0x80, s21, s7, $0xb8;
	[tilespmem:$0x1D000] =	vst v63  }
0x105: {  	s23 =	sld [smem:$0x787]  }
0x106: {  	[tilespmem:s9], [sflag:$0x2] =	stream.indirect.gather.add.f32 [hbm:s2], $0x80, s22, s7, $0xb8;
	[tilespmem:$0x1D000] =	vst v63  }
0x107: {  	s24 =	sld [smem:$0x788]  }
0x108: {  	[tilespmem:s9], [sflag:$0x2] =	stream.indirect.gather.add.f32 [hbm:s2], $0x80, s23, s7, $0xb8;
	[tilespmem:$0x1D000] =	vst v63  }
0x109: {  	s17 =	sld [smem:$0x789]  }
0x10a: {  	[tilespmem:s9], [sflag:$0x2] =	stream.indirect.gather.add.f32 [hbm:s2], $0x80, s24, s7, $0xb8;
	[tilespmem:$0x1D000] =	vst v63  }
0x10b: {  	s15 =	simm.s32 $0x3  }
0x10c: {  	[tilespmem:s9], [sflag:$0x2] =	stream.indirect.gather.add.f32 [hbm:s2], $0x80, s17, s7, $0xb8;
	[tilespmem:$0x1D000] =	vst v63  }
0x10d: {  	_ =	swait.ge [sflag:s15], $0x4000  }
0x10e: {  	s25 =	sld [smem:$0x78A]  }
0x10f: {  	[sflag:s15] =	ssyncset.done $0x0  }
0x110: {  	s26 =	sld [smem:$0x78B];
	[sflag:s15] =	ssyncadd.s32 $0xFFFFC000  }
0x111: {  	[tilespmem:s10], [sflag:$0x3] =	stream.indirect.gather.add.f32 [hbm:s2], $0x80, s25, s7, $0xb8;
	[tilespmem:$0x1D000] =	vst v63  }
0x112: {  	s0 =	sld [smem:$0x78C]  }
0x113: {  	[tilespmem:s10], [sflag:$0x3] =	stream.indirect.gather.add.f32 [hbm:s2], $0x80, s26, s7, $0xb8;
	[tilespmem:$0x1D000] =	vst v63  }
0x114: {  	s18 =	sld [smem:$0x78D]  }
0x115: {  	[tilespmem:s10], [sflag:$0x3] =	stream.indirect.gather.add.f32 [hbm:s2], $0x80, s0, s7, $0xb8;
	[tilespmem:$0x1D000] =	vst v63  }
0x116: {  	s19 =	sld [smem:$0x78E]  }
0x117: {  	[tilespmem:s10], [sflag:$0x3] =	stream.indirect.gather.add.f32 [hbm:s2], $0x80, s18, s7, $0xb8;
	[tilespmem:$0x1D000] =	vst v63  }
0x118: {  	s20 =	sld [smem:$0x78F]  }
0x119: {  	[tilespmem:s10], [sflag:$0x3] =	stream.indirect.gather.add.f32 [hbm:s2], $0x80, s19, s7, $0xb8;
	[tilespmem:$0x1D000] =	vst v63  }
0x11a: {  	s21 =	sld [smem:$0x790]  }
0x11b: {  	[tilespmem:s10], [sflag:$0x3] =	stream.indirect.gather.add.f32 [hbm:s2], $0x80, s20, s7, $0xb8;
	[tilespmem:$0x1D000] =	vst v63  }
0x11c: {  	s22 =	sld [smem:$0x791]  }
0x11d: {  	[tilespmem:s10], [sflag:$0x3] =	stream.indirect.gather.add.f32 [hbm:s2], $0x80, s21, s7, $0xb8;
	[tilespmem:$0x1D000] =	vst v63  }
0x11e: {  	s23 =	sld [smem:$0x792]  }
0x11f: {  	[tilespmem:s10], [sflag:$0x3] =	stream.indirect.gather.add.f32 [hbm:s2], $0x80, s22, s7, $0xb8;
	[tilespmem:$0x1D000] =	vst v63  }
0x120: {  	s24 =	sld [smem:$0x793]  }
0x121: {  	[tilespmem:s10], [sflag:$0x3] =	stream.indirect.gather.add.f32 [hbm:s2], $0x80, s23, s7, $0xb8;
	[tilespmem:$0x1D000] =	vst v63  }
0x122: {  	s25 =	sld [smem:$0x794]  }
0x123: {  	[tilespmem:s10], [sflag:$0x3] =	stream.indirect.gather.add.f32 [hbm:s2], $0x80, s24, s7, $0xb8;
	[tilespmem:$0x1D000] =	vst v63  }
0x124: {  	s26 =	sld [smem:$0x795]  }
0x125: {  	[tilespmem:s10], [sflag:$0x3] =	stream.indirect.gather.add.f32 [hbm:s2], $0x80, s25, s7, $0xb8;
	[tilespmem:$0x1D000] =	vst v63  }
0x126: {  	s0 =	sld [smem:$0x796]  }
0x127: {  	[tilespmem:s10], [sflag:$0x3] =	stream.indirect.gather.add.f32 [hbm:s2], $0x80, s26, s7, $0xb8;
	[tilespmem:$0x1D000] =	vst v63  }
0x128: {  	s18 =	sld [smem:$0x797]  }
0x129: {  	[tilespmem:s10], [sflag:$0x3] =	stream.indirect.gather.add.f32 [hbm:s2], $0x80, s0, s7, $0xb8;
	[tilespmem:$0x1D000] =	vst v63  }
0x12a: {  	s19 =	sld [smem:$0x798]  }
0x12b: {  	[tilespmem:s10], [sflag:$0x3] =	stream.indirect.gather.add.f32 [hbm:s2], $0x80, s18, s7, $0xb8;
	[tilespmem:$0x1D000] =	vst v63  }
0x12c: {  	s20 =	sld [smem:$0x799]  }
0x12d: {  	[tilespmem:s10], [sflag:$0x3] =	stream.indirect.gather.add.f32 [hbm:s2], $0x80, s19, s7, $0xb8;
	[tilespmem:$0x1D000] =	vst v63  }
0x12e: {  	s21 =	sld [smem:$0x79A]  }
0x12f: {  	[tilespmem:s10], [sflag:$0x3] =	stream.indirect.gather.add.f32 [hbm:s2], $0x80, s20, s7, $0xb8;
	[tilespmem:$0x1D000] =	vst v63  }
0x130: {  	s22 =	sld [smem:$0x79B]  }
0x131: {  	[tilespmem:s10], [sflag:$0x3] =	stream.indirect.gather.add.f32 [hbm:s2], $0x80, s21, s7, $0xb8;
	[tilespmem:$0x1D000] =	vst v63  }
0x132: {  	s18 =	sld [smem:$0x79C]  }
0x133: {  	[tilespmem:s10], [sflag:$0x3] =	stream.indirect.gather.add.f32 [hbm:s2], $0x80, s22, s7, $0xb8;
	[tilespmem:$0x1D000] =	vst v63  }
0x134: {  	s16 =	simm.s32 $0x4  }
0x135: {  	[tilespmem:s10], [sflag:$0x3] =	stream.indirect.gather.add.f32 [hbm:s2], $0x80, s18, s7, $0xb8;
	[tilespmem:$0x1D000] =	vst v63  }
0x136: {  	_ =	swait.ge [sflag:s16], $0x4000  }
0x137: {  	s23 =	sld [smem:$0x79D]  }
0x138: {  	[sflag:s16] =	ssyncset.done $0x0  }
0x139: {  	s24 =	sld [smem:$0x79E];
	[sflag:s16] =	ssyncadd.s32 $0xFFFFC000  }
0x13a: {  	[tilespmem:s11], [sflag:$0x4] =	stream.indirect.gather.add.f32 [hbm:s2], $0x80, s23, s7, $0xb8;
	[tilespmem:$0x1D000] =	vst v63  }
0x13b: {  	s25 =	sld [smem:$0x79F]  }
0x13c: {  	[tilespmem:s11], [sflag:$0x4] =	stream.indirect.gather.add.f32 [hbm:s2], $0x80, s24, s7, $0xb8;
	[tilespmem:$0x1D000] =	vst v63  }
0x13d: {  	s26 =	sld [smem:$0x7A0]  }
0x13e: {  	[tilespmem:s11], [sflag:$0x4] =	stream.indirect.gather.add.f32 [hbm:s2], $0x80, s25, s7, $0xb8;
	[tilespmem:$0x1D000] =	vst v63  }
0x13f: {  	s0 =	sld [smem:$0x7A1]  }
0x140: {  	[tilespmem:s11], [sflag:$0x4] =	stream.indirect.gather.add.f32 [hbm:s2], $0x80, s26, s7, $0xb8;
	[tilespmem:$0x1D000] =	vst v63  }
0x141: {  	s19 =	sld [smem:$0x7A2]  }
0x142: {  	[tilespmem:s11], [sflag:$0x4] =	stream.indirect.gather.add.f32 [hbm:s2], $0x80, s0, s7, $0xb8;
	[tilespmem:$0x1D000] =	vst v63  }
0x143: {  	s20 =	sld [smem:$0x7A3]  }
0x144: {  	[tilespmem:s11], [sflag:$0x4] =	stream.indirect.gather.add.f32 [hbm:s2], $0x80, s19, s7, $0xb8;
	[tilespmem:$0x1D000] =	vst v63  }
0x145: {  	s21 =	sld [smem:$0x7A4]  }
0x146: {  	[tilespmem:s11], [sflag:$0x4] =	stream.indirect.gather.add.f32 [hbm:s2], $0x80, s20, s7, $0xb8;
	[tilespmem:$0x1D000] =	vst v63  }
0x147: {  	s22 =	sld [smem:$0x7A5]  }
0x148: {  	[tilespmem:s11], [sflag:$0x4] =	stream.indirect.gather.add.f32 [hbm:s2], $0x80, s21, s7, $0xb8;
	[tilespmem:$0x1D000] =	vst v63  }
0x149: {  	s23 =	sld [smem:$0x7A6]  }
0x14a: {  	[tilespmem:s11], [sflag:$0x4] =	stream.indirect.gather.add.f32 [hbm:s2], $0x80, s22, s7, $0xb8;
	[tilespmem:$0x1D000] =	vst v63  }
0x14b: {  	s24 =	sld [smem:$0x7A7]  }
0x14c: {  	[tilespmem:s11], [sflag:$0x4] =	stream.indirect.gather.add.f32 [hbm:s2], $0x80, s23, s7, $0xb8;
	[tilespmem:$0x1D000] =	vst v63  }
0x14d: {  	s25 =	sld [smem:$0x7A8]  }
0x14e: {  	[tilespmem:s11], [sflag:$0x4] =	stream.indirect.gather.add.f32 [hbm:s2], $0x80, s24, s7, $0xb8;
	[tilespmem:$0x1D000] =	vst v63  }
0x14f: {  	s26 =	sld [smem:$0x7A9]  }
0x150: {  	[tilespmem:s11], [sflag:$0x4] =	stream.indirect.gather.add.f32 [hbm:s2], $0x80, s25, s7, $0xb8;
	[tilespmem:$0x1D000] =	vst v63  }
0x151: {  	s0 =	sld [smem:$0x7AA]  }
0x152: {  	[tilespmem:s11], [sflag:$0x4] =	stream.indirect.gather.add.f32 [hbm:s2], $0x80, s26, s7, $0xb8;
	[tilespmem:$0x1D000] =	vst v63  }
0x153: {  	s19 =	sld [smem:$0x7AB]  }
0x154: {  	[tilespmem:s11], [sflag:$0x4] =	stream.indirect.gather.add.f32 [hbm:s2], $0x80, s0, s7, $0xb8;
	[tilespmem:$0x1D000] =	vst v63  }
0x155: {  	s20 =	sld [smem:$0x7AC]  }
0x156: {  	[tilespmem:s11], [sflag:$0x4] =	stream.indirect.gather.add.f32 [hbm:s2], $0x80, s19, s7, $0xb8;
	[tilespmem:$0x1D000] =	vst v63  }
0x157: {  	s21 =	sld [smem:$0x7AD]  }
0x158: {  	[tilespmem:s11], [sflag:$0x4] =	stream.indirect.gather.add.f32 [hbm:s2], $0x80, s20, s7, $0xb8;
	[tilespmem:$0x1D000] =	vst v63  }
0x159: {  	s22 =	sld [smem:$0x7AE]  }
0x15a: {  	[tilespmem:s11], [sflag:$0x4] =	stream.indirect.gather.add.f32 [hbm:s2], $0x80, s21, s7, $0xb8;
	[tilespmem:$0x1D000] =	vst v63  }
0x15b: {  	s23 =	sld [smem:$0x7AF]  }
0x15c: {  	[tilespmem:s11], [sflag:$0x4] =	stream.indirect.gather.add.f32 [hbm:s2], $0x80, s22, s7, $0xb8;
	[tilespmem:$0x1D000] =	vst v63  }
0x15d: {  	_ = 	snop  }
0x15e: {  	[tilespmem:s11], [sflag:$0x4] =	stream.indirect.gather.add.f32 [hbm:s2], $0x80, s23, s7, $0xb8;
	[tilespmem:$0x1D000] =	vst v63  }
0x15f: {  	s17 =	simm.s32 $0x2800;
	s24 =	rddreg [dreg:$0x7]  }
0x160: {  	[tilespmem:s17], [sflag:$0xF] =	stream.linear.gather [hbm4b:s24+s4], $0x2800, $0x38;
	[tilespmem:$0x1D000] =	vst v63  }
0x161: {  	_ =	swait.ge [sflag:s6], $0x2800  }
0x162: {  	[sflag:s6] =	ssyncset.done $0x0  }
0x163: {  	s18 =	simm.s32 $0x15000;
	s19 =	simm.s32 $0x5;
	[sflag:s6] =	ssyncadd.s32 $0xFFFFD800  }
0x164: {  	[tilespmem:s18], [sflag:$0x5] =	stream.indirect.gather [hbm4b:s3+s7], $0x80, s17, s7, $0xb8;
	[tilespmem:$0x1D000] =	vst v63  }
0x165: {  	_ =	swait.ge [sflag:s19], $0x4000  }
0x166: {  	[sflag:s19] =	ssyncset.done $0x0  }
0x167: {  	s20 =	sld [smem:$0x7B0];
	_ =	sdelay $0x1  }
0x168: {  	[sflag:s19] =	ssyncadd.s32 $0xFFFFC000;
	s21 =	sld [smem:$0x7B1]  }
0x169: {  	[tilespmem:s18], [sflag:$0x5] =	stream.indirect.gather.add.f32 [hbm:s3], $0x80, s20, s7, $0xb8;
	[tilespmem:$0x1D000] =	vst v63  }
0x16a: {  	s25 =	sld [smem:$0x7B2]  }
0x16b: {  	[tilespmem:s18], [sflag:$0x5] =	stream.indirect.gather.add.f32 [hbm:s3], $0x80, s21, s7, $0xb8;
	[tilespmem:$0x1D000] =	vst v63  }
0x16c: {  	s26 =	sld [smem:$0x7B3]  }
0x16d: {  	[tilespmem:s18], [sflag:$0x5] =	stream.indirect.gather.add.f32 [hbm:s3], $0x80, s25, s7, $0xb8;
	[tilespmem:$0x1D000] =	vst v63  }
0x16e: {  	s0 =	sld [smem:$0x7B4]  }
0x16f: {  	[tilespmem:s18], [sflag:$0x5] =	stream.indirect.gather.add.f32 [hbm:s3], $0x80, s26, s7, $0xb8;
	[tilespmem:$0x1D000] =	vst v63  }
0x170: {  	s22 =	sld [smem:$0x7B5]  }
0x171: {  	[tilespmem:s18], [sflag:$0x5] =	stream.indirect.gather.add.f32 [hbm:s3], $0x80, s0, s7, $0xb8;
	[tilespmem:$0x1D000] =	vst v63  }
0x172: {  	s23 =	sld [smem:$0x7B6]  }
0x173: {  	[tilespmem:s18], [sflag:$0x5] =	stream.indirect.gather.add.f32 [hbm:s3], $0x80, s22, s7, $0xb8;
	[tilespmem:$0x1D000] =	vst v63  }
0x174: {  	s24 =	sld [smem:$0x7B7]  }
0x175: {  	[tilespmem:s18], [sflag:$0x5] =	stream.indirect.gather.add.f32 [hbm:s3], $0x80, s23, s7, $0xb8;
	[tilespmem:$0x1D000] =	vst v63  }
0x176: {  	s25 =	sld [smem:$0x7B8]  }
0x177: {  	[tilespmem:s18], [sflag:$0x5] =	stream.indirect.gather.add.f32 [hbm:s3], $0x80, s24, s7, $0xb8;
	[tilespmem:$0x1D000] =	vst v63  }
0x178: {  	s26 =	sld [smem:$0x7B9]  }
0x179: {  	[tilespmem:s18], [sflag:$0x5] =	stream.indirect.gather.add.f32 [hbm:s3], $0x80, s25, s7, $0xb8;
	[tilespmem:$0x1D000] =	vst v63  }
0x17a: {  	s0 =	sld [smem:$0x7BA]  }
0x17b: {  	[tilespmem:s18], [sflag:$0x5] =	stream.indirect.gather.add.f32 [hbm:s3], $0x80, s26, s7, $0xb8;
	[tilespmem:$0x1D000] =	vst v63  }
0x17c: {  	s22 =	sld [smem:$0x7BB]  }
0x17d: {  	[tilespmem:s18], [sflag:$0x5] =	stream.indirect.gather.add.f32 [hbm:s3], $0x80, s0, s7, $0xb8;
	[tilespmem:$0x1D000] =	vst v63  }
0x17e: {  	s23 =	sld [smem:$0x7BC]  }
0x17f: {  	[tilespmem:s18], [sflag:$0x5] =	stream.indirect.gather.add.f32 [hbm:s3], $0x80, s22, s7, $0xb8;
	[tilespmem:$0x1D000] =	vst v63  }
0x180: {  	s24 =	sld [smem:$0x7BD]  }
0x181: {  	[tilespmem:s18], [sflag:$0x5] =	stream.indirect.gather.add.f32 [hbm:s3], $0x80, s23, s7, $0xb8;
	[tilespmem:$0x1D000] =	vst v63  }
0x182: {  	s25 =	sld [smem:$0x7BE]  }
0x183: {  	[tilespmem:s18], [sflag:$0x5] =	stream.indirect.gather.add.f32 [hbm:s3], $0x80, s24, s7, $0xb8;
	[tilespmem:$0x1D000] =	vst v63  }
0x184: {  	s26 =	sld [smem:$0x7BF]  }
0x185: {  	[tilespmem:s18], [sflag:$0x5] =	stream.indirect.gather.add.f32 [hbm:s3], $0x80, s25, s7, $0xb8;
	[tilespmem:$0x1D000] =	vst v63  }
0x186: {  	s0 =	sld [smem:$0x7C0]  }
0x187: {  	[tilespmem:s18], [sflag:$0x5] =	stream.indirect.gather.add.f32 [hbm:s3], $0x80, s26, s7, $0xb8;
	[tilespmem:$0x1D000] =	vst v63  }
0x188: {  	s22 =	sld [smem:$0x7C1]  }
0x189: {  	[tilespmem:s18], [sflag:$0x5] =	stream.indirect.gather.add.f32 [hbm:s3], $0x80, s0, s7, $0xb8;
	[tilespmem:$0x1D000] =	vst v63  }
0x18a: {  	s23 =	sld [smem:$0x7C2]  }
0x18b: {  	[tilespmem:s18], [sflag:$0x5] =	stream.indirect.gather.add.f32 [hbm:s3], $0x80, s22, s7, $0xb8;
	[tilespmem:$0x1D000] =	vst v63  }
0x18c: {  	s22 =	sld [smem:$0x7C3]  }
0x18d: {  	[tilespmem:s18], [sflag:$0x5] =	stream.indirect.gather.add.f32 [hbm:s3], $0x80, s23, s7, $0xb8;
	[tilespmem:$0x1D000] =	vst v63  }
0x18e: {  	s20 =	simm.s32 $0x19000;
	s21 =	simm.s32 $0x6  }
0x18f: {  	[tilespmem:s20], [sflag:$0x6] =	stream.indirect.gather [hbm4b:s3+s7], $0x80, s22, s7, $0xb8;
	[tilespmem:$0x1D000] =	vst v63  }
0x190: {  	_ =	swait.ge [sflag:s21], $0x4000  }
0x191: {  	s24 =	sld [smem:$0x7C4]  }
0x192: {  	[sflag:s21] =	ssyncset.done $0x0  }
0x193: {  	s23 =	sld [smem:$0x7C5];
	[sflag:s21] =	ssyncadd.s32 $0xFFFFC000  }
0x194: {  	[tilespmem:s20], [sflag:$0x6] =	stream.indirect.gather.add.f32 [hbm:s3], $0x80, s24, s7, $0xb8;
	[tilespmem:$0x1D000] =	vst v63  }
0x195: {  	s25 =	sld [smem:$0x7C6]  }
0x196: {  	[tilespmem:s20], [sflag:$0x6] =	stream.indirect.gather.add.f32 [hbm:s3], $0x80, s23, s7, $0xb8;
	[tilespmem:$0x1D000] =	vst v63  }
0x197: {  	s26 =	sld [smem:$0x7C7]  }
0x198: {  	[tilespmem:s20], [sflag:$0x6] =	stream.indirect.gather.add.f32 [hbm:s3], $0x80, s25, s7, $0xb8;
	[tilespmem:$0x1D000] =	vst v63  }
0x199: {  	s0 =	sld [smem:$0x7C8]  }
0x19a: {  	[tilespmem:s20], [sflag:$0x6] =	stream.indirect.gather.add.f32 [hbm:s3], $0x80, s26, s7, $0xb8;
	[tilespmem:$0x1D000] =	vst v63  }
0x19b: {  	s24 =	sld [smem:$0x7C9]  }
0x19c: {  	[tilespmem:s20], [sflag:$0x6] =	stream.indirect.gather.add.f32 [hbm:s3], $0x80, s0, s7, $0xb8;
	[tilespmem:$0x1D000] =	vst v63  }
0x19d: {  	s25 =	sld [smem:$0x7CA]  }
0x19e: {  	[tilespmem:s20], [sflag:$0x6] =	stream.indirect.gather.add.f32 [hbm:s3], $0x80, s24, s7, $0xb8;
	[tilespmem:$0x1D000] =	vst v63  }
0x19f: {  	s26 =	sld [smem:$0x7CB]  }
0x1a0: {  	[tilespmem:s20], [sflag:$0x6] =	stream.indirect.gather.add.f32 [hbm:s3], $0x80, s25, s7, $0xb8;
	[tilespmem:$0x1D000] =	vst v63  }
0x1a1: {  	s0 =	sld [smem:$0x7CC]  }
0x1a2: {  	[tilespmem:s20], [sflag:$0x6] =	stream.indirect.gather.add.f32 [hbm:s3], $0x80, s26, s7, $0xb8;
	[tilespmem:$0x1D000] =	vst v63  }
0x1a3: {  	s24 =	sld [smem:$0x7CD]  }
0x1a4: {  	[tilespmem:s20], [sflag:$0x6] =	stream.indirect.gather.add.f32 [hbm:s3], $0x80, s0, s7, $0xb8;
	[tilespmem:$0x1D000] =	vst v63  }
0x1a5: {  	s25 =	sld [smem:$0x7CE]  }
0x1a6: {  	[tilespmem:s20], [sflag:$0x6] =	stream.indirect.gather.add.f32 [hbm:s3], $0x80, s24, s7, $0xb8;
	[tilespmem:$0x1D000] =	vst v63  }
0x1a7: {  	s26 =	sld [smem:$0x7CF]  }
0x1a8: {  	[tilespmem:s20], [sflag:$0x6] =	stream.indirect.gather.add.f32 [hbm:s3], $0x80, s25, s7, $0xb8;
	[tilespmem:$0x1D000] =	vst v63  }
0x1a9: {  	s0 =	sld [smem:$0x7D0]  }
0x1aa: {  	[tilespmem:s20], [sflag:$0x6] =	stream.indirect.gather.add.f32 [hbm:s3], $0x80, s26, s7, $0xb8;
	[tilespmem:$0x1D000] =	vst v63  }
0x1ab: {  	s24 =	sld [smem:$0x7D1]  }
0x1ac: {  	[tilespmem:s20], [sflag:$0x6] =	stream.indirect.gather.add.f32 [hbm:s3], $0x80, s0, s7, $0xb8;
	[tilespmem:$0x1D000] =	vst v63  }
0x1ad: {  	s25 =	sld [smem:$0x7D2]  }
0x1ae: {  	[tilespmem:s20], [sflag:$0x6] =	stream.indirect.gather.add.f32 [hbm:s3], $0x80, s24, s7, $0xb8;
	[tilespmem:$0x1D000] =	vst v63  }
0x1af: {  	s26 =	sld [smem:$0x7D3]  }
0x1b0: {  	[tilespmem:s20], [sflag:$0x6] =	stream.indirect.gather.add.f32 [hbm:s3], $0x80, s25, s7, $0xb8;
	[tilespmem:$0x1D000] =	vst v63  }
0x1b1: {  	s0 =	sld [smem:$0x7D4]  }
0x1b2: {  	[tilespmem:s20], [sflag:$0x6] =	stream.indirect.gather.add.f32 [hbm:s3], $0x80, s26, s7, $0xb8;
	[tilespmem:$0x1D000] =	vst v63  }
0x1b3: {  	s24 =	sld [smem:$0x7D5]  }
0x1b4: {  	[tilespmem:s20], [sflag:$0x6] =	stream.indirect.gather.add.f32 [hbm:s3], $0x80, s0, s7, $0xb8;
	[tilespmem:$0x1D000] =	vst v63  }
0x1b5: {  	s25 =	sld [smem:$0x7D6]  }
0x1b6: {  	[tilespmem:s20], [sflag:$0x6] =	stream.indirect.gather.add.f32 [hbm:s3], $0x80, s24, s7, $0xb8;
	[tilespmem:$0x1D000] =	vst v63  }
0x1b7: {  	_ = 	snop  }
0x1b8: {  	[tilespmem:s20], [sflag:$0x6] =	stream.indirect.gather.add.f32 [hbm:s3], $0x80, s25, s7, $0xb8;
	[tilespmem:$0x1D000] =	vst v63  }
0x1b9: {  	_ =	swait.ge [sflag:s13], $0x4000  }
0x1ba: {  	[sflag:s13] =	ssyncset.done $0x0  }
0x1bb: {  	[sflag:s13] =	ssyncadd.s32 $0xFFFFC000  }
0x1bc: {  	_ =	swait.ge [sflag:s13], $0x4000  }
0x1bd: {  	[sflag:s13] =	ssyncset.done $0x0  }
0x1be: {  	[sflag:s13] =	ssyncadd.s32 $0xFFFFC000  }
0x1bf: {  	_ =	swait.ge [sflag:s13], $0x4000  }
0x1c0: {  	[sflag:s13] =	ssyncset.done $0x0  }
0x1c1: {  	[sflag:s13] =	ssyncadd.s32 $0xFFFFC000  }
0x1c2: {  	_ =	swait.ge [sflag:s13], $0x4000  }
0x1c3: {  	[sflag:s13] =	ssyncset.done $0x0  }
0x1c4: {  	[sflag:s13] =	ssyncadd.s32 $0xFFFFC000  }
0x1c5: {  	_ =	swait.ge [sflag:s13], $0x4000  }
0x1c6: {  	[sflag:s13] =	ssyncset.done $0x0  }
0x1c7: {  	[sflag:s13] =	ssyncadd.s32 $0xFFFFC000  }
0x1c8: {  	_ =	swait.ge [sflag:s13], $0x4000  }
0x1c9: {  	[sflag:s13] =	ssyncset.done $0x0  }
0x1ca: {  	[sflag:s13] =	ssyncadd.s32 $0xFFFFC000  }
0x1cb: {  	_ =	swait.ge [sflag:s13], $0x4000  }
0x1cc: {  	[sflag:s13] =	ssyncset.done $0x0  }
0x1cd: {  	[sflag:s13] =	ssyncadd.s32 $0xFFFFC000  }
0x1ce: {  	_ =	swait.ge [sflag:s13], $0x4000  }
0x1cf: {  	[sflag:s13] =	ssyncset.done $0x0  }
0x1d0: {  	[sflag:s13] =	ssyncadd.s32 $0xFFFFC000  }
0x1d1: {  	_ =	swait.ge [sflag:s13], $0x4000  }
0x1d2: {  	[sflag:s13] =	ssyncset.done $0x0  }
0x1d3: {  	[sflag:s13] =	ssyncadd.s32 $0xFFFFC000  }
0x1d4: {  	_ =	swait.ge [sflag:s13], $0x4000  }
0x1d5: {  	[sflag:s13] =	ssyncset.done $0x0  }
0x1d6: {  	[sflag:s13] =	ssyncadd.s32 $0xFFFFC000  }
0x1d7: {  	_ =	swait.ge [sflag:s13], $0x4000  }
0x1d8: {  	[sflag:s13] =	ssyncset.done $0x0  }
0x1d9: {  	[sflag:s13] =	ssyncadd.s32 $0xFFFFC000  }
0x1da: {  	_ =	swait.ge [sflag:s13], $0x4000  }
0x1db: {  	[sflag:s13] =	ssyncset.done $0x0  }
0x1dc: {  	[sflag:s13] =	ssyncadd.s32 $0xFFFFC000  }
0x1dd: {  	_ =	swait.ge [sflag:s13], $0x4000  }
0x1de: {  	[sflag:s13] =	ssyncset.done $0x0  }
0x1df: {  	[sflag:s13] =	ssyncadd.s32 $0xFFFFC000  }
0x1e0: {  	_ =	swait.ge [sflag:s13], $0x4000  }
0x1e1: {  	[sflag:s13] =	ssyncset.done $0x0  }
0x1e2: {  	[sflag:s13] =	ssyncadd.s32 $0xFFFFC000  }
0x1e3: {  	_ =	swait.ge [sflag:s13], $0x4000  }
0x1e4: {  	[sflag:s13] =	ssyncset.done $0x0  }
0x1e5: {  	[sflag:s13] =	ssyncadd.s32 $0xFFFFC000  }
0x1e6: {  	_ =	swait.ge [sflag:s13], $0x4000  }
0x1e7: {  	[sflag:s13] =	ssyncset.done $0x0  }
0x1e8: {  	[sflag:s13] =	ssyncadd.s32 $0xFFFFC000  }
0x1e9: {  	_ =	swait.ge [sflag:s13], $0x4000  }
0x1ea: {  	[sflag:s13] =	ssyncset.done $0x0  }
0x1eb: {  	[sflag:s13] =	ssyncadd.s32 $0xFFFFC000  }
0x1ec: {  	_ =	swait.ge [sflag:s13], $0x4000  }
0x1ed: {  	[sflag:s13] =	ssyncset.done $0x0  }
0x1ee: {  	[sflag:s13] =	ssyncadd.s32 $0xFFFFC000  }
0x1ef: {  	_ =	swait.ge [sflag:s13], $0x4000  }
0x1f0: {  	[sflag:s13] =	ssyncset.done $0x0  }
0x1f1: {  	s26 =	rddreg [dreg:$0x8];
	[sflag:s13] =	ssyncadd.s32 $0xFFFFC000  }
0x1f2: {  	[hbm4b:s26+s4] =	stream.linear.scatter [tilespmem:s8], [sflag:$0x7], $0x4000, $0x38;
	[tilespmem:$0x1D000] =	vst v63  }
0x1f3: {  	_ =	swait.ge [sflag:s14], $0x4000  }
0x1f4: {  	[sflag:s14] =	ssyncset.done $0x0  }
0x1f5: {  	[sflag:s14] =	ssyncadd.s32 $0xFFFFC000  }
0x1f6: {  	_ =	swait.ge [sflag:s14], $0x4000  }
0x1f7: {  	[sflag:s14] =	ssyncset.done $0x0  }
0x1f8: {  	[sflag:s14] =	ssyncadd.s32 $0xFFFFC000  }
0x1f9: {  	_ =	swait.ge [sflag:s14], $0x4000  }
0x1fa: {  	[sflag:s14] =	ssyncset.done $0x0  }
0x1fb: {  	[sflag:s14] =	ssyncadd.s32 $0xFFFFC000  }
0x1fc: {  	_ =	swait.ge [sflag:s14], $0x4000  }
0x1fd: {  	[sflag:s14] =	ssyncset.done $0x0  }
0x1fe: {  	[sflag:s14] =	ssyncadd.s32 $0xFFFFC000  }
0x1ff: {  	_ =	swait.ge [sflag:s14], $0x4000  }
0x200: {  	[sflag:s14] =	ssyncset.done $0x0  }
0x201: {  	[sflag:s14] =	ssyncadd.s32 $0xFFFFC000  }
0x202: {  	_ =	swait.ge [sflag:s14], $0x4000  }
0x203: {  	[sflag:s14] =	ssyncset.done $0x0  }
0x204: {  	[sflag:s14] =	ssyncadd.s32 $0xFFFFC000  }
0x205: {  	_ =	swait.ge [sflag:s14], $0x4000  }
0x206: {  	[sflag:s14] =	ssyncset.done $0x0  }
0x207: {  	[sflag:s14] =	ssyncadd.s32 $0xFFFFC000  }
0x208: {  	_ =	swait.ge [sflag:s14], $0x4000  }
0x209: {  	[sflag:s14] =	ssyncset.done $0x0  }
0x20a: {  	[sflag:s14] =	ssyncadd.s32 $0xFFFFC000  }
0x20b: {  	_ =	swait.ge [sflag:s14], $0x4000  }
0x20c: {  	[sflag:s14] =	ssyncset.done $0x0  }
0x20d: {  	[sflag:s14] =	ssyncadd.s32 $0xFFFFC000  }
0x20e: {  	_ =	swait.ge [sflag:s14], $0x4000  }
0x20f: {  	[sflag:s14] =	ssyncset.done $0x0  }
0x210: {  	[sflag:s14] =	ssyncadd.s32 $0xFFFFC000  }
0x211: {  	_ =	swait.ge [sflag:s14], $0x4000  }
0x212: {  	[sflag:s14] =	ssyncset.done $0x0  }
0x213: {  	[sflag:s14] =	ssyncadd.s32 $0xFFFFC000  }
0x214: {  	_ =	swait.ge [sflag:s14], $0x4000  }
0x215: {  	[sflag:s14] =	ssyncset.done $0x0  }
0x216: {  	[sflag:s14] =	ssyncadd.s32 $0xFFFFC000  }
0x217: {  	_ =	swait.ge [sflag:s14], $0x4000  }
0x218: {  	[sflag:s14] =	ssyncset.done $0x0  }
0x219: {  	[sflag:s14] =	ssyncadd.s32 $0xFFFFC000  }
0x21a: {  	_ =	swait.ge [sflag:s14], $0x4000  }
0x21b: {  	[sflag:s14] =	ssyncset.done $0x0  }
0x21c: {  	[sflag:s14] =	ssyncadd.s32 $0xFFFFC000  }
0x21d: {  	_ =	swait.ge [sflag:s14], $0x4000  }
0x21e: {  	[sflag:s14] =	ssyncset.done $0x0  }
0x21f: {  	[sflag:s14] =	ssyncadd.s32 $0xFFFFC000  }
0x220: {  	_ =	swait.ge [sflag:s14], $0x4000  }
0x221: {  	[sflag:s14] =	ssyncset.done $0x0  }
0x222: {  	[sflag:s14] =	ssyncadd.s32 $0xFFFFC000  }
0x223: {  	_ =	swait.ge [sflag:s14], $0x4000  }
0x224: {  	[sflag:s14] =	ssyncset.done $0x0  }
0x225: {  	[sflag:s14] =	ssyncadd.s32 $0xFFFFC000  }
0x226: {  	_ =	swait.ge [sflag:s14], $0x4000  }
0x227: {  	[sflag:s14] =	ssyncset.done $0x0  }
0x228: {  	[sflag:s14] =	ssyncadd.s32 $0xFFFFC000  }
0x229: {  	_ =	swait.ge [sflag:s14], $0x4000  }
0x22a: {  	[sflag:s14] =	ssyncset.done $0x0  }
0x22b: {  	s0 =	rddreg [dreg:$0x9];
	[sflag:s14] =	ssyncadd.s32 $0xFFFFC000  }
0x22c: {  	[hbm4b:s0+s4] =	stream.linear.scatter [tilespmem:s9], [sflag:$0x8], $0x4000, $0x38;
	[tilespmem:$0x1D000] =	vst v63  }
0x22d: {  	_ =	swait.ge [sflag:s15], $0x4000  }
0x22e: {  	[sflag:s15] =	ssyncset.done $0x0  }
0x22f: {  	[sflag:s15] =	ssyncadd.s32 $0xFFFFC000  }
0x230: {  	_ =	swait.ge [sflag:s15], $0x4000  }
0x231: {  	[sflag:s15] =	ssyncset.done $0x0  }
0x232: {  	[sflag:s15] =	ssyncadd.s32 $0xFFFFC000  }
0x233: {  	_ =	swait.ge [sflag:s15], $0x4000  }
0x234: {  	[sflag:s15] =	ssyncset.done $0x0  }
0x235: {  	[sflag:s15] =	ssyncadd.s32 $0xFFFFC000  }
0x236: {  	_ =	swait.ge [sflag:s15], $0x4000  }
0x237: {  	[sflag:s15] =	ssyncset.done $0x0  }
0x238: {  	[sflag:s15] =	ssyncadd.s32 $0xFFFFC000  }
0x239: {  	_ =	swait.ge [sflag:s15], $0x4000  }
0x23a: {  	[sflag:s15] =	ssyncset.done $0x0  }
0x23b: {  	[sflag:s15] =	ssyncadd.s32 $0xFFFFC000  }
0x23c: {  	_ =	swait.ge [sflag:s15], $0x4000  }
0x23d: {  	[sflag:s15] =	ssyncset.done $0x0  }
0x23e: {  	[sflag:s15] =	ssyncadd.s32 $0xFFFFC000  }
0x23f: {  	_ =	swait.ge [sflag:s15], $0x4000  }
0x240: {  	[sflag:s15] =	ssyncset.done $0x0  }
0x241: {  	[sflag:s15] =	ssyncadd.s32 $0xFFFFC000  }
0x242: {  	_ =	swait.ge [sflag:s15], $0x4000  }
0x243: {  	[sflag:s15] =	ssyncset.done $0x0  }
0x244: {  	[sflag:s15] =	ssyncadd.s32 $0xFFFFC000  }
0x245: {  	_ =	swait.ge [sflag:s15], $0x4000  }
0x246: {  	[sflag:s15] =	ssyncset.done $0x0  }
0x247: {  	[sflag:s15] =	ssyncadd.s32 $0xFFFFC000  }
0x248: {  	_ =	swait.ge [sflag:s15], $0x4000  }
0x249: {  	[sflag:s15] =	ssyncset.done $0x0  }
0x24a: {  	[sflag:s15] =	ssyncadd.s32 $0xFFFFC000  }
0x24b: {  	_ =	swait.ge [sflag:s15], $0x4000  }
0x24c: {  	[sflag:s15] =	ssyncset.done $0x0  }
0x24d: {  	[sflag:s15] =	ssyncadd.s32 $0xFFFFC000  }
0x24e: {  	_ =	swait.ge [sflag:s15], $0x4000  }
0x24f: {  	[sflag:s15] =	ssyncset.done $0x0  }
0x250: {  	[sflag:s15] =	ssyncadd.s32 $0xFFFFC000  }
0x251: {  	_ =	swait.ge [sflag:s15], $0x4000  }
0x252: {  	[sflag:s15] =	ssyncset.done $0x0  }
0x253: {  	[sflag:s15] =	ssyncadd.s32 $0xFFFFC000  }
0x254: {  	_ =	swait.ge [sflag:s15], $0x4000  }
0x255: {  	[sflag:s15] =	ssyncset.done $0x0  }
0x256: {  	[sflag:s15] =	ssyncadd.s32 $0xFFFFC000  }
0x257: {  	_ =	swait.ge [sflag:s15], $0x4000  }
0x258: {  	[sflag:s15] =	ssyncset.done $0x0  }
0x259: {  	[sflag:s15] =	ssyncadd.s32 $0xFFFFC000  }
0x25a: {  	_ =	swait.ge [sflag:s15], $0x4000  }
0x25b: {  	[sflag:s15] =	ssyncset.done $0x0  }
0x25c: {  	[sflag:s15] =	ssyncadd.s32 $0xFFFFC000  }
0x25d: {  	_ =	swait.ge [sflag:s15], $0x4000  }
0x25e: {  	[sflag:s15] =	ssyncset.done $0x0  }
0x25f: {  	[sflag:s15] =	ssyncadd.s32 $0xFFFFC000  }
0x260: {  	_ =	swait.ge [sflag:s15], $0x4000  }
0x261: {  	[sflag:s15] =	ssyncset.done $0x0  }
0x262: {  	[sflag:s15] =	ssyncadd.s32 $0xFFFFC000  }
0x263: {  	_ =	swait.ge [sflag:s15], $0x4000  }
0x264: {  	[sflag:s15] =	ssyncset.done $0x0  }
0x265: {  	s23 =	rddreg [dreg:$0xa];
	[sflag:s15] =	ssyncadd.s32 $0xFFFFC000  }
0x266: {  	[hbm4b:s23+s4] =	stream.linear.scatter [tilespmem:s10], [sflag:$0x9], $0x4000, $0x38;
	[tilespmem:$0x1D000] =	vst v63  }
0x267: {  	_ =	swait.ge [sflag:s16], $0x4000  }
0x268: {  	[sflag:s16] =	ssyncset.done $0x0  }
0x269: {  	[sflag:s16] =	ssyncadd.s32 $0xFFFFC000  }
0x26a: {  	_ =	swait.ge [sflag:s16], $0x4000  }
0x26b: {  	[sflag:s16] =	ssyncset.done $0x0  }
0x26c: {  	[sflag:s16] =	ssyncadd.s32 $0xFFFFC000  }
0x26d: {  	_ =	swait.ge [sflag:s16], $0x4000  }
0x26e: {  	[sflag:s16] =	ssyncset.done $0x0  }
0x26f: {  	[sflag:s16] =	ssyncadd.s32 $0xFFFFC000  }
0x270: {  	_ =	swait.ge [sflag:s16], $0x4000  }
0x271: {  	[sflag:s16] =	ssyncset.done $0x0  }
0x272: {  	[sflag:s16] =	ssyncadd.s32 $0xFFFFC000  }
0x273: {  	_ =	swait.ge [sflag:s16], $0x4000  }
0x274: {  	[sflag:s16] =	ssyncset.done $0x0  }
0x275: {  	[sflag:s16] =	ssyncadd.s32 $0xFFFFC000  }
0x276: {  	_ =	swait.ge [sflag:s16], $0x4000  }
0x277: {  	[sflag:s16] =	ssyncset.done $0x0  }
0x278: {  	[sflag:s16] =	ssyncadd.s32 $0xFFFFC000  }
0x279: {  	_ =	swait.ge [sflag:s16], $0x4000  }
0x27a: {  	[sflag:s16] =	ssyncset.done $0x0  }
0x27b: {  	[sflag:s16] =	ssyncadd.s32 $0xFFFFC000  }
0x27c: {  	_ =	swait.ge [sflag:s16], $0x4000  }
0x27d: {  	[sflag:s16] =	ssyncset.done $0x0  }
0x27e: {  	[sflag:s16] =	ssyncadd.s32 $0xFFFFC000  }
0x27f: {  	_ =	swait.ge [sflag:s16], $0x4000  }
0x280: {  	[sflag:s16] =	ssyncset.done $0x0  }
0x281: {  	[sflag:s16] =	ssyncadd.s32 $0xFFFFC000  }
0x282: {  	_ =	swait.ge [sflag:s16], $0x4000  }
0x283: {  	[sflag:s16] =	ssyncset.done $0x0  }
0x284: {  	[sflag:s16] =	ssyncadd.s32 $0xFFFFC000  }
0x285: {  	_ =	swait.ge [sflag:s16], $0x4000  }
0x286: {  	[sflag:s16] =	ssyncset.done $0x0  }
0x287: {  	[sflag:s16] =	ssyncadd.s32 $0xFFFFC000  }
0x288: {  	_ =	swait.ge [sflag:s16], $0x4000  }
0x289: {  	[sflag:s16] =	ssyncset.done $0x0  }
0x28a: {  	[sflag:s16] =	ssyncadd.s32 $0xFFFFC000  }
0x28b: {  	_ =	swait.ge [sflag:s16], $0x4000  }
0x28c: {  	[sflag:s16] =	ssyncset.done $0x0  }
0x28d: {  	[sflag:s16] =	ssyncadd.s32 $0xFFFFC000  }
0x28e: {  	_ =	swait.ge [sflag:s16], $0x4000  }
0x28f: {  	[sflag:s16] =	ssyncset.done $0x0  }
0x290: {  	[sflag:s16] =	ssyncadd.s32 $0xFFFFC000  }
0x291: {  	_ =	swait.ge [sflag:s16], $0x4000  }
0x292: {  	[sflag:s16] =	ssyncset.done $0x0  }
0x293: {  	[sflag:s16] =	ssyncadd.s32 $0xFFFFC000  }
0x294: {  	_ =	swait.ge [sflag:s16], $0x4000  }
0x295: {  	[sflag:s16] =	ssyncset.done $0x0  }
0x296: {  	[sflag:s16] =	ssyncadd.s32 $0xFFFFC000  }
0x297: {  	_ =	swait.ge [sflag:s16], $0x4000  }
0x298: {  	[sflag:s16] =	ssyncset.done $0x0  }
0x299: {  	[sflag:s16] =	ssyncadd.s32 $0xFFFFC000  }
0x29a: {  	_ =	swait.ge [sflag:s16], $0x4000  }
0x29b: {  	[sflag:s16] =	ssyncset.done $0x0  }
0x29c: {  	[sflag:s16] =	ssyncadd.s32 $0xFFFFC000  }
0x29d: {  	_ =	swait.ge [sflag:s16], $0x4000  }
0x29e: {  	[sflag:s16] =	ssyncset.done $0x0  }
0x29f: {  	s22 =	simm.s32 $0x7;
	s24 =	rddreg [dreg:$0xb];
	[sflag:s16] =	ssyncadd.s32 $0xFFFFC000  }
0x2a0: {  	[hbm4b:s24+s4] =	stream.linear.scatter [tilespmem:s11], [sflag:$0xA], $0x4000, $0x38;
	[tilespmem:$0x1D000] =	vst v63  }
0x2a1: {  	_ =	swait.ge [sflag:s22], $0x4000  }
0x2a2: {  	s25 =	sld [smem:$0x7D7]  }
0x2a3: {  	[sflag:s22] =	ssyncset.done $0x0  }
0x2a4: {  	[sflag:s22] =	ssyncadd.s32 $0xFFFFC000  }
0x2a5: {  	[tilespmem:s8], [sflag:$0x1] =	stream.indirect.gather [hbm4b:s3+s7], $0x80, s25, s7, $0xb8;
	[tilespmem:$0x1D000] =	vst v63  }
0x2a6: {  	_ =	swait.ge [sflag:s13], $0x4000  }
0x2a7: {  	s26 =	sld [smem:$0x7D8]  }
0x2a8: {  	[sflag:s13] =	ssyncset.done $0x0  }
0x2a9: {  	s24 =	sld [smem:$0x7D9];
	[sflag:s13] =	ssyncadd.s32 $0xFFFFC000  }
0x2aa: {  	[tilespmem:s8], [sflag:$0x1] =	stream.indirect.gather.add.f32 [hbm:s3], $0x80, s26, s7, $0xb8;
	[tilespmem:$0x1D000] =	vst v63  }
0x2ab: {  	s0 =	sld [smem:$0x7DA]  }
0x2ac: {  	[tilespmem:s8], [sflag:$0x1] =	stream.indirect.gather.add.f32 [hbm:s3], $0x80, s24, s7, $0xb8;
	[tilespmem:$0x1D000] =	vst v63  }
0x2ad: {  	s25 =	sld [smem:$0x7DB]  }
0x2ae: {  	[tilespmem:s8], [sflag:$0x1] =	stream.indirect.gather.add.f32 [hbm:s3], $0x80, s0, s7, $0xb8;
	[tilespmem:$0x1D000] =	vst v63  }
0x2af: {  	s26 =	sld [smem:$0x7DC]  }
0x2b0: {  	[tilespmem:s8], [sflag:$0x1] =	stream.indirect.gather.add.f32 [hbm:s3], $0x80, s25, s7, $0xb8;
	[tilespmem:$0x1D000] =	vst v63  }
0x2b1: {  	s0 =	sld [smem:$0x7DD]  }
0x2b2: {  	[tilespmem:s8], [sflag:$0x1] =	stream.indirect.gather.add.f32 [hbm:s3], $0x80, s26, s7, $0xb8;
	[tilespmem:$0x1D000] =	vst v63  }
0x2b3: {  	s25 =	sld [smem:$0x7DE]  }
0x2b4: {  	[tilespmem:s8], [sflag:$0x1] =	stream.indirect.gather.add.f32 [hbm:s3], $0x80, s0, s7, $0xb8;
	[tilespmem:$0x1D000] =	vst v63  }
0x2b5: {  	s26 =	sld [smem:$0x7DF]  }
0x2b6: {  	[tilespmem:s8], [sflag:$0x1] =	stream.indirect.gather.add.f32 [hbm:s3], $0x80, s25, s7, $0xb8;
	[tilespmem:$0x1D000] =	vst v63  }
0x2b7: {  	s0 =	sld [smem:$0x7E0]  }
0x2b8: {  	[tilespmem:s8], [sflag:$0x1] =	stream.indirect.gather.add.f32 [hbm:s3], $0x80, s26, s7, $0xb8;
	[tilespmem:$0x1D000] =	vst v63  }
0x2b9: {  	s25 =	sld [smem:$0x7E1]  }
0x2ba: {  	[tilespmem:s8], [sflag:$0x1] =	stream.indirect.gather.add.f32 [hbm:s3], $0x80, s0, s7, $0xb8;
	[tilespmem:$0x1D000] =	vst v63  }
0x2bb: {  	s26 =	sld [smem:$0x7E2]  }
0x2bc: {  	[tilespmem:s8], [sflag:$0x1] =	stream.indirect.gather.add.f32 [hbm:s3], $0x80, s25, s7, $0xb8;
	[tilespmem:$0x1D000] =	vst v63  }
0x2bd: {  	s0 =	sld [smem:$0x7E3]  }
0x2be: {  	[tilespmem:s8], [sflag:$0x1] =	stream.indirect.gather.add.f32 [hbm:s3], $0x80, s26, s7, $0xb8;
	[tilespmem:$0x1D000] =	vst v63  }
0x2bf: {  	s25 =	sld [smem:$0x7E4]  }
0x2c0: {  	[tilespmem:s8], [sflag:$0x1] =	stream.indirect.gather.add.f32 [hbm:s3], $0x80, s0, s7, $0xb8;
	[tilespmem:$0x1D000] =	vst v63  }
0x2c1: {  	s26 =	sld [smem:$0x7E5]  }
0x2c2: {  	[tilespmem:s8], [sflag:$0x1] =	stream.indirect.gather.add.f32 [hbm:s3], $0x80, s25, s7, $0xb8;
	[tilespmem:$0x1D000] =	vst v63  }
0x2c3: {  	s0 =	sld [smem:$0x7E6]  }
0x2c4: {  	[tilespmem:s8], [sflag:$0x1] =	stream.indirect.gather.add.f32 [hbm:s3], $0x80, s26, s7, $0xb8;
	[tilespmem:$0x1D000] =	vst v63  }
0x2c5: {  	s25 =	sld [smem:$0x7E7]  }
0x2c6: {  	[tilespmem:s8], [sflag:$0x1] =	stream.indirect.gather.add.f32 [hbm:s3], $0x80, s0, s7, $0xb8;
	[tilespmem:$0x1D000] =	vst v63  }
0x2c7: {  	s26 =	sld [smem:$0x7E8]  }
0x2c8: {  	[tilespmem:s8], [sflag:$0x1] =	stream.indirect.gather.add.f32 [hbm:s3], $0x80, s25, s7, $0xb8;
	[tilespmem:$0x1D000] =	vst v63  }
0x2c9: {  	s0 =	sld [smem:$0x7E9]  }
0x2ca: {  	[tilespmem:s8], [sflag:$0x1] =	stream.indirect.gather.add.f32 [hbm:s3], $0x80, s26, s7, $0xb8;
	[tilespmem:$0x1D000] =	vst v63  }
0x2cb: {  	s25 =	sld [smem:$0x7EA]  }
0x2cc: {  	[tilespmem:s8], [sflag:$0x1] =	stream.indirect.gather.add.f32 [hbm:s3], $0x80, s0, s7, $0xb8;
	[tilespmem:$0x1D000] =	vst v63  }
0x2cd: {  	s23 =	simm.s32 $0x8  }
0x2ce: {  	[tilespmem:s8], [sflag:$0x1] =	stream.indirect.gather.add.f32 [hbm:s3], $0x80, s25, s7, $0xb8;
	[tilespmem:$0x1D000] =	vst v63  }
0x2cf: {  	_ =	swait.ge [sflag:s23], $0x4000  }
0x2d0: {  	s25 =	sld [smem:$0x7EB]  }
0x2d1: {  	[sflag:s23] =	ssyncset.done $0x0  }
0x2d2: {  	[sflag:s23] =	ssyncadd.s32 $0xFFFFC000  }
0x2d3: {  	[tilespmem:s9], [sflag:$0x2] =	stream.indirect.gather [hbm4b:s3+s7], $0x80, s25, s7, $0xb8;
	[tilespmem:$0x1D000] =	vst v63  }
0x2d4: {  	_ =	swait.ge [sflag:s14], $0x4000  }
0x2d5: {  	s26 =	sld [smem:$0x7EC]  }
0x2d6: {  	[sflag:s14] =	ssyncset.done $0x0  }
0x2d7: {  	s0 =	sld [smem:$0x7ED];
	[sflag:s14] =	ssyncadd.s32 $0xFFFFC000  }
0x2d8: {  	[tilespmem:s9], [sflag:$0x2] =	stream.indirect.gather.add.f32 [hbm:s3], $0x80, s26, s7, $0xb8;
	[tilespmem:$0x1D000] =	vst v63  }
0x2d9: {  	s26 =	sld [smem:$0x7EE]  }
0x2da: {  	[tilespmem:s9], [sflag:$0x2] =	stream.indirect.gather.add.f32 [hbm:s3], $0x80, s0, s7, $0xb8;
	[tilespmem:$0x1D000] =	vst v63  }
0x2db: {  	s0 =	sld [smem:$0x7EF]  }
0x2dc: {  	[tilespmem:s9], [sflag:$0x2] =	stream.indirect.gather.add.f32 [hbm:s3], $0x80, s26, s7, $0xb8;
	[tilespmem:$0x1D000] =	vst v63  }
0x2dd: {  	s26 =	sld [smem:$0x7F0]  }
0x2de: {  	[tilespmem:s9], [sflag:$0x2] =	stream.indirect.gather.add.f32 [hbm:s3], $0x80, s0, s7, $0xb8;
	[tilespmem:$0x1D000] =	vst v63  }
0x2df: {  	s0 =	sld [smem:$0x7F1]  }
0x2e0: {  	[tilespmem:s9], [sflag:$0x2] =	stream.indirect.gather.add.f32 [hbm:s3], $0x80, s26, s7, $0xb8;
	[tilespmem:$0x1D000] =	vst v63  }
0x2e1: {  	s26 =	sld [smem:$0x7F2]  }
0x2e2: {  	[tilespmem:s9], [sflag:$0x2] =	stream.indirect.gather.add.f32 [hbm:s3], $0x80, s0, s7, $0xb8;
	[tilespmem:$0x1D000] =	vst v63  }
0x2e3: {  	s0 =	sld [smem:$0x7F3]  }
0x2e4: {  	[tilespmem:s9], [sflag:$0x2] =	stream.indirect.gather.add.f32 [hbm:s3], $0x80, s26, s7, $0xb8;
	[tilespmem:$0x1D000] =	vst v63  }
0x2e5: {  	s26 =	sld [smem:$0x7F4]  }
0x2e6: {  	[tilespmem:s9], [sflag:$0x2] =	stream.indirect.gather.add.f32 [hbm:s3], $0x80, s0, s7, $0xb8;
	[tilespmem:$0x1D000] =	vst v63  }
0x2e7: {  	s0 =	sld [smem:$0x7F5]  }
0x2e8: {  	[tilespmem:s9], [sflag:$0x2] =	stream.indirect.gather.add.f32 [hbm:s3], $0x80, s26, s7, $0xb8;
	[tilespmem:$0x1D000] =	vst v63  }
0x2e9: {  	s26 =	sld [smem:$0x7F6]  }
0x2ea: {  	[tilespmem:s9], [sflag:$0x2] =	stream.indirect.gather.add.f32 [hbm:s3], $0x80, s0, s7, $0xb8;
	[tilespmem:$0x1D000] =	vst v63  }
0x2eb: {  	s0 =	sld [smem:$0x7F7]  }
0x2ec: {  	[tilespmem:s9], [sflag:$0x2] =	stream.indirect.gather.add.f32 [hbm:s3], $0x80, s26, s7, $0xb8;
	[tilespmem:$0x1D000] =	vst v63  }
0x2ed: {  	s26 =	sld [smem:$0x7F8]  }
0x2ee: {  	[tilespmem:s9], [sflag:$0x2] =	stream.indirect.gather.add.f32 [hbm:s3], $0x80, s0, s7, $0xb8;
	[tilespmem:$0x1D000] =	vst v63  }
0x2ef: {  	s0 =	sld [smem:$0x7F9]  }
0x2f0: {  	[tilespmem:s9], [sflag:$0x2] =	stream.indirect.gather.add.f32 [hbm:s3], $0x80, s26, s7, $0xb8;
	[tilespmem:$0x1D000] =	vst v63  }
0x2f1: {  	s26 =	sld [smem:$0x7FA]  }
0x2f2: {  	[tilespmem:s9], [sflag:$0x2] =	stream.indirect.gather.add.f32 [hbm:s3], $0x80, s0, s7, $0xb8;
	[tilespmem:$0x1D000] =	vst v63  }
0x2f3: {  	s0 =	sld [smem:$0x7FB]  }
0x2f4: {  	[tilespmem:s9], [sflag:$0x2] =	stream.indirect.gather.add.f32 [hbm:s3], $0x80, s26, s7, $0xb8;
	[tilespmem:$0x1D000] =	vst v63  }
0x2f5: {  	s26 =	sld [smem:$0x7FC]  }
0x2f6: {  	[tilespmem:s9], [sflag:$0x2] =	stream.indirect.gather.add.f32 [hbm:s3], $0x80, s0, s7, $0xb8;
	[tilespmem:$0x1D000] =	vst v63  }
0x2f7: {  	s0 =	sld [smem:$0x7FD]  }
0x2f8: {  	[tilespmem:s9], [sflag:$0x2] =	stream.indirect.gather.add.f32 [hbm:s3], $0x80, s26, s7, $0xb8;
	[tilespmem:$0x1D000] =	vst v63  }
0x2f9: {  	_ = 	snop  }
0x2fa: {  	[tilespmem:s9], [sflag:$0x2] =	stream.indirect.gather.add.f32 [hbm:s3], $0x80, s0, s7, $0xb8;
	[tilespmem:$0x1D000] =	vst v63  }
0x2fb: {  	s25 =	simm.s32 $0x4F80  }
0x2fc: {  	[tilespmem:s9], [sflag:$0x2] =	stream.indirect.gather.add.f32 [hbm:s3], $0x80, s25, s7, $0xb8;
	[tilespmem:$0x1D000] =	vst v63  }
0x2fd: {  	_ =	swait.ge [sflag:s19], $0x4000  }
0x2fe: {  	[sflag:s19] =	ssyncset.done $0x0  }
0x2ff: {  	[sflag:s19] =	ssyncadd.s32 $0xFFFFC000  }
0x300: {  	_ =	swait.ge [sflag:s19], $0x4000  }
0x301: {  	[sflag:s19] =	ssyncset.done $0x0  }
0x302: {  	[sflag:s19] =	ssyncadd.s32 $0xFFFFC000  }
0x303: {  	_ =	swait.ge [sflag:s19], $0x4000  }
0x304: {  	[sflag:s19] =	ssyncset.done $0x0  }
0x305: {  	[sflag:s19] =	ssyncadd.s32 $0xFFFFC000  }
0x306: {  	_ =	swait.ge [sflag:s19], $0x4000  }
0x307: {  	[sflag:s19] =	ssyncset.done $0x0  }
0x308: {  	[sflag:s19] =	ssyncadd.s32 $0xFFFFC000  }
0x309: {  	_ =	swait.ge [sflag:s19], $0x4000  }
0x30a: {  	[sflag:s19] =	ssyncset.done $0x0  }
0x30b: {  	[sflag:s19] =	ssyncadd.s32 $0xFFFFC000  }
0x30c: {  	_ =	swait.ge [sflag:s19], $0x4000  }
0x30d: {  	[sflag:s19] =	ssyncset.done $0x0  }
0x30e: {  	[sflag:s19] =	ssyncadd.s32 $0xFFFFC000  }
0x30f: {  	_ =	swait.ge [sflag:s19], $0x4000  }
0x310: {  	[sflag:s19] =	ssyncset.done $0x0  }
0x311: {  	[sflag:s19] =	ssyncadd.s32 $0xFFFFC000  }
0x312: {  	_ =	swait.ge [sflag:s19], $0x4000  }
0x313: {  	[sflag:s19] =	ssyncset.done $0x0  }
0x314: {  	[sflag:s19] =	ssyncadd.s32 $0xFFFFC000  }
0x315: {  	_ =	swait.ge [sflag:s19], $0x4000  }
0x316: {  	[sflag:s19] =	ssyncset.done $0x0  }
0x317: {  	[sflag:s19] =	ssyncadd.s32 $0xFFFFC000  }
0x318: {  	_ =	swait.ge [sflag:s19], $0x4000  }
0x319: {  	[sflag:s19] =	ssyncset.done $0x0  }
0x31a: {  	[sflag:s19] =	ssyncadd.s32 $0xFFFFC000  }
0x31b: {  	_ =	swait.ge [sflag:s19], $0x4000  }
0x31c: {  	[sflag:s19] =	ssyncset.done $0x0  }
0x31d: {  	[sflag:s19] =	ssyncadd.s32 $0xFFFFC000  }
0x31e: {  	_ =	swait.ge [sflag:s19], $0x4000  }
0x31f: {  	[sflag:s19] =	ssyncset.done $0x0  }
0x320: {  	[sflag:s19] =	ssyncadd.s32 $0xFFFFC000  }
0x321: {  	_ =	swait.ge [sflag:s19], $0x4000  }
0x322: {  	[sflag:s19] =	ssyncset.done $0x0  }
0x323: {  	[sflag:s19] =	ssyncadd.s32 $0xFFFFC000  }
0x324: {  	_ =	swait.ge [sflag:s19], $0x4000  }
0x325: {  	[sflag:s19] =	ssyncset.done $0x0  }
0x326: {  	[sflag:s19] =	ssyncadd.s32 $0xFFFFC000  }
0x327: {  	_ =	swait.ge [sflag:s19], $0x4000  }
0x328: {  	[sflag:s19] =	ssyncset.done $0x0  }
0x329: {  	[sflag:s19] =	ssyncadd.s32 $0xFFFFC000  }
0x32a: {  	_ =	swait.ge [sflag:s19], $0x4000  }
0x32b: {  	[sflag:s19] =	ssyncset.done $0x0  }
0x32c: {  	[sflag:s19] =	ssyncadd.s32 $0xFFFFC000  }
0x32d: {  	_ =	swait.ge [sflag:s19], $0x4000  }
0x32e: {  	[sflag:s19] =	ssyncset.done $0x0  }
0x32f: {  	[sflag:s19] =	ssyncadd.s32 $0xFFFFC000  }
0x330: {  	_ =	swait.ge [sflag:s19], $0x4000  }
0x331: {  	[sflag:s19] =	ssyncset.done $0x0  }
0x332: {  	[sflag:s19] =	ssyncadd.s32 $0xFFFFC000  }
0x333: {  	_ =	swait.ge [sflag:s19], $0x4000  }
0x334: {  	[sflag:s19] =	ssyncset.done $0x0  }
0x335: {  	s26 =	rddreg [dreg:$0xc];
	[sflag:s19] =	ssyncadd.s32 $0xFFFFC000  }
0x336: {  	[hbm4b:s26+s4] =	stream.linear.scatter [tilespmem:s18], [sflag:$0xB], $0x4000, $0x38;
	[tilespmem:$0x1D000] =	vst v63  }
0x337: {  	_ =	swait.ge [sflag:s21], $0x4000  }
0x338: {  	[sflag:s21] =	ssyncset.done $0x0  }
0x339: {  	[sflag:s21] =	ssyncadd.s32 $0xFFFFC000  }
0x33a: {  	_ =	swait.ge [sflag:s21], $0x4000  }
0x33b: {  	[sflag:s21] =	ssyncset.done $0x0  }
0x33c: {  	[sflag:s21] =	ssyncadd.s32 $0xFFFFC000  }
0x33d: {  	_ =	swait.ge [sflag:s21], $0x4000  }
0x33e: {  	[sflag:s21] =	ssyncset.done $0x0  }
0x33f: {  	[sflag:s21] =	ssyncadd.s32 $0xFFFFC000  }
0x340: {  	_ =	swait.ge [sflag:s21], $0x4000  }
0x341: {  	[sflag:s21] =	ssyncset.done $0x0  }
0x342: {  	[sflag:s21] =	ssyncadd.s32 $0xFFFFC000  }
0x343: {  	_ =	swait.ge [sflag:s21], $0x4000  }
0x344: {  	[sflag:s21] =	ssyncset.done $0x0  }
0x345: {  	[sflag:s21] =	ssyncadd.s32 $0xFFFFC000  }
0x346: {  	_ =	swait.ge [sflag:s21], $0x4000  }
0x347: {  	[sflag:s21] =	ssyncset.done $0x0  }
0x348: {  	[sflag:s21] =	ssyncadd.s32 $0xFFFFC000  }
0x349: {  	_ =	swait.ge [sflag:s21], $0x4000  }
0x34a: {  	[sflag:s21] =	ssyncset.done $0x0  }
0x34b: {  	[sflag:s21] =	ssyncadd.s32 $0xFFFFC000  }
0x34c: {  	_ =	swait.ge [sflag:s21], $0x4000  }
0x34d: {  	[sflag:s21] =	ssyncset.done $0x0  }
0x34e: {  	[sflag:s21] =	ssyncadd.s32 $0xFFFFC000  }
0x34f: {  	_ =	swait.ge [sflag:s21], $0x4000  }
0x350: {  	[sflag:s21] =	ssyncset.done $0x0  }
0x351: {  	[sflag:s21] =	ssyncadd.s32 $0xFFFFC000  }
0x352: {  	_ =	swait.ge [sflag:s21], $0x4000  }
0x353: {  	[sflag:s21] =	ssyncset.done $0x0  }
0x354: {  	[sflag:s21] =	ssyncadd.s32 $0xFFFFC000  }
0x355: {  	_ =	swait.ge [sflag:s21], $0x4000  }
0x356: {  	[sflag:s21] =	ssyncset.done $0x0  }
0x357: {  	[sflag:s21] =	ssyncadd.s32 $0xFFFFC000  }
0x358: {  	_ =	swait.ge [sflag:s21], $0x4000  }
0x359: {  	[sflag:s21] =	ssyncset.done $0x0  }
0x35a: {  	[sflag:s21] =	ssyncadd.s32 $0xFFFFC000  }
0x35b: {  	_ =	swait.ge [sflag:s21], $0x4000  }
0x35c: {  	[sflag:s21] =	ssyncset.done $0x0  }
0x35d: {  	[sflag:s21] =	ssyncadd.s32 $0xFFFFC000  }
0x35e: {  	_ =	swait.ge [sflag:s21], $0x4000  }
0x35f: {  	[sflag:s21] =	ssyncset.done $0x0  }
0x360: {  	[sflag:s21] =	ssyncadd.s32 $0xFFFFC000  }
0x361: {  	_ =	swait.ge [sflag:s21], $0x4000  }
0x362: {  	[sflag:s21] =	ssyncset.done $0x0  }
0x363: {  	[sflag:s21] =	ssyncadd.s32 $0xFFFFC000  }
0x364: {  	_ =	swait.ge [sflag:s21], $0x4000  }
0x365: {  	[sflag:s21] =	ssyncset.done $0x0  }
0x366: {  	[sflag:s21] =	ssyncadd.s32 $0xFFFFC000  }
0x367: {  	_ =	swait.ge [sflag:s21], $0x4000  }
0x368: {  	[sflag:s21] =	ssyncset.done $0x0  }
0x369: {  	[sflag:s21] =	ssyncadd.s32 $0xFFFFC000  }
0x36a: {  	_ =	swait.ge [sflag:s21], $0x4000  }
0x36b: {  	[sflag:s21] =	ssyncset.done $0x0  }
0x36c: {  	[sflag:s21] =	ssyncadd.s32 $0xFFFFC000  }
0x36d: {  	_ =	swait.ge [sflag:s21], $0x4000  }
0x36e: {  	[sflag:s21] =	ssyncset.done $0x0  }
0x36f: {  	s0 =	rddreg [dreg:$0xd];
	[sflag:s21] =	ssyncadd.s32 $0xFFFFC000  }
0x370: {  	[hbm4b:s0+s4] =	stream.linear.scatter [tilespmem:s20], [sflag:$0xC], $0x4000, $0x38;
	[tilespmem:$0x1D000] =	vst v63  }
0x371: {  	_ =	swait.ge [sflag:s13], $0x4000  }
0x372: {  	[sflag:s13] =	ssyncset.done $0x0  }
0x373: {  	[sflag:s13] =	ssyncadd.s32 $0xFFFFC000  }
0x374: {  	_ =	swait.ge [sflag:s13], $0x4000  }
0x375: {  	[sflag:s13] =	ssyncset.done $0x0  }
0x376: {  	[sflag:s13] =	ssyncadd.s32 $0xFFFFC000  }
0x377: {  	_ =	swait.ge [sflag:s13], $0x4000  }
0x378: {  	[sflag:s13] =	ssyncset.done $0x0  }
0x379: {  	[sflag:s13] =	ssyncadd.s32 $0xFFFFC000  }
0x37a: {  	_ =	swait.ge [sflag:s13], $0x4000  }
0x37b: {  	[sflag:s13] =	ssyncset.done $0x0  }
0x37c: {  	[sflag:s13] =	ssyncadd.s32 $0xFFFFC000  }
0x37d: {  	_ =	swait.ge [sflag:s13], $0x4000  }
0x37e: {  	[sflag:s13] =	ssyncset.done $0x0  }
0x37f: {  	[sflag:s13] =	ssyncadd.s32 $0xFFFFC000  }
0x380: {  	_ =	swait.ge [sflag:s13], $0x4000  }
0x381: {  	[sflag:s13] =	ssyncset.done $0x0  }
0x382: {  	[sflag:s13] =	ssyncadd.s32 $0xFFFFC000  }
0x383: {  	_ =	swait.ge [sflag:s13], $0x4000  }
0x384: {  	[sflag:s13] =	ssyncset.done $0x0  }
0x385: {  	[sflag:s13] =	ssyncadd.s32 $0xFFFFC000  }
0x386: {  	_ =	swait.ge [sflag:s13], $0x4000  }
0x387: {  	[sflag:s13] =	ssyncset.done $0x0  }
0x388: {  	[sflag:s13] =	ssyncadd.s32 $0xFFFFC000  }
0x389: {  	_ =	swait.ge [sflag:s13], $0x4000  }
0x38a: {  	[sflag:s13] =	ssyncset.done $0x0  }
0x38b: {  	[sflag:s13] =	ssyncadd.s32 $0xFFFFC000  }
0x38c: {  	_ =	swait.ge [sflag:s13], $0x4000  }
0x38d: {  	[sflag:s13] =	ssyncset.done $0x0  }
0x38e: {  	[sflag:s13] =	ssyncadd.s32 $0xFFFFC000  }
0x38f: {  	_ =	swait.ge [sflag:s13], $0x4000  }
0x390: {  	[sflag:s13] =	ssyncset.done $0x0  }
0x391: {  	[sflag:s13] =	ssyncadd.s32 $0xFFFFC000  }
0x392: {  	_ =	swait.ge [sflag:s13], $0x4000  }
0x393: {  	[sflag:s13] =	ssyncset.done $0x0  }
0x394: {  	[sflag:s13] =	ssyncadd.s32 $0xFFFFC000  }
0x395: {  	_ =	swait.ge [sflag:s13], $0x4000  }
0x396: {  	[sflag:s13] =	ssyncset.done $0x0  }
0x397: {  	[sflag:s13] =	ssyncadd.s32 $0xFFFFC000  }
0x398: {  	_ =	swait.ge [sflag:s13], $0x4000  }
0x399: {  	[sflag:s13] =	ssyncset.done $0x0  }
0x39a: {  	[sflag:s13] =	ssyncadd.s32 $0xFFFFC000  }
0x39b: {  	_ =	swait.ge [sflag:s13], $0x4000  }
0x39c: {  	[sflag:s13] =	ssyncset.done $0x0  }
0x39d: {  	[sflag:s13] =	ssyncadd.s32 $0xFFFFC000  }
0x39e: {  	_ =	swait.ge [sflag:s13], $0x4000  }
0x39f: {  	[sflag:s13] =	ssyncset.done $0x0  }
0x3a0: {  	[sflag:s13] =	ssyncadd.s32 $0xFFFFC000  }
0x3a1: {  	_ =	swait.ge [sflag:s13], $0x4000  }
0x3a2: {  	[sflag:s13] =	ssyncset.done $0x0  }
0x3a3: {  	[sflag:s13] =	ssyncadd.s32 $0xFFFFC000  }
0x3a4: {  	_ =	swait.ge [sflag:s13], $0x4000  }
0x3a5: {  	[sflag:s13] =	ssyncset.done $0x0  }
0x3a6: {  	[sflag:s13] =	ssyncadd.s32 $0xFFFFC000  }
0x3a7: {  	_ =	swait.ge [sflag:s13], $0x4000  }
0x3a8: {  	[sflag:s13] =	ssyncset.done $0x0  }
0x3a9: {  	s24 =	rddreg [dreg:$0xe];
	[sflag:s13] =	ssyncadd.s32 $0xFFFFC000  }
0x3aa: {  	[hbm4b:s24+s4] =	stream.linear.scatter [tilespmem:s8], [sflag:$0xD], $0x4000, $0x38;
	[tilespmem:$0x1D000] =	vst v63  }
0x3ab: {  	_ =	swait.ge [sflag:s14], $0x4000  }
0x3ac: {  	[sflag:s14] =	ssyncset.done $0x0  }
0x3ad: {  	[sflag:s14] =	ssyncadd.s32 $0xFFFFC000  }
0x3ae: {  	_ =	swait.ge [sflag:s14], $0x4000  }
0x3af: {  	[sflag:s14] =	ssyncset.done $0x0  }
0x3b0: {  	[sflag:s14] =	ssyncadd.s32 $0xFFFFC000  }
0x3b1: {  	_ =	swait.ge [sflag:s14], $0x4000  }
0x3b2: {  	[sflag:s14] =	ssyncset.done $0x0  }
0x3b3: {  	[sflag:s14] =	ssyncadd.s32 $0xFFFFC000  }
0x3b4: {  	_ =	swait.ge [sflag:s14], $0x4000  }
0x3b5: {  	[sflag:s14] =	ssyncset.done $0x0  }
0x3b6: {  	[sflag:s14] =	ssyncadd.s32 $0xFFFFC000  }
0x3b7: {  	_ =	swait.ge [sflag:s14], $0x4000  }
0x3b8: {  	[sflag:s14] =	ssyncset.done $0x0  }
0x3b9: {  	[sflag:s14] =	ssyncadd.s32 $0xFFFFC000  }
0x3ba: {  	_ =	swait.ge [sflag:s14], $0x4000  }
0x3bb: {  	[sflag:s14] =	ssyncset.done $0x0  }
0x3bc: {  	[sflag:s14] =	ssyncadd.s32 $0xFFFFC000  }
0x3bd: {  	_ =	swait.ge [sflag:s14], $0x4000  }
0x3be: {  	[sflag:s14] =	ssyncset.done $0x0  }
0x3bf: {  	[sflag:s14] =	ssyncadd.s32 $0xFFFFC000  }
0x3c0: {  	_ =	swait.ge [sflag:s14], $0x4000  }
0x3c1: {  	[sflag:s14] =	ssyncset.done $0x0  }
0x3c2: {  	[sflag:s14] =	ssyncadd.s32 $0xFFFFC000  }
0x3c3: {  	_ =	swait.ge [sflag:s14], $0x4000  }
0x3c4: {  	[sflag:s14] =	ssyncset.done $0x0  }
0x3c5: {  	[sflag:s14] =	ssyncadd.s32 $0xFFFFC000  }
0x3c6: {  	_ =	swait.ge [sflag:s14], $0x4000  }
0x3c7: {  	[sflag:s14] =	ssyncset.done $0x0  }
0x3c8: {  	[sflag:s14] =	ssyncadd.s32 $0xFFFFC000  }
0x3c9: {  	_ =	swait.ge [sflag:s14], $0x4000  }
0x3ca: {  	[sflag:s14] =	ssyncset.done $0x0  }
0x3cb: {  	[sflag:s14] =	ssyncadd.s32 $0xFFFFC000  }
0x3cc: {  	_ =	swait.ge [sflag:s14], $0x4000  }
0x3cd: {  	[sflag:s14] =	ssyncset.done $0x0  }
0x3ce: {  	[sflag:s14] =	ssyncadd.s32 $0xFFFFC000  }
0x3cf: {  	_ =	swait.ge [sflag:s14], $0x4000  }
0x3d0: {  	[sflag:s14] =	ssyncset.done $0x0  }
0x3d1: {  	[sflag:s14] =	ssyncadd.s32 $0xFFFFC000  }
0x3d2: {  	_ =	swait.ge [sflag:s14], $0x4000  }
0x3d3: {  	[sflag:s14] =	ssyncset.done $0x0  }
0x3d4: {  	[sflag:s14] =	ssyncadd.s32 $0xFFFFC000  }
0x3d5: {  	_ =	swait.ge [sflag:s14], $0x4000  }
0x3d6: {  	[sflag:s14] =	ssyncset.done $0x0  }
0x3d7: {  	[sflag:s14] =	ssyncadd.s32 $0xFFFFC000  }
0x3d8: {  	_ =	swait.ge [sflag:s14], $0x4000  }
0x3d9: {  	[sflag:s14] =	ssyncset.done $0x0  }
0x3da: {  	[sflag:s14] =	ssyncadd.s32 $0xFFFFC000  }
0x3db: {  	_ =	swait.ge [sflag:s14], $0x4000  }
0x3dc: {  	[sflag:s14] =	ssyncset.done $0x0  }
0x3dd: {  	[sflag:s14] =	ssyncadd.s32 $0xFFFFC000  }
0x3de: {  	_ =	swait.ge [sflag:s14], $0x4000  }
0x3df: {  	[sflag:s14] =	ssyncset.done $0x0  }
0x3e0: {  	[sflag:s14] =	ssyncadd.s32 $0xFFFFC000  }
0x3e1: {  	_ =	swait.ge [sflag:s14], $0x4000  }
0x3e2: {  	[sflag:s14] =	ssyncset.done $0x0  }
0x3e3: {  	s25 =	simm.s32 $0x9;
	s26 =	rddreg [dreg:$0xf];
	[sflag:s14] =	ssyncadd.s32 $0xFFFFC000  }
0x3e4: {  	[hbm4b:s26+s4] =	stream.linear.scatter [tilespmem:s9], [sflag:$0xE], $0x4000, $0x38;
	[tilespmem:$0x1D000] =	vst v63  }
0x3e5: {  	_ =	swait.ge [sflag:s25], $0x4000  }
0x3e6: {  	[sflag:s25] =	ssyncset.done $0x0  }
0x3e7: {  	s26 =	simm.s32 $0xA;
	[sflag:s25] =	ssyncadd.s32 $0xFFFFC000  }
0x3e8: {  	_ =	swait.ge [sflag:s26], $0x4000  }
0x3e9: {  	[sflag:s26] =	ssyncset.done $0x0  }
0x3ea: {  	s28 =	simm.s32 $0xB;
	[sflag:s26] =	ssyncadd.s32 $0xFFFFC000  }
0x3eb: {  	_ =	swait.ge [sflag:s28], $0x4000  }
0x3ec: {  	s1 =	ssub.s32 $0x2, s1;
	[sflag:s28] =	ssyncset.done $0x0  }
0x3ed: {  	s29 =	simm.s32 $0xC;
	s31 =	sshrl.u32 s1, $0x1;
	[sflag:s28] =	ssyncadd.s32 $0xFFFFC000  }
0x3ee: {  	s1 =	ssub.s32 s1, s31;
	_ =	swait.ge [sflag:s29], $0x4000  }
0x3ef: {  	s1 =	smax.u32 s1, $0x1;
	[sflag:s29] =	ssyncset.done $0x0  }
0x3f0: {  	s30 =	simm.s32 $0xD;
	p0 =	sne.s32 s1, $0x1;
	[sflag:s29] =	ssyncadd.s32 $0xFFFFC000  }
.Ltmp0:
0x3f1: {  	_ =	swait.ge [sflag:s30], $0x4000;
	(pc) =	sbr.rel @!p0 .LBB2_2-.Ltmp0, $4  }
0x3f2: {  	[sflag:s30] =	ssyncset.done $0x0  }
0x3f3: {  	s31 =	simm.s32 $0xE;
	[sflag:s30] =	ssyncadd.s32 $0xFFFFC000  }
0x3f4: {  	_ =	swait.ge [sflag:s31], $0x4000  }
0x3f5: {  	s1 =	sadd.s32 $0xFFFFFFFF, s1;
	[sflag:s31] =	ssyncset.done $0x0  }
.LBB2_1:
0x3f6: {  	[sflag:s31] =	ssyncadd.s32 $0xFFFFC000  }
0x3f7: {  	[tilespmem:s4], [sflag:$0xF] =	stream.linear.gather [hbm4b:s5+s4], $0x200, $0x38;
	[tilespmem:$0x1D000] =	vst v63  }
0x3f8: {  	_ =	swait.ge [sflag:s6], $0x200  }
0x3f9: {  	[sflag:s6] =	ssyncset.done $0x0  }
0x3fa: {  	[sflag:s6] =	ssyncadd.s32 $0xFFFFFE00  }
0x3fb: {  	[tilespmem:s8], [sflag:$0x1] =	stream.indirect.gather [hbm4b:s2+s7], $0x80, s4, s7, $0xb8;
	[tilespmem:$0x1D000] =	vst v63  }
0x3fc: {  	_ = 	snop  }
0x3fd: {  	[tilespmem:s9], [sflag:$0x2] =	stream.indirect.gather [hbm4b:s2+s7], $0x80, s7, s7, $0xb8;
	[tilespmem:$0x1D000] =	vst v63  }
0x3fe: {  	s0 =	rddreg [dreg:$0x10]  }
0x3ff: {  	[tilespmem:s10], [sflag:$0x3] =	stream.indirect.gather [hbm4b:s2+s7], $0x80, s0, s7, $0xb8;
	[tilespmem:$0x1D000] =	vst v63  }
0x400: {  	s24 =	rddreg [dreg:$0x11]  }
0x401: {  	[tilespmem:s11], [sflag:$0x4] =	stream.indirect.gather [hbm4b:s2+s7], $0x80, s24, s7, $0xb8;
	[tilespmem:$0x1D000] =	vst v63  }
0x402: {  	s0 =	rddreg [dreg:$0x6]  }
0x403: {  	[tilespmem:s12], [sflag:$0xF] =	stream.linear.gather [hbm4b:s0+s4], $0x2600, $0x38;
	[tilespmem:$0x1D000] =	vst v63  }
0x404: {  	_ =	swait.ge [sflag:s6], $0x2600  }
0x405: {  	[sflag:s6] =	ssyncset.done $0x0  }
0x406: {  	[sflag:s6] =	ssyncadd.s32 $0xFFFFDA00  }
0x407: {  	_ =	swait.ge [sflag:s13], $0x4000  }
0x408: {  	[sflag:s13] =	ssyncset.done $0x0  }
0x409: {  	s0 =	rddreg [dreg:$0x12];
	[sflag:s13] =	ssyncadd.s32 $0xFFFFC000  }
0x40a: {  	[tilespmem:s8], [sflag:$0x1] =	stream.indirect.gather.add.f32 [hbm:s2], $0x80, s12, s7, $0xb8;
	[tilespmem:$0x1D000] =	vst v63  }
0x40b: {  	s24 =	rddreg [dreg:$0x13]  }
0x40c: {  	[tilespmem:s8], [sflag:$0x1] =	stream.indirect.gather.add.f32 [hbm:s2], $0x80, s0, s7, $0xb8;
	[tilespmem:$0x1D000] =	vst v63  }
0x40d: {  	s0 =	rddreg [dreg:$0x14]  }
0x40e: {  	[tilespmem:s8], [sflag:$0x1] =	stream.indirect.gather.add.f32 [hbm:s2], $0x80, s24, s7, $0xb8;
	[tilespmem:$0x1D000] =	vst v63  }
0x40f: {  	s24 =	rddreg [dreg:$0x15]  }
0x410: {  	[tilespmem:s8], [sflag:$0x1] =	stream.indirect.gather.add.f32 [hbm:s2], $0x80, s0, s7, $0xb8;
	[tilespmem:$0x1D000] =	vst v63  }
0x411: {  	s0 =	rddreg [dreg:$0x16]  }
0x412: {  	[tilespmem:s8], [sflag:$0x1] =	stream.indirect.gather.add.f32 [hbm:s2], $0x80, s24, s7, $0xb8;
	[tilespmem:$0x1D000] =	vst v63  }
0x413: {  	s24 =	rddreg [dreg:$0x17]  }
0x414: {  	[tilespmem:s8], [sflag:$0x1] =	stream.indirect.gather.add.f32 [hbm:s2], $0x80, s0, s7, $0xb8;
	[tilespmem:$0x1D000] =	vst v63  }
0x415: {  	s0 =	rddreg [dreg:$0x18]  }
0x416: {  	[tilespmem:s8], [sflag:$0x1] =	stream.indirect.gather.add.f32 [hbm:s2], $0x80, s24, s7, $0xb8;
	[tilespmem:$0x1D000] =	vst v63  }
0x417: {  	s24 =	rddreg [dreg:$0x19]  }
0x418: {  	[tilespmem:s8], [sflag:$0x1] =	stream.indirect.gather.add.f32 [hbm:s2], $0x80, s0, s7, $0xb8;
	[tilespmem:$0x1D000] =	vst v63  }
0x419: {  	s0 =	rddreg [dreg:$0x1a]  }
0x41a: {  	[tilespmem:s8], [sflag:$0x1] =	stream.indirect.gather.add.f32 [hbm:s2], $0x80, s24, s7, $0xb8;
	[tilespmem:$0x1D000] =	vst v63  }
0x41b: {  	s24 =	rddreg [dreg:$0x1b]  }
0x41c: {  	[tilespmem:s8], [sflag:$0x1] =	stream.indirect.gather.add.f32 [hbm:s2], $0x80, s0, s7, $0xb8;
	[tilespmem:$0x1D000] =	vst v63  }
0x41d: {  	s0 =	rddreg [dreg:$0x1c]  }
0x41e: {  	[tilespmem:s8], [sflag:$0x1] =	stream.indirect.gather.add.f32 [hbm:s2], $0x80, s24, s7, $0xb8;
	[tilespmem:$0x1D000] =	vst v63  }
0x41f: {  	s24 =	rddreg [dreg:$0x1d]  }
0x420: {  	[tilespmem:s8], [sflag:$0x1] =	stream.indirect.gather.add.f32 [hbm:s2], $0x80, s0, s7, $0xb8;
	[tilespmem:$0x1D000] =	vst v63  }
0x421: {  	s0 =	rddreg [dreg:$0x1e]  }
0x422: {  	[tilespmem:s8], [sflag:$0x1] =	stream.indirect.gather.add.f32 [hbm:s2], $0x80, s24, s7, $0xb8;
	[tilespmem:$0x1D000] =	vst v63  }
0x423: {  	s24 =	rddreg [dreg:$0x1f]  }
0x424: {  	[tilespmem:s8], [sflag:$0x1] =	stream.indirect.gather.add.f32 [hbm:s2], $0x80, s0, s7, $0xb8;
	[tilespmem:$0x1D000] =	vst v63  }
0x425: {  	s0 =	sld [smem:$0x773]  }
0x426: {  	[tilespmem:s8], [sflag:$0x1] =	stream.indirect.gather.add.f32 [hbm:s2], $0x80, s24, s7, $0xb8;
	[tilespmem:$0x1D000] =	vst v63  }
0x427: {  	s24 =	sld [smem:$0x774]  }
0x428: {  	[tilespmem:s8], [sflag:$0x1] =	stream.indirect.gather.add.f32 [hbm:s2], $0x80, s0, s7, $0xb8;
	[tilespmem:$0x1D000] =	vst v63  }
0x429: {  	s0 =	sld [smem:$0x775]  }
0x42a: {  	[tilespmem:s8], [sflag:$0x1] =	stream.indirect.gather.add.f32 [hbm:s2], $0x80, s24, s7, $0xb8;
	[tilespmem:$0x1D000] =	vst v63  }
0x42b: {  	s24 =	sld [smem:$0x776]  }
0x42c: {  	[tilespmem:s8], [sflag:$0x1] =	stream.indirect.gather.add.f32 [hbm:s2], $0x80, s0, s7, $0xb8;
	[tilespmem:$0x1D000] =	vst v63  }
0x42d: {  	_ = 	snop  }
0x42e: {  	[tilespmem:s8], [sflag:$0x1] =	stream.indirect.gather.add.f32 [hbm:s2], $0x80, s24, s7, $0xb8;
	[tilespmem:$0x1D000] =	vst v63  }
0x42f: {  	_ =	swait.ge [sflag:s14], $0x4000  }
0x430: {  	s0 =	sld [smem:$0x777]  }
0x431: {  	[sflag:s14] =	ssyncset.done $0x0  }
0x432: {  	s24 =	sld [smem:$0x778];
	[sflag:s14] =	ssyncadd.s32 $0xFFFFC000  }
0x433: {  	[tilespmem:s9], [sflag:$0x2] =	stream.indirect.gather.add.f32 [hbm:s2], $0x80, s0, s7, $0xb8;
	[tilespmem:$0x1D000] =	vst v63  }
0x434: {  	s0 =	sld [smem:$0x779]  }
0x435: {  	[tilespmem:s9], [sflag:$0x2] =	stream.indirect.gather.add.f32 [hbm:s2], $0x80, s24, s7, $0xb8;
	[tilespmem:$0x1D000] =	vst v63  }
0x436: {  	s24 =	sld [smem:$0x77A]  }
0x437: {  	[tilespmem:s9], [sflag:$0x2] =	stream.indirect.gather.add.f32 [hbm:s2], $0x80, s0, s7, $0xb8;
	[tilespmem:$0x1D000] =	vst v63  }
0x438: {  	s0 =	sld [smem:$0x77B]  }
0x439: {  	[tilespmem:s9], [sflag:$0x2] =	stream.indirect.gather.add.f32 [hbm:s2], $0x80, s24, s7, $0xb8;
	[tilespmem:$0x1D000] =	vst v63  }
0x43a: {  	s24 =	sld [smem:$0x77C]  }
0x43b: {  	[tilespmem:s9], [sflag:$0x2] =	stream.indirect.gather.add.f32 [hbm:s2], $0x80, s0, s7, $0xb8;
	[tilespmem:$0x1D000] =	vst v63  }
0x43c: {  	s0 =	sld [smem:$0x77D]  }
0x43d: {  	[tilespmem:s9], [sflag:$0x2] =	stream.indirect.gather.add.f32 [hbm:s2], $0x80, s24, s7, $0xb8;
	[tilespmem:$0x1D000] =	vst v63  }
0x43e: {  	s24 =	sld [smem:$0x77E]  }
0x43f: {  	[tilespmem:s9], [sflag:$0x2] =	stream.indirect.gather.add.f32 [hbm:s2], $0x80, s0, s7, $0xb8;
	[tilespmem:$0x1D000] =	vst v63  }
0x440: {  	s0 =	sld [smem:$0x77F]  }
0x441: {  	[tilespmem:s9], [sflag:$0x2] =	stream.indirect.gather.add.f32 [hbm:s2], $0x80, s24, s7, $0xb8;
	[tilespmem:$0x1D000] =	vst v63  }
0x442: {  	s24 =	sld [smem:$0x780]  }
0x443: {  	[tilespmem:s9], [sflag:$0x2] =	stream.indirect.gather.add.f32 [hbm:s2], $0x80, s0, s7, $0xb8;
	[tilespmem:$0x1D000] =	vst v63  }
0x444: {  	s0 =	sld [smem:$0x781]  }
0x445: {  	[tilespmem:s9], [sflag:$0x2] =	stream.indirect.gather.add.f32 [hbm:s2], $0x80, s24, s7, $0xb8;
	[tilespmem:$0x1D000] =	vst v63  }
0x446: {  	s24 =	sld [smem:$0x782]  }
0x447: {  	[tilespmem:s9], [sflag:$0x2] =	stream.indirect.gather.add.f32 [hbm:s2], $0x80, s0, s7, $0xb8;
	[tilespmem:$0x1D000] =	vst v63  }
0x448: {  	s0 =	sld [smem:$0x783]  }
0x449: {  	[tilespmem:s9], [sflag:$0x2] =	stream.indirect.gather.add.f32 [hbm:s2], $0x80, s24, s7, $0xb8;
	[tilespmem:$0x1D000] =	vst v63  }
0x44a: {  	s24 =	sld [smem:$0x784]  }
0x44b: {  	[tilespmem:s9], [sflag:$0x2] =	stream.indirect.gather.add.f32 [hbm:s2], $0x80, s0, s7, $0xb8;
	[tilespmem:$0x1D000] =	vst v63  }
0x44c: {  	s0 =	sld [smem:$0x785]  }
0x44d: {  	[tilespmem:s9], [sflag:$0x2] =	stream.indirect.gather.add.f32 [hbm:s2], $0x80, s24, s7, $0xb8;
	[tilespmem:$0x1D000] =	vst v63  }
0x44e: {  	s24 =	sld [smem:$0x786]  }
0x44f: {  	[tilespmem:s9], [sflag:$0x2] =	stream.indirect.gather.add.f32 [hbm:s2], $0x80, s0, s7, $0xb8;
	[tilespmem:$0x1D000] =	vst v63  }
0x450: {  	s0 =	sld [smem:$0x787]  }
0x451: {  	[tilespmem:s9], [sflag:$0x2] =	stream.indirect.gather.add.f32 [hbm:s2], $0x80, s24, s7, $0xb8;
	[tilespmem:$0x1D000] =	vst v63  }
0x452: {  	s24 =	sld [smem:$0x788]  }
0x453: {  	[tilespmem:s9], [sflag:$0x2] =	stream.indirect.gather.add.f32 [hbm:s2], $0x80, s0, s7, $0xb8;
	[tilespmem:$0x1D000] =	vst v63  }
0x454: {  	s0 =	sld [smem:$0x789]  }
0x455: {  	[tilespmem:s9], [sflag:$0x2] =	stream.indirect.gather.add.f32 [hbm:s2], $0x80, s24, s7, $0xb8;
	[tilespmem:$0x1D000] =	vst v63  }
0x456: {  	_ = 	snop  }
0x457: {  	[tilespmem:s9], [sflag:$0x2] =	stream.indirect.gather.add.f32 [hbm:s2], $0x80, s0, s7, $0xb8;
	[tilespmem:$0x1D000] =	vst v63  }
0x458: {  	_ =	swait.ge [sflag:s15], $0x4000  }
0x459: {  	s0 =	sld [smem:$0x78A]  }
0x45a: {  	[sflag:s15] =	ssyncset.done $0x0  }
0x45b: {  	s24 =	sld [smem:$0x78B];
	[sflag:s15] =	ssyncadd.s32 $0xFFFFC000  }
0x45c: {  	[tilespmem:s10], [sflag:$0x3] =	stream.indirect.gather.add.f32 [hbm:s2], $0x80, s0, s7, $0xb8;
	[tilespmem:$0x1D000] =	vst v63  }
0x45d: {  	s0 =	sld [smem:$0x78C]  }
0x45e: {  	[tilespmem:s10], [sflag:$0x3] =	stream.indirect.gather.add.f32 [hbm:s2], $0x80, s24, s7, $0xb8;
	[tilespmem:$0x1D000] =	vst v63  }
0x45f: {  	s24 =	sld [smem:$0x78D]  }
0x460: {  	[tilespmem:s10], [sflag:$0x3] =	stream.indirect.gather.add.f32 [hbm:s2], $0x80, s0, s7, $0xb8;
	[tilespmem:$0x1D000] =	vst v63  }
0x461: {  	s0 =	sld [smem:$0x78E]  }
0x462: {  	[tilespmem:s10], [sflag:$0x3] =	stream.indirect.gather.add.f32 [hbm:s2], $0x80, s24, s7, $0xb8;
	[tilespmem:$0x1D000] =	vst v63  }
0x463: {  	s24 =	sld [smem:$0x78F]  }
0x464: {  	[tilespmem:s10], [sflag:$0x3] =	stream.indirect.gather.add.f32 [hbm:s2], $0x80, s0, s7, $0xb8;
	[tilespmem:$0x1D000] =	vst v63  }
0x465: {  	s0 =	sld [smem:$0x790]  }
0x466: {  	[tilespmem:s10], [sflag:$0x3] =	stream.indirect.gather.add.f32 [hbm:s2], $0x80, s24, s7, $0xb8;
	[tilespmem:$0x1D000] =	vst v63  }
0x467: {  	s24 =	sld [smem:$0x791]  }
0x468: {  	[tilespmem:s10], [sflag:$0x3] =	stream.indirect.gather.add.f32 [hbm:s2], $0x80, s0, s7, $0xb8;
	[tilespmem:$0x1D000] =	vst v63  }
0x469: {  	s0 =	sld [smem:$0x792]  }
0x46a: {  	[tilespmem:s10], [sflag:$0x3] =	stream.indirect.gather.add.f32 [hbm:s2], $0x80, s24, s7, $0xb8;
	[tilespmem:$0x1D000] =	vst v63  }
0x46b: {  	s24 =	sld [smem:$0x793]  }
0x46c: {  	[tilespmem:s10], [sflag:$0x3] =	stream.indirect.gather.add.f32 [hbm:s2], $0x80, s0, s7, $0xb8;
	[tilespmem:$0x1D000] =	vst v63  }
0x46d: {  	s0 =	sld [smem:$0x794]  }
0x46e: {  	[tilespmem:s10], [sflag:$0x3] =	stream.indirect.gather.add.f32 [hbm:s2], $0x80, s24, s7, $0xb8;
	[tilespmem:$0x1D000] =	vst v63  }
0x46f: {  	s24 =	sld [smem:$0x795]  }
0x470: {  	[tilespmem:s10], [sflag:$0x3] =	stream.indirect.gather.add.f32 [hbm:s2], $0x80, s0, s7, $0xb8;
	[tilespmem:$0x1D000] =	vst v63  }
0x471: {  	s0 =	sld [smem:$0x796]  }
0x472: {  	[tilespmem:s10], [sflag:$0x3] =	stream.indirect.gather.add.f32 [hbm:s2], $0x80, s24, s7, $0xb8;
	[tilespmem:$0x1D000] =	vst v63  }
0x473: {  	s24 =	sld [smem:$0x797]  }
0x474: {  	[tilespmem:s10], [sflag:$0x3] =	stream.indirect.gather.add.f32 [hbm:s2], $0x80, s0, s7, $0xb8;
	[tilespmem:$0x1D000] =	vst v63  }
0x475: {  	s0 =	sld [smem:$0x798]  }
0x476: {  	[tilespmem:s10], [sflag:$0x3] =	stream.indirect.gather.add.f32 [hbm:s2], $0x80, s24, s7, $0xb8;
	[tilespmem:$0x1D000] =	vst v63  }
0x477: {  	s24 =	sld [smem:$0x799]  }
0x478: {  	[tilespmem:s10], [sflag:$0x3] =	stream.indirect.gather.add.f32 [hbm:s2], $0x80, s0, s7, $0xb8;
	[tilespmem:$0x1D000] =	vst v63  }
0x479: {  	s0 =	sld [smem:$0x79A]  }
0x47a: {  	[tilespmem:s10], [sflag:$0x3] =	stream.indirect.gather.add.f32 [hbm:s2], $0x80, s24, s7, $0xb8;
	[tilespmem:$0x1D000] =	vst v63  }
0x47b: {  	s24 =	sld [smem:$0x79B]  }
0x47c: {  	[tilespmem:s10], [sflag:$0x3] =	stream.indirect.gather.add.f32 [hbm:s2], $0x80, s0, s7, $0xb8;
	[tilespmem:$0x1D000] =	vst v63  }
0x47d: {  	s0 =	sld [smem:$0x79C]  }
0x47e: {  	[tilespmem:s10], [sflag:$0x3] =	stream.indirect.gather.add.f32 [hbm:s2], $0x80, s24, s7, $0xb8;
	[tilespmem:$0x1D000] =	vst v63  }
0x47f: {  	_ = 	snop  }
0x480: {  	[tilespmem:s10], [sflag:$0x3] =	stream.indirect.gather.add.f32 [hbm:s2], $0x80, s0, s7, $0xb8;
	[tilespmem:$0x1D000] =	vst v63  }
0x481: {  	_ =	swait.ge [sflag:s16], $0x4000  }
0x482: {  	s0 =	sld [smem:$0x79D]  }
0x483: {  	[sflag:s16] =	ssyncset.done $0x0  }
0x484: {  	s24 =	sld [smem:$0x79E];
	[sflag:s16] =	ssyncadd.s32 $0xFFFFC000  }
0x485: {  	[tilespmem:s11], [sflag:$0x4] =	stream.indirect.gather.add.f32 [hbm:s2], $0x80, s0, s7, $0xb8;
	[tilespmem:$0x1D000] =	vst v63  }
0x486: {  	s0 =	sld [smem:$0x79F]  }
0x487: {  	[tilespmem:s11], [sflag:$0x4] =	stream.indirect.gather.add.f32 [hbm:s2], $0x80, s24, s7, $0xb8;
	[tilespmem:$0x1D000] =	vst v63  }
0x488: {  	s24 =	sld [smem:$0x7A0]  }
0x489: {  	[tilespmem:s11], [sflag:$0x4] =	stream.indirect.gather.add.f32 [hbm:s2], $0x80, s0, s7, $0xb8;
	[tilespmem:$0x1D000] =	vst v63  }
0x48a: {  	s0 =	sld [smem:$0x7A1]  }
0x48b: {  	[tilespmem:s11], [sflag:$0x4] =	stream.indirect.gather.add.f32 [hbm:s2], $0x80, s24, s7, $0xb8;
	[tilespmem:$0x1D000] =	vst v63  }
0x48c: {  	s24 =	sld [smem:$0x7A2]  }
0x48d: {  	[tilespmem:s11], [sflag:$0x4] =	stream.indirect.gather.add.f32 [hbm:s2], $0x80, s0, s7, $0xb8;
	[tilespmem:$0x1D000] =	vst v63  }
0x48e: {  	s0 =	sld [smem:$0x7A3]  }
0x48f: {  	[tilespmem:s11], [sflag:$0x4] =	stream.indirect.gather.add.f32 [hbm:s2], $0x80, s24, s7, $0xb8;
	[tilespmem:$0x1D000] =	vst v63  }
0x490: {  	s24 =	sld [smem:$0x7A4]  }
0x491: {  	[tilespmem:s11], [sflag:$0x4] =	stream.indirect.gather.add.f32 [hbm:s2], $0x80, s0, s7, $0xb8;
	[tilespmem:$0x1D000] =	vst v63  }
0x492: {  	s0 =	sld [smem:$0x7A5]  }
0x493: {  	[tilespmem:s11], [sflag:$0x4] =	stream.indirect.gather.add.f32 [hbm:s2], $0x80, s24, s7, $0xb8;
	[tilespmem:$0x1D000] =	vst v63  }
0x494: {  	s24 =	sld [smem:$0x7A6]  }
0x495: {  	[tilespmem:s11], [sflag:$0x4] =	stream.indirect.gather.add.f32 [hbm:s2], $0x80, s0, s7, $0xb8;
	[tilespmem:$0x1D000] =	vst v63  }
0x496: {  	s0 =	sld [smem:$0x7A7]  }
0x497: {  	[tilespmem:s11], [sflag:$0x4] =	stream.indirect.gather.add.f32 [hbm:s2], $0x80, s24, s7, $0xb8;
	[tilespmem:$0x1D000] =	vst v63  }
0x498: {  	s24 =	sld [smem:$0x7A8]  }
0x499: {  	[tilespmem:s11], [sflag:$0x4] =	stream.indirect.gather.add.f32 [hbm:s2], $0x80, s0, s7, $0xb8;
	[tilespmem:$0x1D000] =	vst v63  }
0x49a: {  	s0 =	sld [smem:$0x7A9]  }
0x49b: {  	[tilespmem:s11], [sflag:$0x4] =	stream.indirect.gather.add.f32 [hbm:s2], $0x80, s24, s7, $0xb8;
	[tilespmem:$0x1D000] =	vst v63  }
0x49c: {  	s24 =	sld [smem:$0x7AA]  }
0x49d: {  	[tilespmem:s11], [sflag:$0x4] =	stream.indirect.gather.add.f32 [hbm:s2], $0x80, s0, s7, $0xb8;
	[tilespmem:$0x1D000] =	vst v63  }
0x49e: {  	s0 =	sld [smem:$0x7AB]  }
0x49f: {  	[tilespmem:s11], [sflag:$0x4] =	stream.indirect.gather.add.f32 [hbm:s2], $0x80, s24, s7, $0xb8;
	[tilespmem:$0x1D000] =	vst v63  }
0x4a0: {  	s24 =	sld [smem:$0x7AC]  }
0x4a1: {  	[tilespmem:s11], [sflag:$0x4] =	stream.indirect.gather.add.f32 [hbm:s2], $0x80, s0, s7, $0xb8;
	[tilespmem:$0x1D000] =	vst v63  }
0x4a2: {  	s0 =	sld [smem:$0x7AD]  }
0x4a3: {  	[tilespmem:s11], [sflag:$0x4] =	stream.indirect.gather.add.f32 [hbm:s2], $0x80, s24, s7, $0xb8;
	[tilespmem:$0x1D000] =	vst v63  }
0x4a4: {  	s24 =	sld [smem:$0x7AE]  }
0x4a5: {  	[tilespmem:s11], [sflag:$0x4] =	stream.indirect.gather.add.f32 [hbm:s2], $0x80, s0, s7, $0xb8;
	[tilespmem:$0x1D000] =	vst v63  }
0x4a6: {  	s0 =	sld [smem:$0x7AF]  }
0x4a7: {  	[tilespmem:s11], [sflag:$0x4] =	stream.indirect.gather.add.f32 [hbm:s2], $0x80, s24, s7, $0xb8;
	[tilespmem:$0x1D000] =	vst v63  }
0x4a8: {  	_ = 	snop  }
0x4a9: {  	[tilespmem:s11], [sflag:$0x4] =	stream.indirect.gather.add.f32 [hbm:s2], $0x80, s0, s7, $0xb8;
	[tilespmem:$0x1D000] =	vst v63  }
0x4aa: {  	s24 =	rddreg [dreg:$0x7]  }
0x4ab: {  	[tilespmem:s17], [sflag:$0xF] =	stream.linear.gather [hbm4b:s24+s4], $0x2800, $0x38;
	[tilespmem:$0x1D000] =	vst v63  }
0x4ac: {  	_ =	swait.ge [sflag:s6], $0x2800  }
0x4ad: {  	[sflag:s6] =	ssyncset.done $0x0  }
0x4ae: {  	[sflag:s6] =	ssyncadd.s32 $0xFFFFD800  }
0x4af: {  	[tilespmem:s18], [sflag:$0x5] =	stream.indirect.gather [hbm4b:s3+s7], $0x80, s17, s7, $0xb8;
	[tilespmem:$0x1D000] =	vst v63  }
0x4b0: {  	_ =	swait.ge [sflag:s19], $0x4000  }
0x4b1: {  	[sflag:s19] =	ssyncset.done $0x0  }
0x4b2: {  	s0 =	sld [smem:$0x7B0];
	_ =	sdelay $0x1  }
0x4b3: {  	[sflag:s19] =	ssyncadd.s32 $0xFFFFC000;
	s24 =	sld [smem:$0x7B1]  }
0x4b4: {  	[tilespmem:s18], [sflag:$0x5] =	stream.indirect.gather.add.f32 [hbm:s3], $0x80, s0, s7, $0xb8;
	[tilespmem:$0x1D000] =	vst v63  }
0x4b5: {  	s0 =	sld [smem:$0x7B2]  }
0x4b6: {  	[tilespmem:s18], [sflag:$0x5] =	stream.indirect.gather.add.f32 [hbm:s3], $0x80, s24, s7, $0xb8;
	[tilespmem:$0x1D000] =	vst v63  }
0x4b7: {  	s24 =	sld [smem:$0x7B3]  }
0x4b8: {  	[tilespmem:s18], [sflag:$0x5] =	stream.indirect.gather.add.f32 [hbm:s3], $0x80, s0, s7, $0xb8;
	[tilespmem:$0x1D000] =	vst v63  }
0x4b9: {  	s0 =	sld [smem:$0x7B4]  }
0x4ba: {  	[tilespmem:s18], [sflag:$0x5] =	stream.indirect.gather.add.f32 [hbm:s3], $0x80, s24, s7, $0xb8;
	[tilespmem:$0x1D000] =	vst v63  }
0x4bb: {  	s24 =	sld [smem:$0x7B5]  }
0x4bc: {  	[tilespmem:s18], [sflag:$0x5] =	stream.indirect.gather.add.f32 [hbm:s3], $0x80, s0, s7, $0xb8;
	[tilespmem:$0x1D000] =	vst v63  }
0x4bd: {  	s0 =	sld [smem:$0x7B6]  }
0x4be: {  	[tilespmem:s18], [sflag:$0x5] =	stream.indirect.gather.add.f32 [hbm:s3], $0x80, s24, s7, $0xb8;
	[tilespmem:$0x1D000] =	vst v63  }
0x4bf: {  	s24 =	sld [smem:$0x7B7]  }
0x4c0: {  	[tilespmem:s18], [sflag:$0x5] =	stream.indirect.gather.add.f32 [hbm:s3], $0x80, s0, s7, $0xb8;
	[tilespmem:$0x1D000] =	vst v63  }
0x4c1: {  	s0 =	sld [smem:$0x7B8]  }
0x4c2: {  	[tilespmem:s18], [sflag:$0x5] =	stream.indirect.gather.add.f32 [hbm:s3], $0x80, s24, s7, $0xb8;
	[tilespmem:$0x1D000] =	vst v63  }
0x4c3: {  	s24 =	sld [smem:$0x7B9]  }
0x4c4: {  	[tilespmem:s18], [sflag:$0x5] =	stream.indirect.gather.add.f32 [hbm:s3], $0x80, s0, s7, $0xb8;
	[tilespmem:$0x1D000] =	vst v63  }
0x4c5: {  	s0 =	sld [smem:$0x7BA]  }
0x4c6: {  	[tilespmem:s18], [sflag:$0x5] =	stream.indirect.gather.add.f32 [hbm:s3], $0x80, s24, s7, $0xb8;
	[tilespmem:$0x1D000] =	vst v63  }
0x4c7: {  	s24 =	sld [smem:$0x7BB]  }
0x4c8: {  	[tilespmem:s18], [sflag:$0x5] =	stream.indirect.gather.add.f32 [hbm:s3], $0x80, s0, s7, $0xb8;
	[tilespmem:$0x1D000] =	vst v63  }
0x4c9: {  	s0 =	sld [smem:$0x7BC]  }
0x4ca: {  	[tilespmem:s18], [sflag:$0x5] =	stream.indirect.gather.add.f32 [hbm:s3], $0x80, s24, s7, $0xb8;
	[tilespmem:$0x1D000] =	vst v63  }
0x4cb: {  	s24 =	sld [smem:$0x7BD]  }
0x4cc: {  	[tilespmem:s18], [sflag:$0x5] =	stream.indirect.gather.add.f32 [hbm:s3], $0x80, s0, s7, $0xb8;
	[tilespmem:$0x1D000] =	vst v63  }
0x4cd: {  	s0 =	sld [smem:$0x7BE]  }
0x4ce: {  	[tilespmem:s18], [sflag:$0x5] =	stream.indirect.gather.add.f32 [hbm:s3], $0x80, s24, s7, $0xb8;
	[tilespmem:$0x1D000] =	vst v63  }
0x4cf: {  	s24 =	sld [smem:$0x7BF]  }
0x4d0: {  	[tilespmem:s18], [sflag:$0x5] =	stream.indirect.gather.add.f32 [hbm:s3], $0x80, s0, s7, $0xb8;
	[tilespmem:$0x1D000] =	vst v63  }
0x4d1: {  	s0 =	sld [smem:$0x7C0]  }
0x4d2: {  	[tilespmem:s18], [sflag:$0x5] =	stream.indirect.gather.add.f32 [hbm:s3], $0x80, s24, s7, $0xb8;
	[tilespmem:$0x1D000] =	vst v63  }
0x4d3: {  	s24 =	sld [smem:$0x7C1]  }
0x4d4: {  	[tilespmem:s18], [sflag:$0x5] =	stream.indirect.gather.add.f32 [hbm:s3], $0x80, s0, s7, $0xb8;
	[tilespmem:$0x1D000] =	vst v63  }
0x4d5: {  	s0 =	sld [smem:$0x7C2]  }
0x4d6: {  	[tilespmem:s18], [sflag:$0x5] =	stream.indirect.gather.add.f32 [hbm:s3], $0x80, s24, s7, $0xb8;
	[tilespmem:$0x1D000] =	vst v63  }
0x4d7: {  	s24 =	sld [smem:$0x7C3]  }
0x4d8: {  	[tilespmem:s18], [sflag:$0x5] =	stream.indirect.gather.add.f32 [hbm:s3], $0x80, s0, s7, $0xb8;
	[tilespmem:$0x1D000] =	vst v63  }
0x4d9: {  	_ = 	snop  }
0x4da: {  	[tilespmem:s20], [sflag:$0x6] =	stream.indirect.gather [hbm4b:s3+s7], $0x80, s24, s7, $0xb8;
	[tilespmem:$0x1D000] =	vst v63  }
0x4db: {  	_ =	swait.ge [sflag:s21], $0x4000  }
0x4dc: {  	s0 =	sld [smem:$0x7C4]  }
0x4dd: {  	[sflag:s21] =	ssyncset.done $0x0  }
0x4de: {  	s24 =	sld [smem:$0x7C5];
	[sflag:s21] =	ssyncadd.s32 $0xFFFFC000  }
0x4df: {  	[tilespmem:s20], [sflag:$0x6] =	stream.indirect.gather.add.f32 [hbm:s3], $0x80, s0, s7, $0xb8;
	[tilespmem:$0x1D000] =	vst v63  }
0x4e0: {  	s0 =	sld [smem:$0x7C6]  }
0x4e1: {  	[tilespmem:s20], [sflag:$0x6] =	stream.indirect.gather.add.f32 [hbm:s3], $0x80, s24, s7, $0xb8;
	[tilespmem:$0x1D000] =	vst v63  }
0x4e2: {  	s24 =	sld [smem:$0x7C7]  }
0x4e3: {  	[tilespmem:s20], [sflag:$0x6] =	stream.indirect.gather.add.f32 [hbm:s3], $0x80, s0, s7, $0xb8;
	[tilespmem:$0x1D000] =	vst v63  }
0x4e4: {  	s0 =	sld [smem:$0x7C8]  }
0x4e5: {  	[tilespmem:s20], [sflag:$0x6] =	stream.indirect.gather.add.f32 [hbm:s3], $0x80, s24, s7, $0xb8;
	[tilespmem:$0x1D000] =	vst v63  }
0x4e6: {  	s24 =	sld [smem:$0x7C9]  }
0x4e7: {  	[tilespmem:s20], [sflag:$0x6] =	stream.indirect.gather.add.f32 [hbm:s3], $0x80, s0, s7, $0xb8;
	[tilespmem:$0x1D000] =	vst v63  }
0x4e8: {  	s0 =	sld [smem:$0x7CA]  }
0x4e9: {  	[tilespmem:s20], [sflag:$0x6] =	stream.indirect.gather.add.f32 [hbm:s3], $0x80, s24, s7, $0xb8;
	[tilespmem:$0x1D000] =	vst v63  }
0x4ea: {  	s24 =	sld [smem:$0x7CB]  }
0x4eb: {  	[tilespmem:s20], [sflag:$0x6] =	stream.indirect.gather.add.f32 [hbm:s3], $0x80, s0, s7, $0xb8;
	[tilespmem:$0x1D000] =	vst v63  }
0x4ec: {  	s0 =	sld [smem:$0x7CC]  }
0x4ed: {  	[tilespmem:s20], [sflag:$0x6] =	stream.indirect.gather.add.f32 [hbm:s3], $0x80, s24, s7, $0xb8;
	[tilespmem:$0x1D000] =	vst v63  }
0x4ee: {  	s24 =	sld [smem:$0x7CD]  }
0x4ef: {  	[tilespmem:s20], [sflag:$0x6] =	stream.indirect.gather.add.f32 [hbm:s3], $0x80, s0, s7, $0xb8;
	[tilespmem:$0x1D000] =	vst v63  }
0x4f0: {  	s0 =	sld [smem:$0x7CE]  }
0x4f1: {  	[tilespmem:s20], [sflag:$0x6] =	stream.indirect.gather.add.f32 [hbm:s3], $0x80, s24, s7, $0xb8;
	[tilespmem:$0x1D000] =	vst v63  }
0x4f2: {  	s24 =	sld [smem:$0x7CF]  }
0x4f3: {  	[tilespmem:s20], [sflag:$0x6] =	stream.indirect.gather.add.f32 [hbm:s3], $0x80, s0, s7, $0xb8;
	[tilespmem:$0x1D000] =	vst v63  }
0x4f4: {  	s0 =	sld [smem:$0x7D0]  }
0x4f5: {  	[tilespmem:s20], [sflag:$0x6] =	stream.indirect.gather.add.f32 [hbm:s3], $0x80, s24, s7, $0xb8;
	[tilespmem:$0x1D000] =	vst v63  }
0x4f6: {  	s24 =	sld [smem:$0x7D1]  }
0x4f7: {  	[tilespmem:s20], [sflag:$0x6] =	stream.indirect.gather.add.f32 [hbm:s3], $0x80, s0, s7, $0xb8;
	[tilespmem:$0x1D000] =	vst v63  }
0x4f8: {  	s0 =	sld [smem:$0x7D2]  }
0x4f9: {  	[tilespmem:s20], [sflag:$0x6] =	stream.indirect.gather.add.f32 [hbm:s3], $0x80, s24, s7, $0xb8;
	[tilespmem:$0x1D000] =	vst v63  }
0x4fa: {  	s24 =	sld [smem:$0x7D3]  }
0x4fb: {  	[tilespmem:s20], [sflag:$0x6] =	stream.indirect.gather.add.f32 [hbm:s3], $0x80, s0, s7, $0xb8;
	[tilespmem:$0x1D000] =	vst v63  }
0x4fc: {  	s0 =	sld [smem:$0x7D4]  }
0x4fd: {  	[tilespmem:s20], [sflag:$0x6] =	stream.indirect.gather.add.f32 [hbm:s3], $0x80, s24, s7, $0xb8;
	[tilespmem:$0x1D000] =	vst v63  }
0x4fe: {  	s24 =	sld [smem:$0x7D5]  }
0x4ff: {  	[tilespmem:s20], [sflag:$0x6] =	stream.indirect.gather.add.f32 [hbm:s3], $0x80, s0, s7, $0xb8;
	[tilespmem:$0x1D000] =	vst v63  }
0x500: {  	s0 =	sld [smem:$0x7D6]  }
0x501: {  	[tilespmem:s20], [sflag:$0x6] =	stream.indirect.gather.add.f32 [hbm:s3], $0x80, s24, s7, $0xb8;
	[tilespmem:$0x1D000] =	vst v63  }
0x502: {  	_ = 	snop  }
0x503: {  	[tilespmem:s20], [sflag:$0x6] =	stream.indirect.gather.add.f32 [hbm:s3], $0x80, s0, s7, $0xb8;
	[tilespmem:$0x1D000] =	vst v63  }
0x504: {  	_ =	swait.ge [sflag:s13], $0x4000  }
0x505: {  	[sflag:s13] =	ssyncset.done $0x0  }
0x506: {  	[sflag:s13] =	ssyncadd.s32 $0xFFFFC000  }
0x507: {  	_ =	swait.ge [sflag:s13], $0x4000  }
0x508: {  	[sflag:s13] =	ssyncset.done $0x0  }
0x509: {  	[sflag:s13] =	ssyncadd.s32 $0xFFFFC000  }
0x50a: {  	_ =	swait.ge [sflag:s13], $0x4000  }
0x50b: {  	[sflag:s13] =	ssyncset.done $0x0  }
0x50c: {  	[sflag:s13] =	ssyncadd.s32 $0xFFFFC000  }
0x50d: {  	_ =	swait.ge [sflag:s13], $0x4000  }
0x50e: {  	[sflag:s13] =	ssyncset.done $0x0  }
0x50f: {  	[sflag:s13] =	ssyncadd.s32 $0xFFFFC000  }
0x510: {  	_ =	swait.ge [sflag:s13], $0x4000  }
0x511: {  	[sflag:s13] =	ssyncset.done $0x0  }
0x512: {  	[sflag:s13] =	ssyncadd.s32 $0xFFFFC000  }
0x513: {  	_ =	swait.ge [sflag:s13], $0x4000  }
0x514: {  	[sflag:s13] =	ssyncset.done $0x0  }
0x515: {  	[sflag:s13] =	ssyncadd.s32 $0xFFFFC000  }
0x516: {  	_ =	swait.ge [sflag:s13], $0x4000  }
0x517: {  	[sflag:s13] =	ssyncset.done $0x0  }
0x518: {  	[sflag:s13] =	ssyncadd.s32 $0xFFFFC000  }
0x519: {  	_ =	swait.ge [sflag:s13], $0x4000  }
0x51a: {  	[sflag:s13] =	ssyncset.done $0x0  }
0x51b: {  	[sflag:s13] =	ssyncadd.s32 $0xFFFFC000  }
0x51c: {  	_ =	swait.ge [sflag:s13], $0x4000  }
0x51d: {  	[sflag:s13] =	ssyncset.done $0x0  }
0x51e: {  	[sflag:s13] =	ssyncadd.s32 $0xFFFFC000  }
0x51f: {  	_ =	swait.ge [sflag:s13], $0x4000  }
0x520: {  	[sflag:s13] =	ssyncset.done $0x0  }
0x521: {  	[sflag:s13] =	ssyncadd.s32 $0xFFFFC000  }
0x522: {  	_ =	swait.ge [sflag:s13], $0x4000  }
0x523: {  	[sflag:s13] =	ssyncset.done $0x0  }
0x524: {  	[sflag:s13] =	ssyncadd.s32 $0xFFFFC000  }
0x525: {  	_ =	swait.ge [sflag:s13], $0x4000  }
0x526: {  	[sflag:s13] =	ssyncset.done $0x0  }
0x527: {  	[sflag:s13] =	ssyncadd.s32 $0xFFFFC000  }
0x528: {  	_ =	swait.ge [sflag:s13], $0x4000  }
0x529: {  	[sflag:s13] =	ssyncset.done $0x0  }
0x52a: {  	[sflag:s13] =	ssyncadd.s32 $0xFFFFC000  }
0x52b: {  	_ =	swait.ge [sflag:s13], $0x4000  }
0x52c: {  	[sflag:s13] =	ssyncset.done $0x0  }
0x52d: {  	[sflag:s13] =	ssyncadd.s32 $0xFFFFC000  }
0x52e: {  	_ =	swait.ge [sflag:s13], $0x4000  }
0x52f: {  	[sflag:s13] =	ssyncset.done $0x0  }
0x530: {  	[sflag:s13] =	ssyncadd.s32 $0xFFFFC000  }
0x531: {  	_ =	swait.ge [sflag:s13], $0x4000  }
0x532: {  	[sflag:s13] =	ssyncset.done $0x0  }
0x533: {  	[sflag:s13] =	ssyncadd.s32 $0xFFFFC000  }
0x534: {  	_ =	swait.ge [sflag:s13], $0x4000  }
0x535: {  	[sflag:s13] =	ssyncset.done $0x0  }
0x536: {  	[sflag:s13] =	ssyncadd.s32 $0xFFFFC000  }
0x537: {  	_ =	swait.ge [sflag:s13], $0x4000  }
0x538: {  	[sflag:s13] =	ssyncset.done $0x0  }
0x539: {  	[sflag:s13] =	ssyncadd.s32 $0xFFFFC000  }
0x53a: {  	_ =	swait.ge [sflag:s13], $0x4000  }
0x53b: {  	[sflag:s13] =	ssyncset.done $0x0  }
0x53c: {  	s24 =	rddreg [dreg:$0x8];
	[sflag:s13] =	ssyncadd.s32 $0xFFFFC000  }
0x53d: {  	[hbm4b:s24+s4] =	stream.linear.scatter [tilespmem:s8], [sflag:$0x7], $0x4000, $0x38;
	[tilespmem:$0x1D000] =	vst v63  }
0x53e: {  	_ =	swait.ge [sflag:s14], $0x4000  }
0x53f: {  	[sflag:s14] =	ssyncset.done $0x0  }
0x540: {  	[sflag:s14] =	ssyncadd.s32 $0xFFFFC000  }
0x541: {  	_ =	swait.ge [sflag:s14], $0x4000  }
0x542: {  	[sflag:s14] =	ssyncset.done $0x0  }
0x543: {  	[sflag:s14] =	ssyncadd.s32 $0xFFFFC000  }
0x544: {  	_ =	swait.ge [sflag:s14], $0x4000  }
0x545: {  	[sflag:s14] =	ssyncset.done $0x0  }
0x546: {  	[sflag:s14] =	ssyncadd.s32 $0xFFFFC000  }
0x547: {  	_ =	swait.ge [sflag:s14], $0x4000  }
0x548: {  	[sflag:s14] =	ssyncset.done $0x0  }
0x549: {  	[sflag:s14] =	ssyncadd.s32 $0xFFFFC000  }
0x54a: {  	_ =	swait.ge [sflag:s14], $0x4000  }
0x54b: {  	[sflag:s14] =	ssyncset.done $0x0  }
0x54c: {  	[sflag:s14] =	ssyncadd.s32 $0xFFFFC000  }
0x54d: {  	_ =	swait.ge [sflag:s14], $0x4000  }
0x54e: {  	[sflag:s14] =	ssyncset.done $0x0  }
0x54f: {  	[sflag:s14] =	ssyncadd.s32 $0xFFFFC000  }
0x550: {  	_ =	swait.ge [sflag:s14], $0x4000  }
0x551: {  	[sflag:s14] =	ssyncset.done $0x0  }
0x552: {  	[sflag:s14] =	ssyncadd.s32 $0xFFFFC000  }
0x553: {  	_ =	swait.ge [sflag:s14], $0x4000  }
0x554: {  	[sflag:s14] =	ssyncset.done $0x0  }
0x555: {  	[sflag:s14] =	ssyncadd.s32 $0xFFFFC000  }
0x556: {  	_ =	swait.ge [sflag:s14], $0x4000  }
0x557: {  	[sflag:s14] =	ssyncset.done $0x0  }
0x558: {  	[sflag:s14] =	ssyncadd.s32 $0xFFFFC000  }
0x559: {  	_ =	swait.ge [sflag:s14], $0x4000  }
0x55a: {  	[sflag:s14] =	ssyncset.done $0x0  }
0x55b: {  	[sflag:s14] =	ssyncadd.s32 $0xFFFFC000  }
0x55c: {  	_ =	swait.ge [sflag:s14], $0x4000  }
0x55d: {  	[sflag:s14] =	ssyncset.done $0x0  }
0x55e: {  	[sflag:s14] =	ssyncadd.s32 $0xFFFFC000  }
0x55f: {  	_ =	swait.ge [sflag:s14], $0x4000  }
0x560: {  	[sflag:s14] =	ssyncset.done $0x0  }
0x561: {  	[sflag:s14] =	ssyncadd.s32 $0xFFFFC000  }
0x562: {  	_ =	swait.ge [sflag:s14], $0x4000  }
0x563: {  	[sflag:s14] =	ssyncset.done $0x0  }
0x564: {  	[sflag:s14] =	ssyncadd.s32 $0xFFFFC000  }
0x565: {  	_ =	swait.ge [sflag:s14], $0x4000  }
0x566: {  	[sflag:s14] =	ssyncset.done $0x0  }
0x567: {  	[sflag:s14] =	ssyncadd.s32 $0xFFFFC000  }
0x568: {  	_ =	swait.ge [sflag:s14], $0x4000  }
0x569: {  	[sflag:s14] =	ssyncset.done $0x0  }
0x56a: {  	[sflag:s14] =	ssyncadd.s32 $0xFFFFC000  }
0x56b: {  	_ =	swait.ge [sflag:s14], $0x4000  }
0x56c: {  	[sflag:s14] =	ssyncset.done $0x0  }
0x56d: {  	[sflag:s14] =	ssyncadd.s32 $0xFFFFC000  }
0x56e: {  	_ =	swait.ge [sflag:s14], $0x4000  }
0x56f: {  	[sflag:s14] =	ssyncset.done $0x0  }
0x570: {  	[sflag:s14] =	ssyncadd.s32 $0xFFFFC000  }
0x571: {  	_ =	swait.ge [sflag:s14], $0x4000  }
0x572: {  	[sflag:s14] =	ssyncset.done $0x0  }
0x573: {  	[sflag:s14] =	ssyncadd.s32 $0xFFFFC000  }
0x574: {  	_ =	swait.ge [sflag:s14], $0x4000  }
0x575: {  	[sflag:s14] =	ssyncset.done $0x0  }
0x576: {  	s24 =	rddreg [dreg:$0x9];
	[sflag:s14] =	ssyncadd.s32 $0xFFFFC000  }
0x577: {  	[hbm4b:s24+s4] =	stream.linear.scatter [tilespmem:s9], [sflag:$0x8], $0x4000, $0x38;
	[tilespmem:$0x1D000] =	vst v63  }
0x578: {  	_ =	swait.ge [sflag:s15], $0x4000  }
0x579: {  	[sflag:s15] =	ssyncset.done $0x0  }
0x57a: {  	[sflag:s15] =	ssyncadd.s32 $0xFFFFC000  }
0x57b: {  	_ =	swait.ge [sflag:s15], $0x4000  }
0x57c: {  	[sflag:s15] =	ssyncset.done $0x0  }
0x57d: {  	[sflag:s15] =	ssyncadd.s32 $0xFFFFC000  }
0x57e: {  	_ =	swait.ge [sflag:s15], $0x4000  }
0x57f: {  	[sflag:s15] =	ssyncset.done $0x0  }
0x580: {  	[sflag:s15] =	ssyncadd.s32 $0xFFFFC000  }
0x581: {  	_ =	swait.ge [sflag:s15], $0x4000  }
0x582: {  	[sflag:s15] =	ssyncset.done $0x0  }
0x583: {  	[sflag:s15] =	ssyncadd.s32 $0xFFFFC000  }
0x584: {  	_ =	swait.ge [sflag:s15], $0x4000  }
0x585: {  	[sflag:s15] =	ssyncset.done $0x0  }
0x586: {  	[sflag:s15] =	ssyncadd.s32 $0xFFFFC000  }
0x587: {  	_ =	swait.ge [sflag:s15], $0x4000  }
0x588: {  	[sflag:s15] =	ssyncset.done $0x0  }
0x589: {  	[sflag:s15] =	ssyncadd.s32 $0xFFFFC000  }
0x58a: {  	_ =	swait.ge [sflag:s15], $0x4000  }
0x58b: {  	[sflag:s15] =	ssyncset.done $0x0  }
0x58c: {  	[sflag:s15] =	ssyncadd.s32 $0xFFFFC000  }
0x58d: {  	_ =	swait.ge [sflag:s15], $0x4000  }
0x58e: {  	[sflag:s15] =	ssyncset.done $0x0  }
0x58f: {  	[sflag:s15] =	ssyncadd.s32 $0xFFFFC000  }
0x590: {  	_ =	swait.ge [sflag:s15], $0x4000  }
0x591: {  	[sflag:s15] =	ssyncset.done $0x0  }
0x592: {  	[sflag:s15] =	ssyncadd.s32 $0xFFFFC000  }
0x593: {  	_ =	swait.ge [sflag:s15], $0x4000  }
0x594: {  	[sflag:s15] =	ssyncset.done $0x0  }
0x595: {  	[sflag:s15] =	ssyncadd.s32 $0xFFFFC000  }
0x596: {  	_ =	swait.ge [sflag:s15], $0x4000  }
0x597: {  	[sflag:s15] =	ssyncset.done $0x0  }
0x598: {  	[sflag:s15] =	ssyncadd.s32 $0xFFFFC000  }
0x599: {  	_ =	swait.ge [sflag:s15], $0x4000  }
0x59a: {  	[sflag:s15] =	ssyncset.done $0x0  }
0x59b: {  	[sflag:s15] =	ssyncadd.s32 $0xFFFFC000  }
0x59c: {  	_ =	swait.ge [sflag:s15], $0x4000  }
0x59d: {  	[sflag:s15] =	ssyncset.done $0x0  }
0x59e: {  	[sflag:s15] =	ssyncadd.s32 $0xFFFFC000  }
0x59f: {  	_ =	swait.ge [sflag:s15], $0x4000  }
0x5a0: {  	[sflag:s15] =	ssyncset.done $0x0  }
0x5a1: {  	[sflag:s15] =	ssyncadd.s32 $0xFFFFC000  }
0x5a2: {  	_ =	swait.ge [sflag:s15], $0x4000  }
0x5a3: {  	[sflag:s15] =	ssyncset.done $0x0  }
0x5a4: {  	[sflag:s15] =	ssyncadd.s32 $0xFFFFC000  }
0x5a5: {  	_ =	swait.ge [sflag:s15], $0x4000  }
0x5a6: {  	[sflag:s15] =	ssyncset.done $0x0  }
0x5a7: {  	[sflag:s15] =	ssyncadd.s32 $0xFFFFC000  }
0x5a8: {  	_ =	swait.ge [sflag:s15], $0x4000  }
0x5a9: {  	[sflag:s15] =	ssyncset.done $0x0  }
0x5aa: {  	[sflag:s15] =	ssyncadd.s32 $0xFFFFC000  }
0x5ab: {  	_ =	swait.ge [sflag:s15], $0x4000  }
0x5ac: {  	[sflag:s15] =	ssyncset.done $0x0  }
0x5ad: {  	[sflag:s15] =	ssyncadd.s32 $0xFFFFC000  }
0x5ae: {  	_ =	swait.ge [sflag:s15], $0x4000  }
0x5af: {  	[sflag:s15] =	ssyncset.done $0x0  }
0x5b0: {  	s24 =	rddreg [dreg:$0xa];
	[sflag:s15] =	ssyncadd.s32 $0xFFFFC000  }
0x5b1: {  	[hbm4b:s24+s4] =	stream.linear.scatter [tilespmem:s10], [sflag:$0x9], $0x4000, $0x38;
	[tilespmem:$0x1D000] =	vst v63  }
0x5b2: {  	_ =	swait.ge [sflag:s16], $0x4000  }
0x5b3: {  	[sflag:s16] =	ssyncset.done $0x0  }
0x5b4: {  	[sflag:s16] =	ssyncadd.s32 $0xFFFFC000  }
0x5b5: {  	_ =	swait.ge [sflag:s16], $0x4000  }
0x5b6: {  	[sflag:s16] =	ssyncset.done $0x0  }
0x5b7: {  	[sflag:s16] =	ssyncadd.s32 $0xFFFFC000  }
0x5b8: {  	_ =	swait.ge [sflag:s16], $0x4000  }
0x5b9: {  	[sflag:s16] =	ssyncset.done $0x0  }
0x5ba: {  	[sflag:s16] =	ssyncadd.s32 $0xFFFFC000  }
0x5bb: {  	_ =	swait.ge [sflag:s16], $0x4000  }
0x5bc: {  	[sflag:s16] =	ssyncset.done $0x0  }
0x5bd: {  	[sflag:s16] =	ssyncadd.s32 $0xFFFFC000  }
0x5be: {  	_ =	swait.ge [sflag:s16], $0x4000  }
0x5bf: {  	[sflag:s16] =	ssyncset.done $0x0  }
0x5c0: {  	[sflag:s16] =	ssyncadd.s32 $0xFFFFC000  }
0x5c1: {  	_ =	swait.ge [sflag:s16], $0x4000  }
0x5c2: {  	[sflag:s16] =	ssyncset.done $0x0  }
0x5c3: {  	[sflag:s16] =	ssyncadd.s32 $0xFFFFC000  }
0x5c4: {  	_ =	swait.ge [sflag:s16], $0x4000  }
0x5c5: {  	[sflag:s16] =	ssyncset.done $0x0  }
0x5c6: {  	[sflag:s16] =	ssyncadd.s32 $0xFFFFC000  }
0x5c7: {  	_ =	swait.ge [sflag:s16], $0x4000  }
0x5c8: {  	[sflag:s16] =	ssyncset.done $0x0  }
0x5c9: {  	[sflag:s16] =	ssyncadd.s32 $0xFFFFC000  }
0x5ca: {  	_ =	swait.ge [sflag:s16], $0x4000  }
0x5cb: {  	[sflag:s16] =	ssyncset.done $0x0  }
0x5cc: {  	[sflag:s16] =	ssyncadd.s32 $0xFFFFC000  }
0x5cd: {  	_ =	swait.ge [sflag:s16], $0x4000  }
0x5ce: {  	[sflag:s16] =	ssyncset.done $0x0  }
0x5cf: {  	[sflag:s16] =	ssyncadd.s32 $0xFFFFC000  }
0x5d0: {  	_ =	swait.ge [sflag:s16], $0x4000  }
0x5d1: {  	[sflag:s16] =	ssyncset.done $0x0  }
0x5d2: {  	[sflag:s16] =	ssyncadd.s32 $0xFFFFC000  }
0x5d3: {  	_ =	swait.ge [sflag:s16], $0x4000  }
0x5d4: {  	[sflag:s16] =	ssyncset.done $0x0  }
0x5d5: {  	[sflag:s16] =	ssyncadd.s32 $0xFFFFC000  }
0x5d6: {  	_ =	swait.ge [sflag:s16], $0x4000  }
0x5d7: {  	[sflag:s16] =	ssyncset.done $0x0  }
0x5d8: {  	[sflag:s16] =	ssyncadd.s32 $0xFFFFC000  }
0x5d9: {  	_ =	swait.ge [sflag:s16], $0x4000  }
0x5da: {  	[sflag:s16] =	ssyncset.done $0x0  }
0x5db: {  	[sflag:s16] =	ssyncadd.s32 $0xFFFFC000  }
0x5dc: {  	_ =	swait.ge [sflag:s16], $0x4000  }
0x5dd: {  	[sflag:s16] =	ssyncset.done $0x0  }
0x5de: {  	[sflag:s16] =	ssyncadd.s32 $0xFFFFC000  }
0x5df: {  	_ =	swait.ge [sflag:s16], $0x4000  }
0x5e0: {  	[sflag:s16] =	ssyncset.done $0x0  }
0x5e1: {  	[sflag:s16] =	ssyncadd.s32 $0xFFFFC000  }
0x5e2: {  	_ =	swait.ge [sflag:s16], $0x4000  }
0x5e3: {  	[sflag:s16] =	ssyncset.done $0x0  }
0x5e4: {  	[sflag:s16] =	ssyncadd.s32 $0xFFFFC000  }
0x5e5: {  	_ =	swait.ge [sflag:s16], $0x4000  }
0x5e6: {  	[sflag:s16] =	ssyncset.done $0x0  }
0x5e7: {  	[sflag:s16] =	ssyncadd.s32 $0xFFFFC000  }
0x5e8: {  	_ =	swait.ge [sflag:s16], $0x4000  }
0x5e9: {  	[sflag:s16] =	ssyncset.done $0x0  }
0x5ea: {  	s24 =	rddreg [dreg:$0xb];
	[sflag:s16] =	ssyncadd.s32 $0xFFFFC000  }
0x5eb: {  	[hbm4b:s24+s4] =	stream.linear.scatter [tilespmem:s11], [sflag:$0xA], $0x4000, $0x38;
	[tilespmem:$0x1D000] =	vst v63  }
0x5ec: {  	_ =	swait.ge [sflag:s22], $0x4000  }
0x5ed: {  	s24 =	sld [smem:$0x7D7]  }
0x5ee: {  	[sflag:s22] =	ssyncset.done $0x0  }
0x5ef: {  	[sflag:s22] =	ssyncadd.s32 $0xFFFFC000  }
0x5f0: {  	[tilespmem:s8], [sflag:$0x1] =	stream.indirect.gather [hbm4b:s3+s7], $0x80, s24, s7, $0xb8;
	[tilespmem:$0x1D000] =	vst v63  }
0x5f1: {  	_ =	swait.ge [sflag:s13], $0x4000  }
0x5f2: {  	s0 =	sld [smem:$0x7D8]  }
0x5f3: {  	[sflag:s13] =	ssyncset.done $0x0  }
0x5f4: {  	s24 =	sld [smem:$0x7D9];
	[sflag:s13] =	ssyncadd.s32 $0xFFFFC000  }
0x5f5: {  	[tilespmem:s8], [sflag:$0x1] =	stream.indirect.gather.add.f32 [hbm:s3], $0x80, s0, s7, $0xb8;
	[tilespmem:$0x1D000] =	vst v63  }
0x5f6: {  	s0 =	sld [smem:$0x7DA]  }
0x5f7: {  	[tilespmem:s8], [sflag:$0x1] =	stream.indirect.gather.add.f32 [hbm:s3], $0x80, s24, s7, $0xb8;
	[tilespmem:$0x1D000] =	vst v63  }
0x5f8: {  	s24 =	sld [smem:$0x7DB]  }
0x5f9: {  	[tilespmem:s8], [sflag:$0x1] =	stream.indirect.gather.add.f32 [hbm:s3], $0x80, s0, s7, $0xb8;
	[tilespmem:$0x1D000] =	vst v63  }
0x5fa: {  	s0 =	sld [smem:$0x7DC]  }
0x5fb: {  	[tilespmem:s8], [sflag:$0x1] =	stream.indirect.gather.add.f32 [hbm:s3], $0x80, s24, s7, $0xb8;
	[tilespmem:$0x1D000] =	vst v63  }
0x5fc: {  	s24 =	sld [smem:$0x7DD]  }
0x5fd: {  	[tilespmem:s8], [sflag:$0x1] =	stream.indirect.gather.add.f32 [hbm:s3], $0x80, s0, s7, $0xb8;
	[tilespmem:$0x1D000] =	vst v63  }
0x5fe: {  	s0 =	sld [smem:$0x7DE]  }
0x5ff: {  	[tilespmem:s8], [sflag:$0x1] =	stream.indirect.gather.add.f32 [hbm:s3], $0x80, s24, s7, $0xb8;
	[tilespmem:$0x1D000] =	vst v63  }
0x600: {  	s24 =	sld [smem:$0x7DF]  }
0x601: {  	[tilespmem:s8], [sflag:$0x1] =	stream.indirect.gather.add.f32 [hbm:s3], $0x80, s0, s7, $0xb8;
	[tilespmem:$0x1D000] =	vst v63  }
0x602: {  	s0 =	sld [smem:$0x7E0]  }
0x603: {  	[tilespmem:s8], [sflag:$0x1] =	stream.indirect.gather.add.f32 [hbm:s3], $0x80, s24, s7, $0xb8;
	[tilespmem:$0x1D000] =	vst v63  }
0x604: {  	s24 =	sld [smem:$0x7E1]  }
0x605: {  	[tilespmem:s8], [sflag:$0x1] =	stream.indirect.gather.add.f32 [hbm:s3], $0x80, s0, s7, $0xb8;
	[tilespmem:$0x1D000] =	vst v63  }
0x606: {  	s0 =	sld [smem:$0x7E2]  }
0x607: {  	[tilespmem:s8], [sflag:$0x1] =	stream.indirect.gather.add.f32 [hbm:s3], $0x80, s24, s7, $0xb8;
	[tilespmem:$0x1D000] =	vst v63  }
0x608: {  	s24 =	sld [smem:$0x7E3]  }
0x609: {  	[tilespmem:s8], [sflag:$0x1] =	stream.indirect.gather.add.f32 [hbm:s3], $0x80, s0, s7, $0xb8;
	[tilespmem:$0x1D000] =	vst v63  }
0x60a: {  	s0 =	sld [smem:$0x7E4]  }
0x60b: {  	[tilespmem:s8], [sflag:$0x1] =	stream.indirect.gather.add.f32 [hbm:s3], $0x80, s24, s7, $0xb8;
	[tilespmem:$0x1D000] =	vst v63  }
0x60c: {  	s24 =	sld [smem:$0x7E5]  }
0x60d: {  	[tilespmem:s8], [sflag:$0x1] =	stream.indirect.gather.add.f32 [hbm:s3], $0x80, s0, s7, $0xb8;
	[tilespmem:$0x1D000] =	vst v63  }
0x60e: {  	s0 =	sld [smem:$0x7E6]  }
0x60f: {  	[tilespmem:s8], [sflag:$0x1] =	stream.indirect.gather.add.f32 [hbm:s3], $0x80, s24, s7, $0xb8;
	[tilespmem:$0x1D000] =	vst v63  }
0x610: {  	s24 =	sld [smem:$0x7E7]  }
0x611: {  	[tilespmem:s8], [sflag:$0x1] =	stream.indirect.gather.add.f32 [hbm:s3], $0x80, s0, s7, $0xb8;
	[tilespmem:$0x1D000] =	vst v63  }
0x612: {  	s0 =	sld [smem:$0x7E8]  }
0x613: {  	[tilespmem:s8], [sflag:$0x1] =	stream.indirect.gather.add.f32 [hbm:s3], $0x80, s24, s7, $0xb8;
	[tilespmem:$0x1D000] =	vst v63  }
0x614: {  	s24 =	sld [smem:$0x7E9]  }
0x615: {  	[tilespmem:s8], [sflag:$0x1] =	stream.indirect.gather.add.f32 [hbm:s3], $0x80, s0, s7, $0xb8;
	[tilespmem:$0x1D000] =	vst v63  }
0x616: {  	s0 =	sld [smem:$0x7EA]  }
0x617: {  	[tilespmem:s8], [sflag:$0x1] =	stream.indirect.gather.add.f32 [hbm:s3], $0x80, s24, s7, $0xb8;
	[tilespmem:$0x1D000] =	vst v63  }
0x618: {  	_ = 	snop  }
0x619: {  	[tilespmem:s8], [sflag:$0x1] =	stream.indirect.gather.add.f32 [hbm:s3], $0x80, s0, s7, $0xb8;
	[tilespmem:$0x1D000] =	vst v63  }
0x61a: {  	_ =	swait.ge [sflag:s23], $0x4000  }
0x61b: {  	s24 =	sld [smem:$0x7EB]  }
0x61c: {  	[sflag:s23] =	ssyncset.done $0x0  }
0x61d: {  	[sflag:s23] =	ssyncadd.s32 $0xFFFFC000  }
0x61e: {  	[tilespmem:s9], [sflag:$0x2] =	stream.indirect.gather [hbm4b:s3+s7], $0x80, s24, s7, $0xb8;
	[tilespmem:$0x1D000] =	vst v63  }
0x61f: {  	_ =	swait.ge [sflag:s14], $0x4000  }
0x620: {  	s0 =	sld [smem:$0x7EC]  }
0x621: {  	[sflag:s14] =	ssyncset.done $0x0  }
0x622: {  	s24 =	sld [smem:$0x7ED];
	[sflag:s14] =	ssyncadd.s32 $0xFFFFC000  }
0x623: {  	[tilespmem:s9], [sflag:$0x2] =	stream.indirect.gather.add.f32 [hbm:s3], $0x80, s0, s7, $0xb8;
	[tilespmem:$0x1D000] =	vst v63  }
0x624: {  	s0 =	sld [smem:$0x7EE]  }
0x625: {  	[tilespmem:s9], [sflag:$0x2] =	stream.indirect.gather.add.f32 [hbm:s3], $0x80, s24, s7, $0xb8;
	[tilespmem:$0x1D000] =	vst v63  }
0x626: {  	s24 =	sld [smem:$0x7EF]  }
0x627: {  	[tilespmem:s9], [sflag:$0x2] =	stream.indirect.gather.add.f32 [hbm:s3], $0x80, s0, s7, $0xb8;
	[tilespmem:$0x1D000] =	vst v63  }
0x628: {  	s0 =	sld [smem:$0x7F0]  }
0x629: {  	[tilespmem:s9], [sflag:$0x2] =	stream.indirect.gather.add.f32 [hbm:s3], $0x80, s24, s7, $0xb8;
	[tilespmem:$0x1D000] =	vst v63  }
0x62a: {  	s24 =	sld [smem:$0x7F1]  }
0x62b: {  	[tilespmem:s9], [sflag:$0x2] =	stream.indirect.gather.add.f32 [hbm:s3], $0x80, s0, s7, $0xb8;
	[tilespmem:$0x1D000] =	vst v63  }
0x62c: {  	s0 =	sld [smem:$0x7F2]  }
0x62d: {  	[tilespmem:s9], [sflag:$0x2] =	stream.indirect.gather.add.f32 [hbm:s3], $0x80, s24, s7, $0xb8;
	[tilespmem:$0x1D000] =	vst v63  }
0x62e: {  	s24 =	sld [smem:$0x7F3]  }
0x62f: {  	[tilespmem:s9], [sflag:$0x2] =	stream.indirect.gather.add.f32 [hbm:s3], $0x80, s0, s7, $0xb8;
	[tilespmem:$0x1D000] =	vst v63  }
0x630: {  	s0 =	sld [smem:$0x7F4]  }
0x631: {  	[tilespmem:s9], [sflag:$0x2] =	stream.indirect.gather.add.f32 [hbm:s3], $0x80, s24, s7, $0xb8;
	[tilespmem:$0x1D000] =	vst v63  }
0x632: {  	s24 =	sld [smem:$0x7F5]  }
0x633: {  	[tilespmem:s9], [sflag:$0x2] =	stream.indirect.gather.add.f32 [hbm:s3], $0x80, s0, s7, $0xb8;
	[tilespmem:$0x1D000] =	vst v63  }
0x634: {  	s0 =	sld [smem:$0x7F6]  }
0x635: {  	[tilespmem:s9], [sflag:$0x2] =	stream.indirect.gather.add.f32 [hbm:s3], $0x80, s24, s7, $0xb8;
	[tilespmem:$0x1D000] =	vst v63  }
0x636: {  	s24 =	sld [smem:$0x7F7]  }
0x637: {  	[tilespmem:s9], [sflag:$0x2] =	stream.indirect.gather.add.f32 [hbm:s3], $0x80, s0, s7, $0xb8;
	[tilespmem:$0x1D000] =	vst v63  }
0x638: {  	s0 =	sld [smem:$0x7F8]  }
0x639: {  	[tilespmem:s9], [sflag:$0x2] =	stream.indirect.gather.add.f32 [hbm:s3], $0x80, s24, s7, $0xb8;
	[tilespmem:$0x1D000] =	vst v63  }
0x63a: {  	s24 =	sld [smem:$0x7F9]  }
0x63b: {  	[tilespmem:s9], [sflag:$0x2] =	stream.indirect.gather.add.f32 [hbm:s3], $0x80, s0, s7, $0xb8;
	[tilespmem:$0x1D000] =	vst v63  }
0x63c: {  	s0 =	sld [smem:$0x7FA]  }
0x63d: {  	[tilespmem:s9], [sflag:$0x2] =	stream.indirect.gather.add.f32 [hbm:s3], $0x80, s24, s7, $0xb8;
	[tilespmem:$0x1D000] =	vst v63  }
0x63e: {  	s24 =	sld [smem:$0x7FB]  }
0x63f: {  	[tilespmem:s9], [sflag:$0x2] =	stream.indirect.gather.add.f32 [hbm:s3], $0x80, s0, s7, $0xb8;
	[tilespmem:$0x1D000] =	vst v63  }
0x640: {  	s0 =	sld [smem:$0x7FC]  }
0x641: {  	[tilespmem:s9], [sflag:$0x2] =	stream.indirect.gather.add.f32 [hbm:s3], $0x80, s24, s7, $0xb8;
	[tilespmem:$0x1D000] =	vst v63  }
0x642: {  	s24 =	sld [smem:$0x7FD]  }
0x643: {  	[tilespmem:s9], [sflag:$0x2] =	stream.indirect.gather.add.f32 [hbm:s3], $0x80, s0, s7, $0xb8;
	[tilespmem:$0x1D000] =	vst v63  }
0x644: {  	_ = 	snop  }
0x645: {  	[tilespmem:s9], [sflag:$0x2] =	stream.indirect.gather.add.f32 [hbm:s3], $0x80, s24, s7, $0xb8;
	[tilespmem:$0x1D000] =	vst v63  }
0x646: {  	s24 =	simm.s32 $0x4F80  }
0x647: {  	[tilespmem:s9], [sflag:$0x2] =	stream.indirect.gather.add.f32 [hbm:s3], $0x80, s24, s7, $0xb8;
	[tilespmem:$0x1D000] =	vst v63  }
0x648: {  	_ =	swait.ge [sflag:s19], $0x4000  }
0x649: {  	[sflag:s19] =	ssyncset.done $0x0  }
0x64a: {  	[sflag:s19] =	ssyncadd.s32 $0xFFFFC000  }
0x64b: {  	_ =	swait.ge [sflag:s19], $0x4000  }
0x64c: {  	[sflag:s19] =	ssyncset.done $0x0  }
0x64d: {  	[sflag:s19] =	ssyncadd.s32 $0xFFFFC000  }
0x64e: {  	_ =	swait.ge [sflag:s19], $0x4000  }
0x64f: {  	[sflag:s19] =	ssyncset.done $0x0  }
0x650: {  	[sflag:s19] =	ssyncadd.s32 $0xFFFFC000  }
0x651: {  	_ =	swait.ge [sflag:s19], $0x4000  }
0x652: {  	[sflag:s19] =	ssyncset.done $0x0  }
0x653: {  	[sflag:s19] =	ssyncadd.s32 $0xFFFFC000  }
0x654: {  	_ =	swait.ge [sflag:s19], $0x4000  }
0x655: {  	[sflag:s19] =	ssyncset.done $0x0  }
0x656: {  	[sflag:s19] =	ssyncadd.s32 $0xFFFFC000  }
0x657: {  	_ =	swait.ge [sflag:s19], $0x4000  }
0x658: {  	[sflag:s19] =	ssyncset.done $0x0  }
0x659: {  	[sflag:s19] =	ssyncadd.s32 $0xFFFFC000  }
0x65a: {  	_ =	swait.ge [sflag:s19], $0x4000  }
0x65b: {  	[sflag:s19] =	ssyncset.done $0x0  }
0x65c: {  	[sflag:s19] =	ssyncadd.s32 $0xFFFFC000  }
0x65d: {  	_ =	swait.ge [sflag:s19], $0x4000  }
0x65e: {  	[sflag:s19] =	ssyncset.done $0x0  }
0x65f: {  	[sflag:s19] =	ssyncadd.s32 $0xFFFFC000  }
0x660: {  	_ =	swait.ge [sflag:s19], $0x4000  }
0x661: {  	[sflag:s19] =	ssyncset.done $0x0  }
0x662: {  	[sflag:s19] =	ssyncadd.s32 $0xFFFFC000  }
0x663: {  	_ =	swait.ge [sflag:s19], $0x4000  }
0x664: {  	[sflag:s19] =	ssyncset.done $0x0  }
0x665: {  	[sflag:s19] =	ssyncadd.s32 $0xFFFFC000  }
0x666: {  	_ =	swait.ge [sflag:s19], $0x4000  }
0x667: {  	[sflag:s19] =	ssyncset.done $0x0  }
0x668: {  	[sflag:s19] =	ssyncadd.s32 $0xFFFFC000  }
0x669: {  	_ =	swait.ge [sflag:s19], $0x4000  }
0x66a: {  	[sflag:s19] =	ssyncset.done $0x0  }
0x66b: {  	[sflag:s19] =	ssyncadd.s32 $0xFFFFC000  }
0x66c: {  	_ =	swait.ge [sflag:s19], $0x4000  }
0x66d: {  	[sflag:s19] =	ssyncset.done $0x0  }
0x66e: {  	[sflag:s19] =	ssyncadd.s32 $0xFFFFC000  }
0x66f: {  	_ =	swait.ge [sflag:s19], $0x4000  }
0x670: {  	[sflag:s19] =	ssyncset.done $0x0  }
0x671: {  	[sflag:s19] =	ssyncadd.s32 $0xFFFFC000  }
0x672: {  	_ =	swait.ge [sflag:s19], $0x4000  }
0x673: {  	[sflag:s19] =	ssyncset.done $0x0  }
0x674: {  	[sflag:s19] =	ssyncadd.s32 $0xFFFFC000  }
0x675: {  	_ =	swait.ge [sflag:s19], $0x4000  }
0x676: {  	[sflag:s19] =	ssyncset.done $0x0  }
0x677: {  	[sflag:s19] =	ssyncadd.s32 $0xFFFFC000  }
0x678: {  	_ =	swait.ge [sflag:s19], $0x4000  }
0x679: {  	[sflag:s19] =	ssyncset.done $0x0  }
0x67a: {  	[sflag:s19] =	ssyncadd.s32 $0xFFFFC000  }
0x67b: {  	_ =	swait.ge [sflag:s19], $0x4000  }
0x67c: {  	[sflag:s19] =	ssyncset.done $0x0  }
0x67d: {  	[sflag:s19] =	ssyncadd.s32 $0xFFFFC000  }
0x67e: {  	_ =	swait.ge [sflag:s19], $0x4000  }
0x67f: {  	[sflag:s19] =	ssyncset.done $0x0  }
0x680: {  	s24 =	rddreg [dreg:$0xc];
	[sflag:s19] =	ssyncadd.s32 $0xFFFFC000  }
0x681: {  	[hbm4b:s24+s4] =	stream.linear.scatter [tilespmem:s18], [sflag:$0xB], $0x4000, $0x38;
	[tilespmem:$0x1D000] =	vst v63  }
0x682: {  	_ =	swait.ge [sflag:s21], $0x4000  }
0x683: {  	[sflag:s21] =	ssyncset.done $0x0  }
0x684: {  	[sflag:s21] =	ssyncadd.s32 $0xFFFFC000  }
0x685: {  	_ =	swait.ge [sflag:s21], $0x4000  }
0x686: {  	[sflag:s21] =	ssyncset.done $0x0  }
0x687: {  	[sflag:s21] =	ssyncadd.s32 $0xFFFFC000  }
0x688: {  	_ =	swait.ge [sflag:s21], $0x4000  }
0x689: {  	[sflag:s21] =	ssyncset.done $0x0  }
0x68a: {  	[sflag:s21] =	ssyncadd.s32 $0xFFFFC000  }
0x68b: {  	_ =	swait.ge [sflag:s21], $0x4000  }
0x68c: {  	[sflag:s21] =	ssyncset.done $0x0  }
0x68d: {  	[sflag:s21] =	ssyncadd.s32 $0xFFFFC000  }
0x68e: {  	_ =	swait.ge [sflag:s21], $0x4000  }
0x68f: {  	[sflag:s21] =	ssyncset.done $0x0  }
0x690: {  	[sflag:s21] =	ssyncadd.s32 $0xFFFFC000  }
0x691: {  	_ =	swait.ge [sflag:s21], $0x4000  }
0x692: {  	[sflag:s21] =	ssyncset.done $0x0  }
0x693: {  	[sflag:s21] =	ssyncadd.s32 $0xFFFFC000  }
0x694: {  	_ =	swait.ge [sflag:s21], $0x4000  }
0x695: {  	[sflag:s21] =	ssyncset.done $0x0  }
0x696: {  	[sflag:s21] =	ssyncadd.s32 $0xFFFFC000  }
0x697: {  	_ =	swait.ge [sflag:s21], $0x4000  }
0x698: {  	[sflag:s21] =	ssyncset.done $0x0  }
0x699: {  	[sflag:s21] =	ssyncadd.s32 $0xFFFFC000  }
0x69a: {  	_ =	swait.ge [sflag:s21], $0x4000  }
0x69b: {  	[sflag:s21] =	ssyncset.done $0x0  }
0x69c: {  	[sflag:s21] =	ssyncadd.s32 $0xFFFFC000  }
0x69d: {  	_ =	swait.ge [sflag:s21], $0x4000  }
0x69e: {  	[sflag:s21] =	ssyncset.done $0x0  }
0x69f: {  	[sflag:s21] =	ssyncadd.s32 $0xFFFFC000  }
0x6a0: {  	_ =	swait.ge [sflag:s21], $0x4000  }
0x6a1: {  	[sflag:s21] =	ssyncset.done $0x0  }
0x6a2: {  	[sflag:s21] =	ssyncadd.s32 $0xFFFFC000  }
0x6a3: {  	_ =	swait.ge [sflag:s21], $0x4000  }
0x6a4: {  	[sflag:s21] =	ssyncset.done $0x0  }
0x6a5: {  	[sflag:s21] =	ssyncadd.s32 $0xFFFFC000  }
0x6a6: {  	_ =	swait.ge [sflag:s21], $0x4000  }
0x6a7: {  	[sflag:s21] =	ssyncset.done $0x0  }
0x6a8: {  	[sflag:s21] =	ssyncadd.s32 $0xFFFFC000  }
0x6a9: {  	_ =	swait.ge [sflag:s21], $0x4000  }
0x6aa: {  	[sflag:s21] =	ssyncset.done $0x0  }
0x6ab: {  	[sflag:s21] =	ssyncadd.s32 $0xFFFFC000  }
0x6ac: {  	_ =	swait.ge [sflag:s21], $0x4000  }
0x6ad: {  	[sflag:s21] =	ssyncset.done $0x0  }
0x6ae: {  	[sflag:s21] =	ssyncadd.s32 $0xFFFFC000  }
0x6af: {  	_ =	swait.ge [sflag:s21], $0x4000  }
0x6b0: {  	[sflag:s21] =	ssyncset.done $0x0  }
0x6b1: {  	[sflag:s21] =	ssyncadd.s32 $0xFFFFC000  }
0x6b2: {  	_ =	swait.ge [sflag:s21], $0x4000  }
0x6b3: {  	[sflag:s21] =	ssyncset.done $0x0  }
0x6b4: {  	[sflag:s21] =	ssyncadd.s32 $0xFFFFC000  }
0x6b5: {  	_ =	swait.ge [sflag:s21], $0x4000  }
0x6b6: {  	[sflag:s21] =	ssyncset.done $0x0  }
0x6b7: {  	[sflag:s21] =	ssyncadd.s32 $0xFFFFC000  }
0x6b8: {  	_ =	swait.ge [sflag:s21], $0x4000  }
0x6b9: {  	[sflag:s21] =	ssyncset.done $0x0  }
0x6ba: {  	s24 =	rddreg [dreg:$0xd];
	[sflag:s21] =	ssyncadd.s32 $0xFFFFC000  }
0x6bb: {  	[hbm4b:s24+s4] =	stream.linear.scatter [tilespmem:s20], [sflag:$0xC], $0x4000, $0x38;
	[tilespmem:$0x1D000] =	vst v63  }
0x6bc: {  	_ =	swait.ge [sflag:s13], $0x4000  }
0x6bd: {  	[sflag:s13] =	ssyncset.done $0x0  }
0x6be: {  	[sflag:s13] =	ssyncadd.s32 $0xFFFFC000  }
0x6bf: {  	_ =	swait.ge [sflag:s13], $0x4000  }
0x6c0: {  	[sflag:s13] =	ssyncset.done $0x0  }
0x6c1: {  	[sflag:s13] =	ssyncadd.s32 $0xFFFFC000  }
0x6c2: {  	_ =	swait.ge [sflag:s13], $0x4000  }
0x6c3: {  	[sflag:s13] =	ssyncset.done $0x0  }
0x6c4: {  	[sflag:s13] =	ssyncadd.s32 $0xFFFFC000  }
0x6c5: {  	_ =	swait.ge [sflag:s13], $0x4000  }
0x6c6: {  	[sflag:s13] =	ssyncset.done $0x0  }
0x6c7: {  	[sflag:s13] =	ssyncadd.s32 $0xFFFFC000  }
0x6c8: {  	_ =	swait.ge [sflag:s13], $0x4000  }
0x6c9: {  	[sflag:s13] =	ssyncset.done $0x0  }
0x6ca: {  	[sflag:s13] =	ssyncadd.s32 $0xFFFFC000  }
0x6cb: {  	_ =	swait.ge [sflag:s13], $0x4000  }
0x6cc: {  	[sflag:s13] =	ssyncset.done $0x0  }
0x6cd: {  	[sflag:s13] =	ssyncadd.s32 $0xFFFFC000  }
0x6ce: {  	_ =	swait.ge [sflag:s13], $0x4000  }
0x6cf: {  	[sflag:s13] =	ssyncset.done $0x0  }
0x6d0: {  	[sflag:s13] =	ssyncadd.s32 $0xFFFFC000  }
0x6d1: {  	_ =	swait.ge [sflag:s13], $0x4000  }
0x6d2: {  	[sflag:s13] =	ssyncset.done $0x0  }
0x6d3: {  	[sflag:s13] =	ssyncadd.s32 $0xFFFFC000  }
0x6d4: {  	_ =	swait.ge [sflag:s13], $0x4000  }
0x6d5: {  	[sflag:s13] =	ssyncset.done $0x0  }
0x6d6: {  	[sflag:s13] =	ssyncadd.s32 $0xFFFFC000  }
0x6d7: {  	_ =	swait.ge [sflag:s13], $0x4000  }
0x6d8: {  	[sflag:s13] =	ssyncset.done $0x0  }
0x6d9: {  	[sflag:s13] =	ssyncadd.s32 $0xFFFFC000  }
0x6da: {  	_ =	swait.ge [sflag:s13], $0x4000  }
0x6db: {  	[sflag:s13] =	ssyncset.done $0x0  }
0x6dc: {  	[sflag:s13] =	ssyncadd.s32 $0xFFFFC000  }
0x6dd: {  	_ =	swait.ge [sflag:s13], $0x4000  }
0x6de: {  	[sflag:s13] =	ssyncset.done $0x0  }
0x6df: {  	[sflag:s13] =	ssyncadd.s32 $0xFFFFC000  }
0x6e0: {  	_ =	swait.ge [sflag:s13], $0x4000  }
0x6e1: {  	[sflag:s13] =	ssyncset.done $0x0  }
0x6e2: {  	[sflag:s13] =	ssyncadd.s32 $0xFFFFC000  }
0x6e3: {  	_ =	swait.ge [sflag:s13], $0x4000  }
0x6e4: {  	[sflag:s13] =	ssyncset.done $0x0  }
0x6e5: {  	[sflag:s13] =	ssyncadd.s32 $0xFFFFC000  }
0x6e6: {  	_ =	swait.ge [sflag:s13], $0x4000  }
0x6e7: {  	[sflag:s13] =	ssyncset.done $0x0  }
0x6e8: {  	[sflag:s13] =	ssyncadd.s32 $0xFFFFC000  }
0x6e9: {  	_ =	swait.ge [sflag:s13], $0x4000  }
0x6ea: {  	[sflag:s13] =	ssyncset.done $0x0  }
0x6eb: {  	[sflag:s13] =	ssyncadd.s32 $0xFFFFC000  }
0x6ec: {  	_ =	swait.ge [sflag:s13], $0x4000  }
0x6ed: {  	[sflag:s13] =	ssyncset.done $0x0  }
0x6ee: {  	[sflag:s13] =	ssyncadd.s32 $0xFFFFC000  }
0x6ef: {  	_ =	swait.ge [sflag:s13], $0x4000  }
0x6f0: {  	[sflag:s13] =	ssyncset.done $0x0  }
0x6f1: {  	[sflag:s13] =	ssyncadd.s32 $0xFFFFC000  }
0x6f2: {  	_ =	swait.ge [sflag:s13], $0x4000  }
0x6f3: {  	[sflag:s13] =	ssyncset.done $0x0  }
0x6f4: {  	s24 =	rddreg [dreg:$0xe];
	[sflag:s13] =	ssyncadd.s32 $0xFFFFC000  }
0x6f5: {  	[hbm4b:s24+s4] =	stream.linear.scatter [tilespmem:s8], [sflag:$0xD], $0x4000, $0x38;
	[tilespmem:$0x1D000] =	vst v63  }
0x6f6: {  	_ =	swait.ge [sflag:s14], $0x4000  }
0x6f7: {  	[sflag:s14] =	ssyncset.done $0x0  }
0x6f8: {  	[sflag:s14] =	ssyncadd.s32 $0xFFFFC000  }
0x6f9: {  	_ =	swait.ge [sflag:s14], $0x4000  }
0x6fa: {  	[sflag:s14] =	ssyncset.done $0x0  }
0x6fb: {  	[sflag:s14] =	ssyncadd.s32 $0xFFFFC000  }
0x6fc: {  	_ =	swait.ge [sflag:s14], $0x4000  }
0x6fd: {  	[sflag:s14] =	ssyncset.done $0x0  }
0x6fe: {  	[sflag:s14] =	ssyncadd.s32 $0xFFFFC000  }
0x6ff: {  	_ =	swait.ge [sflag:s14], $0x4000  }
0x700: {  	[sflag:s14] =	ssyncset.done $0x0  }
0x701: {  	[sflag:s14] =	ssyncadd.s32 $0xFFFFC000  }
0x702: {  	_ =	swait.ge [sflag:s14], $0x4000  }
0x703: {  	[sflag:s14] =	ssyncset.done $0x0  }
0x704: {  	[sflag:s14] =	ssyncadd.s32 $0xFFFFC000  }
0x705: {  	_ =	swait.ge [sflag:s14], $0x4000  }
0x706: {  	[sflag:s14] =	ssyncset.done $0x0  }
0x707: {  	[sflag:s14] =	ssyncadd.s32 $0xFFFFC000  }
0x708: {  	_ =	swait.ge [sflag:s14], $0x4000  }
0x709: {  	[sflag:s14] =	ssyncset.done $0x0  }
0x70a: {  	[sflag:s14] =	ssyncadd.s32 $0xFFFFC000  }
0x70b: {  	_ =	swait.ge [sflag:s14], $0x4000  }
0x70c: {  	[sflag:s14] =	ssyncset.done $0x0  }
0x70d: {  	[sflag:s14] =	ssyncadd.s32 $0xFFFFC000  }
0x70e: {  	_ =	swait.ge [sflag:s14], $0x4000  }
0x70f: {  	[sflag:s14] =	ssyncset.done $0x0  }
0x710: {  	[sflag:s14] =	ssyncadd.s32 $0xFFFFC000  }
0x711: {  	_ =	swait.ge [sflag:s14], $0x4000  }
0x712: {  	[sflag:s14] =	ssyncset.done $0x0  }
0x713: {  	[sflag:s14] =	ssyncadd.s32 $0xFFFFC000  }
0x714: {  	_ =	swait.ge [sflag:s14], $0x4000  }
0x715: {  	[sflag:s14] =	ssyncset.done $0x0  }
0x716: {  	[sflag:s14] =	ssyncadd.s32 $0xFFFFC000  }
0x717: {  	_ =	swait.ge [sflag:s14], $0x4000  }
0x718: {  	[sflag:s14] =	ssyncset.done $0x0  }
0x719: {  	[sflag:s14] =	ssyncadd.s32 $0xFFFFC000  }
0x71a: {  	_ =	swait.ge [sflag:s14], $0x4000  }
0x71b: {  	[sflag:s14] =	ssyncset.done $0x0  }
0x71c: {  	[sflag:s14] =	ssyncadd.s32 $0xFFFFC000  }
0x71d: {  	_ =	swait.ge [sflag:s14], $0x4000  }
0x71e: {  	[sflag:s14] =	ssyncset.done $0x0  }
0x71f: {  	[sflag:s14] =	ssyncadd.s32 $0xFFFFC000  }
0x720: {  	_ =	swait.ge [sflag:s14], $0x4000  }
0x721: {  	[sflag:s14] =	ssyncset.done $0x0  }
0x722: {  	[sflag:s14] =	ssyncadd.s32 $0xFFFFC000  }
0x723: {  	_ =	swait.ge [sflag:s14], $0x4000  }
0x724: {  	[sflag:s14] =	ssyncset.done $0x0  }
0x725: {  	[sflag:s14] =	ssyncadd.s32 $0xFFFFC000  }
0x726: {  	_ =	swait.ge [sflag:s14], $0x4000  }
0x727: {  	[sflag:s14] =	ssyncset.done $0x0  }
0x728: {  	[sflag:s14] =	ssyncadd.s32 $0xFFFFC000  }
0x729: {  	_ =	swait.ge [sflag:s14], $0x4000  }
0x72a: {  	[sflag:s14] =	ssyncset.done $0x0  }
0x72b: {  	[sflag:s14] =	ssyncadd.s32 $0xFFFFC000  }
0x72c: {  	_ =	swait.ge [sflag:s14], $0x4000  }
0x72d: {  	[sflag:s14] =	ssyncset.done $0x0  }
0x72e: {  	s24 =	rddreg [dreg:$0xf];
	[sflag:s14] =	ssyncadd.s32 $0xFFFFC000  }
0x72f: {  	[hbm4b:s24+s4] =	stream.linear.scatter [tilespmem:s9], [sflag:$0xE], $0x4000, $0x38;
	[tilespmem:$0x1D000] =	vst v63  }
0x730: {  	_ =	swait.ge [sflag:s25], $0x4000  }
0x731: {  	[sflag:s25] =	ssyncset.done $0x0  }
0x732: {  	[sflag:s25] =	ssyncadd.s32 $0xFFFFC000  }
0x733: {  	_ =	swait.ge [sflag:s26], $0x4000  }
0x734: {  	[sflag:s26] =	ssyncset.done $0x0  }
0x735: {  	[sflag:s26] =	ssyncadd.s32 $0xFFFFC000  }
0x736: {  	_ =	swait.ge [sflag:s28], $0x4000  }
0x737: {  	[sflag:s28] =	ssyncset.done $0x0  }
0x738: {  	[sflag:s28] =	ssyncadd.s32 $0xFFFFC000  }
0x739: {  	_ =	swait.ge [sflag:s29], $0x4000  }
0x73a: {  	[sflag:s29] =	ssyncset.done $0x0  }
0x73b: {  	p0 =	sne.s32 s1, $0x1;
	[sflag:s29] =	ssyncadd.s32 $0xFFFFC000  }
.Ltmp1:
0x73c: {  	_ =	swait.ge [sflag:s30], $0x4000;
	(pc) =	sbr.rel @p0 .LBB2_1-.Ltmp1, $4  }
0x73d: {  	[sflag:s30] =	ssyncset.done $0x0  }
0x73e: {  	[sflag:s30] =	ssyncadd.s32 $0xFFFFC000  }
0x73f: {  	_ =	swait.ge [sflag:s31], $0x4000  }
0x740: {  	s1 =	sadd.s32 $0xFFFFFFFF, s1;
	[sflag:s31] =	ssyncset.done $0x0  }
.LBB2_2:
0x741: {  	[sflag:s31] =	ssyncadd.s32 $0xFFFFC000  }
0x742: {  	_ =	sfence.sel $0x180000  }
0x743: {  	[bflag:$0x0] =	sbarrier.arrive $0xFFFF  }
0x744: {  	_ =	strace $0x90000047  }
0x745: {  	s0 =	stileid.u32;
	[bflag:$0x2] =	sbarrier.arrive $0xFFFF  }
0x746: {  	p0 =	sne.s32 s0, $0x0;
	s0 =	rddreg [dreg:$0x5]  }
0x747: {  	s0 =	sadd.s32 @!p0 $0x100000, s0  }
0x748: {  	[sflag:s0] =	ssyncadd.tile.s32 @!p0 $0x1;
	_ =	shalt  }
.Lfunc_end2:
_tile_overlayer_lowered:
.L_overlay_start_2:
0x749: {  	(tag) =	ssettag $0x2  }
0x74a: {  	s0 =	rddreg [dreg:$0x0];
	s2 =	stileid.u32  }
0x74b: {  	s1 =	rddreg [dreg:$0x1];
	p0 =	sne.s32 s2, $0x0  }
0x74c: {  	s3 =	rddreg [dreg:$0x2];
	[bflag:$0x3] =	sbarrier.arrive $0xFFFF;
	s2 =	simm.s32 @!p0 $0x1C0F  }
0x74d: {  	[timem:s3], [sflag:s2] =	dma.local @!p0 [hbm:s0], s1  }
0x74e: {  	s0 =	simm.s32 @!p0 $0xF  }
0x74f: {  	_ =	swait.ge @!p0 [sflag:s0], s1  }
0x750: {  	s1 =	ssub.s32 @!p0 $0x0, s1;
	[sflag:s0] =	ssyncset.done @!p0 $0x0  }
0x751: {  	[sflag:s0] =	ssyncadd.s32 @!p0 s1  }
0x752: {  	[bflag:$0x3] =	sbarrier.arrive $0xFFFF  }
0x753: {  	_ =	shalt  }

</sc_bundles>
